<compile_context>
chip_gen: v7x
topology: tpu7x:2x2x1
jax: 0.10.2.dev20260603
libtpu: 0.0.44.dev20260713+nightly
codegen_flags: <defaults>
</compile_context>

<pallas_src>
import jax
import jax.numpy as jnp
from jax import lax
from jax.experimental import pallas as pl
from jax.experimental.pallas import tpu as pltpu
from jax.experimental.pallas import tpu_sc as plsc

VOCAB = 1000000
D = 32
B = 16384
L = 50
LP = 64

NC = 2
NS = 16
NW = NC * NS
BW = B // NW
C = 32
CHUNKS = BW // C
CL = C * L
CLP = C * LP


def _sc_body(user_id_hbm, hist_hbm, mask_hbm, item_id_hbm,
             user_table_hbm, item_table_hbm, out_hbm,
             uidx_v, iidx_v, ub0_v, ub1_v, ib0_v, ib1_v,
             hidx0_v, hidx1_v, mask0_v, mask1_v,
             rows0_v, rows1_v, out0_v, out1_v,
             sem_g0, sem_g1, sem_p0, sem_p1, sem_o0, sem_o1):
    wid = lax.axis_index("s") * NC + lax.axis_index("c")
    base = pl.multiple_of(wid * BW, BW)
    ub_b = (ub0_v, ub1_v)
    ib_b = (ib0_v, ib1_v)
    hidx_b = (hidx0_v, hidx1_v)
    mask_b = (mask0_v, mask1_v)
    rows_b = (rows0_v, rows1_v)
    out_b = (out0_v, out1_v)
    sem_g = (sem_g0, sem_g1)
    sem_p = (sem_p0, sem_p1)
    sem_o = (sem_o0, sem_o1)

    pltpu.sync_copy(user_id_hbm.at[pl.ds(base, BW)], uidx_v)
    pltpu.sync_copy(item_id_hbm.at[pl.ds(base, BW)], iidx_v)

    def idx_copies(t, p):
        r0 = pl.multiple_of(base * L, BW * L) + t * CL
        m0 = pl.multiple_of(base * LP, BW * LP) + t * CLP
        return (pltpu.make_async_copy(hist_hbm.at[pl.ds(r0, CL)],
                                      hidx_b[p], sem_p[p]),
                pltpu.make_async_copy(mask_hbm.at[pl.ds(m0, CLP)],
                                      mask_b[p], sem_p[p]))

    def gathers(t, p):
        return (pltpu.make_async_copy(item_table_hbm.at[hidx_b[p]],
                                      rows_b[p], sem_g[p]),
                pltpu.make_async_copy(
                    user_table_hbm.at[uidx_v.at[pl.ds(t * C, C)]],
                    ub_b[p], sem_g[p]),
                pltpu.make_async_copy(
                    item_table_hbm.at[iidx_v.at[pl.ds(t * C, C)]],
                    ib_b[p], sem_g[p]))

    def out_copy(t, p):
        return pltpu.make_async_copy(
            out_b[p], out_hbm.at[pl.ds(base + t * C, C), :], sem_o[p])

    for cp in idx_copies(0, 0):
        cp.start()
    for cp in idx_copies(0, 0):
        cp.wait()
    for cp in gathers(0, 0):
        cp.start()
    for cp in idx_copies(1, 1):
        cp.start()

    def compute_chunk(t, p):
        rows_v, mask_v, out_v = rows_b[p], mask_b[p], out_b[p]
        ub_v, ib_v = ub_b[p], ib_b[p]

        def b_body(b, _):
            r0 = b * L
            mv = [mask_v[pl.ds(b * LP + 16 * k, 16)] for k in range(4)]
            acc = [jnp.zeros((16,), jnp.float32) for _ in range(8)]
            for l in range(L):
                m = mv[l // 16][l % 16]
                k = l % 4
                acc[2 * k] += m * rows_v[r0 + l, pl.ds(0, 16)]
                acc[2 * k + 1] += m * rows_v[r0 + l, pl.ds(16, 16)]
            scale = jnp.float32(1.0 / L)
            lo = (acc[0] + acc[2]) + (acc[4] + acc[6])
            hi = (acc[1] + acc[3]) + (acc[5] + acc[7])
            out_v[b, pl.ds(0, 16)] = ub_v[b, pl.ds(0, 16)]
            out_v[b, pl.ds(16, 16)] = ub_v[b, pl.ds(16, 16)]
            out_v[b, pl.ds(D, 16)] = lo * scale
            out_v[b, pl.ds(D + 16, 16)] = hi * scale
            out_v[b, pl.ds(2 * D, 16)] = ib_v[b, pl.ds(0, 16)]
            out_v[b, pl.ds(2 * D + 16, 16)] = ib_v[b, pl.ds(16, 16)]
            return 0

        lax.fori_loop(0, C, b_body, 0)

    def loop_body(tt, _):
        for p in range(2):
            t = tt * 2 + p
            q = 1 - p
            for cp in gathers(t, p):
                cp.wait()

            @pl.when(t + 1 < CHUNKS)
            def _():
                for cp in idx_copies(t + 1, q):
                    cp.wait()
                for cp in gathers(t + 1, q):
                    cp.start()

            @pl.when(t >= 2)
            def _():
                out_copy(t - 2, p).wait()

            compute_chunk(t, p)
            out_copy(t, p).start()

            @pl.when(t + 2 < CHUNKS)
            def _():
                for cp in idx_copies(t + 2, p):
                    cp.start()
        return 0

    lax.fori_loop(0, CHUNKS // 2, loop_body, 0)
    out_copy(CHUNKS - 2, 0).wait()
    out_copy(CHUNKS - 1, 1).wait()


@jax.jit
def _sc_call(user_id, hist_flat, mask_flat, item_id, user_table, item_table):
    mesh = plsc.VectorSubcoreMesh(core_axis_name="c", subcore_axis_name="s",
                                  num_cores=NC, num_subcores=NS)
    return pl.kernel(
        _sc_body,
        out_type=jax.ShapeDtypeStruct((B, 3 * D), jnp.float32),
        mesh=mesh,
        compiler_params=pltpu.CompilerParams(use_tc_tiling_on_sc=False),
        scratch_types=[
            pltpu.VMEM((BW,), jnp.int32),
            pltpu.VMEM((BW,), jnp.int32),
            pltpu.VMEM((C, D), jnp.float32),
            pltpu.VMEM((C, D), jnp.float32),
            pltpu.VMEM((C, D), jnp.float32),
            pltpu.VMEM((C, D), jnp.float32),
            pltpu.VMEM((CL,), jnp.int32),
            pltpu.VMEM((CL,), jnp.int32),
            pltpu.VMEM((CLP,), jnp.float32),
            pltpu.VMEM((CLP,), jnp.float32),
            pltpu.VMEM((CL, D), jnp.float32),
            pltpu.VMEM((CL, D), jnp.float32),
            pltpu.VMEM((C, 3 * D), jnp.float32),
            pltpu.VMEM((C, 3 * D), jnp.float32),
            pltpu.SemaphoreType.DMA,
            pltpu.SemaphoreType.DMA,
            pltpu.SemaphoreType.DMA,
            pltpu.SemaphoreType.DMA,
            pltpu.SemaphoreType.DMA,
            pltpu.SemaphoreType.DMA,
        ],
    )(user_id, hist_flat, mask_flat, item_id, user_table, item_table)


def kernel(user_id, user_hist, hist_mask, item_id, user_table, item_table):
    user_id = user_id.astype(jnp.int32)
    item_id = item_id.astype(jnp.int32)
    hist_flat = user_hist.astype(jnp.int32).reshape(-1)
    mask_flat = jnp.pad(hist_mask, ((0, 0), (0, LP - L))).reshape(-1)
    return _sc_call(user_id, hist_flat, mask_flat, item_id,
                    user_table, item_table)

# --- scband reference (transcript-rebuilt; emitter-appended) ---
"""Pipeline reference for scband-base-model-20486994002369 (READ-ONLY COPY).

The authoritative reference and input builder live on the scoring server;
editing this copy changes nothing except your own understanding.
"""

import jax, jax.numpy as jnp
import numpy as np

VOCAB = 1000000
D = 32
B = 16384
L = 50


def setup_inputs(seed: int = 0) -> dict:
    key = jax.random.key(seed)
    k1, k2, k3, k4, k5, k6 = jax.random.split(key, 6)
    user_id = jax.random.randint(k1, (B,), 0, VOCAB, dtype=jnp.int64) if jax.config.jax_enable_x64 else jax.random.randint(k1, (B,), 0, VOCAB, dtype=jnp.int32)
    user_hist = jax.random.randint(k2, (B, L), 0, VOCAB, dtype=user_id.dtype)
    hist_mask = (jax.random.uniform(k3, (B, L)) > 0.2).astype(jnp.float32)
    item_id = jax.random.randint(k4, (B,), 0, VOCAB, dtype=user_id.dtype)
    # learned embedding tables (per config: user_id table, shared item table used by
    # user_hist via DependEmbeddingTableName and by item_id directly)
    user_table = jax.random.normal(k5, (VOCAB, D), dtype=jnp.float32) * 0.02
    item_table = jax.random.normal(k6, (VOCAB, D), dtype=jnp.float32) * 0.02
    return {
        "user_id": user_id,
        "user_hist": user_hist,
        "hist_mask": hist_mask,
        "item_id": item_id,
        "user_table": user_table,
        "item_table": item_table,
    }


def reference(user_id, user_hist, hist_mask, item_id, user_table, item_table):
    # user_id feature: AggreateMethod='none' -> plain lookup
    user_emb = jnp.take(user_table, user_id, axis=0)  # [B, D]
    # user_hist feature: DependEmbeddingTableName=item_table, mask applied, avgpooling
    hist_emb = jnp.take(item_table, user_hist, axis=0)  # [B, L, D]
    hist_emb = hist_emb * hist_mask[..., None]
    hist_pooled = jnp.mean(hist_emb, axis=1)  # [B, D] (mean over sequence dim, batched analogue of torch.mean(dim=0))
    # item_id feature: AggreateMethod='none' -> plain lookup
    item_emb = jnp.take(item_table, item_id, axis=0)  # [B, D]
    return jnp.concatenate([user_emb, hist_pooled, item_emb], axis=-1)  # [B, 3*D]

if __name__ == "__main__":
    import jax
    _d = setup_inputs()
    print(jax.jit(kernel)(*tuple(_d.values())))

</pallas_src>

<mosaic_0001>
#map = affine_map<(d0, d1) -> (0)>
#map1 = affine_map<(d0, d1) -> (0, 0)>
module attributes {stable_mosaic.version = 14 : i64} {
  func.func @_sc_body(%arg0: i32, %arg1: i32, %arg2: memref<16384xi32, #tpu.memory_space<hbm>>, %arg3: memref<819200xi32, #tpu.memory_space<hbm>>, %arg4: memref<1048576xf32, #tpu.memory_space<hbm>>, %arg5: memref<16384xi32, #tpu.memory_space<hbm>>, %arg6: memref<1000000x32xf32, #tpu.memory_space<hbm>>, %arg7: memref<1000000x32xf32, #tpu.memory_space<hbm>>, %arg8: memref<16384x96xf32, #tpu.memory_space<hbm>>, %arg9: memref<512xi32, #tpu.memory_space<vmem>>, %arg10: memref<512xi32, #tpu.memory_space<vmem>>, %arg11: memref<32x32xf32, #tpu.memory_space<vmem>>, %arg12: memref<32x32xf32, #tpu.memory_space<vmem>>, %arg13: memref<32x32xf32, #tpu.memory_space<vmem>>, %arg14: memref<32x32xf32, #tpu.memory_space<vmem>>, %arg15: memref<1600xi32, #tpu.memory_space<vmem>>, %arg16: memref<1600xi32, #tpu.memory_space<vmem>>, %arg17: memref<2048xf32, #tpu.memory_space<vmem>>, %arg18: memref<2048xf32, #tpu.memory_space<vmem>>, %arg19: memref<1600x32xf32, #tpu.memory_space<vmem>>, %arg20: memref<1600x32xf32, #tpu.memory_space<vmem>>, %arg21: memref<32x96xf32, #tpu.memory_space<vmem>>, %arg22: memref<32x96xf32, #tpu.memory_space<vmem>>, %arg23: memref<!tpu.dma_semaphore, #tpu.memory_space<semaphore_mem>>, %arg24: memref<!tpu.dma_semaphore, #tpu.memory_space<semaphore_mem>>, %arg25: memref<!tpu.dma_semaphore, #tpu.memory_space<semaphore_mem>>, %arg26: memref<!tpu.dma_semaphore, #tpu.memory_space<semaphore_mem>>, %arg27: memref<!tpu.dma_semaphore, #tpu.memory_space<semaphore_mem>>, %arg28: memref<!tpu.dma_semaphore, #tpu.memory_space<semaphore_mem>>) attributes {dimension_semantics = [#tpu.dimension_semantics<core_parallel>, #tpu.dimension_semantics<subcore_parallel>], iteration_bounds = array<i64: 2, 16>, scalar_prefetch = 0 : i64, scratch_operands = 20 : i64, tpu.core_type = #tpu.core_type<sc_vector_subcore>, window_params = [{transform_indices = #map}, {transform_indices = #map}, {transform_indices = #map}, {transform_indices = #map}, {transform_indices = #map1}, {transform_indices = #map1}, {transform_indices = #map1}]} {
    %mul3A = arith.constant 2 : i32
    %mul3A_0 = arith.muli %arg1, %mul3A : i32
    %add3A = arith.addi %mul3A_0, %arg0 : i32
    %mul3A_1 = arith.constant 512 : i32
    %mul3A_2 = arith.muli %add3A, %mul3A_1 : i32
    %multiple_of3A = tpu.assume_multiple %mul3A_2, 512 : i32
    "tpu.region"() ({
      %run_scoped3A = tpu.sem_alloc : memref<!tpu.dma_semaphore, #tpu.memory_space<semaphore_mem>>
      %dma_start3A_74 = tpu.memref_slice %arg2[%multiple_of3A] : memref<16384xi32, #tpu.memory_space<hbm>> -> memref<512xi32, #tpu.memory_space<hbm>>
      %dma_start3A_75 = tpu.memref_slice %arg2[%multiple_of3A] : memref<16384xi32, #tpu.memory_space<hbm>> -> memref<512xi32, #tpu.memory_space<hbm>>
      tpu.enqueue_dma source(%dma_start3A_75 : memref<512xi32, #tpu.memory_space<hbm>>) target(%arg9 : memref<512xi32, #tpu.memory_space<vmem>>) target_semaphore(%run_scoped3A : memref<!tpu.dma_semaphore, #tpu.memory_space<semaphore_mem>>)
      %dma_wait3A_76 = tpu.memref_slice %arg2[%multiple_of3A] : memref<16384xi32, #tpu.memory_space<hbm>> -> memref<512xi32, #tpu.memory_space<hbm>>
      %dma_wait3A_77 = tpu.memref_slice %arg2[%multiple_of3A] : memref<16384xi32, #tpu.memory_space<hbm>> -> memref<512xi32, #tpu.memory_space<hbm>>
      tpu.wait_dma2 semaphore(%run_scoped3A : memref<!tpu.dma_semaphore, #tpu.memory_space<semaphore_mem>>) src(%dma_wait3A_77 : memref<512xi32, #tpu.memory_space<hbm>>) dst(%arg9 : memref<512xi32, #tpu.memory_space<vmem>>)
      tpu.yield
    }) : () -> ()
    "tpu.region"() ({
      %run_scoped3A = tpu.sem_alloc : memref<!tpu.dma_semaphore, #tpu.memory_space<semaphore_mem>>
      %dma_start3A_74 = tpu.memref_slice %arg5[%multiple_of3A] : memref<16384xi32, #tpu.memory_space<hbm>> -> memref<512xi32, #tpu.memory_space<hbm>>
      %dma_start3A_75 = tpu.memref_slice %arg5[%multiple_of3A] : memref<16384xi32, #tpu.memory_space<hbm>> -> memref<512xi32, #tpu.memory_space<hbm>>
      tpu.enqueue_dma source(%dma_start3A_75 : memref<512xi32, #tpu.memory_space<hbm>>) target(%arg10 : memref<512xi32, #tpu.memory_space<vmem>>) target_semaphore(%run_scoped3A : memref<!tpu.dma_semaphore, #tpu.memory_space<semaphore_mem>>)
      %dma_wait3A_76 = tpu.memref_slice %arg5[%multiple_of3A] : memref<16384xi32, #tpu.memory_space<hbm>> -> memref<512xi32, #tpu.memory_space<hbm>>
      %dma_wait3A_77 = tpu.memref_slice %arg5[%multiple_of3A] : memref<16384xi32, #tpu.memory_space<hbm>> -> memref<512xi32, #tpu.memory_space<hbm>>
      tpu.wait_dma2 semaphore(%run_scoped3A : memref<!tpu.dma_semaphore, #tpu.memory_space<semaphore_mem>>) src(%dma_wait3A_77 : memref<512xi32, #tpu.memory_space<hbm>>) dst(%arg10 : memref<512xi32, #tpu.memory_space<vmem>>)
      tpu.yield
    }) : () -> ()
    %mul3A_3 = arith.constant 50 : i32
    %mul3A_4 = arith.muli %multiple_of3A, %mul3A_3 : i32
    %multiple_of3A_5 = tpu.assume_multiple %mul3A_4, 25600 : i32
    %add3A_6 = arith.constant 0 : i32
    %add3A_7 = arith.addi %multiple_of3A_5, %add3A_6 : i32
    %mul3A_8 = arith.constant 64 : i32
    %mul3A_9 = arith.muli %multiple_of3A, %mul3A_8 : i32
    %multiple_of3A_10 = tpu.assume_multiple %mul3A_9, 32768 : i32
    %add3A_11 = arith.constant 0 : i32
    %add3A_12 = arith.addi %multiple_of3A_10, %add3A_11 : i32
    %dma_start3A = tpu.memref_slice %arg3[%add3A_7] : memref<819200xi32, #tpu.memory_space<hbm>> -> memref<1600xi32, #tpu.memory_space<hbm>>
    %dma_start3A_13 = tpu.memref_slice %arg3[%add3A_7] : memref<819200xi32, #tpu.memory_space<hbm>> -> memref<1600xi32, #tpu.memory_space<hbm>>
    tpu.enqueue_dma source(%dma_start3A_13 : memref<1600xi32, #tpu.memory_space<hbm>>) target(%arg15 : memref<1600xi32, #tpu.memory_space<vmem>>) target_semaphore(%arg25 : memref<!tpu.dma_semaphore, #tpu.memory_space<semaphore_mem>>)
    %dma_start3A_14 = tpu.memref_slice %arg4[%add3A_12] : memref<1048576xf32, #tpu.memory_space<hbm>> -> memref<2048xf32, #tpu.memory_space<hbm>>
    %dma_start3A_15 = tpu.memref_slice %arg4[%add3A_12] : memref<1048576xf32, #tpu.memory_space<hbm>> -> memref<2048xf32, #tpu.memory_space<hbm>>
    tpu.enqueue_dma source(%dma_start3A_15 : memref<2048xf32, #tpu.memory_space<hbm>>) target(%arg17 : memref<2048xf32, #tpu.memory_space<vmem>>) target_semaphore(%arg25 : memref<!tpu.dma_semaphore, #tpu.memory_space<semaphore_mem>>)
    %mul3A_16 = arith.constant 50 : i32
    %mul3A_17 = arith.muli %multiple_of3A, %mul3A_16 : i32
    %multiple_of3A_18 = tpu.assume_multiple %mul3A_17, 25600 : i32
    %add3A_19 = arith.constant 0 : i32
    %add3A_20 = arith.addi %multiple_of3A_18, %add3A_19 : i32
    %mul3A_21 = arith.constant 64 : i32
    %mul3A_22 = arith.muli %multiple_of3A, %mul3A_21 : i32
    %multiple_of3A_23 = tpu.assume_multiple %mul3A_22, 32768 : i32
    %add3A_24 = arith.constant 0 : i32
    %add3A_25 = arith.addi %multiple_of3A_23, %add3A_24 : i32
    %dma_wait3A = tpu.memref_slice %arg3[%add3A_20] : memref<819200xi32, #tpu.memory_space<hbm>> -> memref<1600xi32, #tpu.memory_space<hbm>>
    %dma_wait3A_26 = tpu.memref_slice %arg3[%add3A_20] : memref<819200xi32, #tpu.memory_space<hbm>> -> memref<1600xi32, #tpu.memory_space<hbm>>
    tpu.wait_dma2 semaphore(%arg25 : memref<!tpu.dma_semaphore, #tpu.memory_space<semaphore_mem>>) src(%dma_wait3A_26 : memref<1600xi32, #tpu.memory_space<hbm>>) dst(%arg15 : memref<1600xi32, #tpu.memory_space<vmem>>)
    %dma_wait3A_27 = tpu.memref_slice %arg4[%add3A_25] : memref<1048576xf32, #tpu.memory_space<hbm>> -> memref<2048xf32, #tpu.memory_space<hbm>>
    %dma_wait3A_28 = tpu.memref_slice %arg4[%add3A_25] : memref<1048576xf32, #tpu.memory_space<hbm>> -> memref<2048xf32, #tpu.memory_space<hbm>>
    tpu.wait_dma2 semaphore(%arg25 : memref<!tpu.dma_semaphore, #tpu.memory_space<semaphore_mem>>) src(%dma_wait3A_28 : memref<2048xf32, #tpu.memory_space<hbm>>) dst(%arg17 : memref<2048xf32, #tpu.memory_space<vmem>>)
    %dma_start3A_29 = arith.constant 0 : i32
    %dma_start3A_30 = arith.constant 0 : i32
    %dma_start3A_31 = tpu.memref_slice %arg7[%dma_start3A_29, %dma_start3A_30] : memref<1000000x32xf32, #tpu.memory_space<hbm>> -> memref<1000000x32xf32, #tpu.memory_space<hbm>>
    tpu.enqueue_indirect_dma source(%dma_start3A_31 : memref<1000000x32xf32, #tpu.memory_space<hbm>>) target(%arg19 : memref<1600x32xf32, #tpu.memory_space<vmem>>) offsets(%arg15 : memref<1600xi32, #tpu.memory_space<vmem>>) semaphore(%arg23 : memref<!tpu.dma_semaphore, #tpu.memory_space<semaphore_mem>>)
    %dma_start3A_32 = arith.constant 0 : i32
    %dma_start3A_33 = tpu.memref_slice %arg9[%dma_start3A_32] : memref<512xi32, #tpu.memory_space<vmem>> -> memref<32xi32, #tpu.memory_space<vmem>>
    %dma_start3A_34 = arith.constant 0 : i32
    %dma_start3A_35 = arith.constant 0 : i32
    %dma_start3A_36 = tpu.memref_slice %arg6[%dma_start3A_34, %dma_start3A_35] : memref<1000000x32xf32, #tpu.memory_space<hbm>> -> memref<1000000x32xf32, #tpu.memory_space<hbm>>
    tpu.enqueue_indirect_dma source(%dma_start3A_36 : memref<1000000x32xf32, #tpu.memory_space<hbm>>) target(%arg11 : memref<32x32xf32, #tpu.memory_space<vmem>>) offsets(%dma_start3A_33 : memref<32xi32, #tpu.memory_space<vmem>>) semaphore(%arg23 : memref<!tpu.dma_semaphore, #tpu.memory_space<semaphore_mem>>)
    %dma_start3A_37 = arith.constant 0 : i32
    %dma_start3A_38 = tpu.memref_slice %arg10[%dma_start3A_37] : memref<512xi32, #tpu.memory_space<vmem>> -> memref<32xi32, #tpu.memory_space<vmem>>
    %dma_start3A_39 = arith.constant 0 : i32
    %dma_start3A_40 = arith.constant 0 : i32
    %dma_start3A_41 = tpu.memref_slice %arg7[%dma_start3A_39, %dma_start3A_40] : memref<1000000x32xf32, #tpu.memory_space<hbm>> -> memref<1000000x32xf32, #tpu.memory_space<hbm>>
    tpu.enqueue_indirect_dma source(%dma_start3A_41 : memref<1000000x32xf32, #tpu.memory_space<hbm>>) target(%arg13 : memref<32x32xf32, #tpu.memory_space<vmem>>) offsets(%dma_start3A_38 : memref<32xi32, #tpu.memory_space<vmem>>) semaphore(%arg23 : memref<!tpu.dma_semaphore, #tpu.memory_space<semaphore_mem>>)
    %mul3A_42 = arith.constant 50 : i32
    %mul3A_43 = arith.muli %multiple_of3A, %mul3A_42 : i32
    %multiple_of3A_44 = tpu.assume_multiple %mul3A_43, 25600 : i32
    %add3A_45 = arith.constant 1600 : i32
    %add3A_46 = arith.addi %multiple_of3A_44, %add3A_45 : i32
    %mul3A_47 = arith.constant 64 : i32
    %mul3A_48 = arith.muli %multiple_of3A, %mul3A_47 : i32
    %multiple_of3A_49 = tpu.assume_multiple %mul3A_48, 32768 : i32
    %add3A_50 = arith.constant 2048 : i32
    %add3A_51 = arith.addi %multiple_of3A_49, %add3A_50 : i32
    %dma_start3A_52 = tpu.memref_slice %arg3[%add3A_46] : memref<819200xi32, #tpu.memory_space<hbm>> -> memref<1600xi32, #tpu.memory_space<hbm>>
    %dma_start3A_53 = tpu.memref_slice %arg3[%add3A_46] : memref<819200xi32, #tpu.memory_space<hbm>> -> memref<1600xi32, #tpu.memory_space<hbm>>
    tpu.enqueue_dma source(%dma_start3A_53 : memref<1600xi32, #tpu.memory_space<hbm>>) target(%arg16 : memref<1600xi32, #tpu.memory_space<vmem>>) target_semaphore(%arg26 : memref<!tpu.dma_semaphore, #tpu.memory_space<semaphore_mem>>)
    %dma_start3A_54 = tpu.memref_slice %arg4[%add3A_51] : memref<1048576xf32, #tpu.memory_space<hbm>> -> memref<2048xf32, #tpu.memory_space<hbm>>
    %dma_start3A_55 = tpu.memref_slice %arg4[%add3A_51] : memref<1048576xf32, #tpu.memory_space<hbm>> -> memref<2048xf32, #tpu.memory_space<hbm>>
    tpu.enqueue_dma source(%dma_start3A_55 : memref<2048xf32, #tpu.memory_space<hbm>>) target(%arg18 : memref<2048xf32, #tpu.memory_space<vmem>>) target_semaphore(%arg26 : memref<!tpu.dma_semaphore, #tpu.memory_space<semaphore_mem>>)
    %scan3A = arith.constant 0 : i32
    %scan3A_56 = arith.constant 0 : i32
    %scan3A_57 = arith.constant 8 : i32
    %scan3A_58 = arith.addi %scan3A_56, %scan3A_57 : i32
    %scan3A_59 = arith.constant 1 : i32
    %scan3A_60 = scf.for %scan3A_74 = %scan3A_56 to %scan3A_58 step %scan3A_59 iter_args(%scan3A_75 = %scan3A) -> (i32)  : i32 {
      %mul3A_76 = arith.constant 2 : i32
      %mul3A_77 = arith.muli %scan3A_74, %mul3A_76 : i32
      %add3A_78 = arith.constant 0 : i32
      %add3A_79 = arith.addi %mul3A_77, %add3A_78 : i32
      %mul3A_80 = arith.constant 32 : i32
      %mul3A_81 = arith.muli %add3A_79, %mul3A_80 : i32
      %mul3A_82 = arith.constant 32 : i32
      %mul3A_83 = arith.muli %add3A_79, %mul3A_82 : i32
      %dma_wait3A_84 = arith.constant 0 : i32
      %dma_wait3A_85 = arith.constant 0 : i32
      %dma_wait3A_86 = tpu.memref_slice %arg7[%dma_wait3A_84, %dma_wait3A_85] : memref<1000000x32xf32, #tpu.memory_space<hbm>> -> memref<1000000x32xf32, #tpu.memory_space<hbm>>
      tpu.wait_indirect_dma semaphore(%arg23 : memref<!tpu.dma_semaphore, #tpu.memory_space<semaphore_mem>>) src(%dma_wait3A_86 : memref<1000000x32xf32, #tpu.memory_space<hbm>>) dst(%arg19 : memref<1600x32xf32, #tpu.memory_space<vmem>>)
      %dma_wait3A_87 = tpu.memref_slice %arg9[%mul3A_81] : memref<512xi32, #tpu.memory_space<vmem>> -> memref<32xi32, #tpu.memory_space<vmem>>
      %dma_wait3A_88 = arith.constant 0 : i32
      %dma_wait3A_89 = arith.constant 0 : i32
      %dma_wait3A_90 = tpu.memref_slice %arg6[%dma_wait3A_88, %dma_wait3A_89] : memref<1000000x32xf32, #tpu.memory_space<hbm>> -> memref<1000000x32xf32, #tpu.memory_space<hbm>>
      tpu.wait_indirect_dma semaphore(%arg23 : memref<!tpu.dma_semaphore, #tpu.memory_space<semaphore_mem>>) src(%dma_wait3A_90 : memref<1000000x32xf32, #tpu.memory_space<hbm>>) dst(%arg11 : memref<32x32xf32, #tpu.memory_space<vmem>>)
      %dma_wait3A_91 = tpu.memref_slice %arg10[%mul3A_83] : memref<512xi32, #tpu.memory_space<vmem>> -> memref<32xi32, #tpu.memory_space<vmem>>
      %dma_wait3A_92 = arith.constant 0 : i32
      %dma_wait3A_93 = arith.constant 0 : i32
      %dma_wait3A_94 = tpu.memref_slice %arg7[%dma_wait3A_92, %dma_wait3A_93] : memref<1000000x32xf32, #tpu.memory_space<hbm>> -> memref<1000000x32xf32, #tpu.memory_space<hbm>>
      tpu.wait_indirect_dma semaphore(%arg23 : memref<!tpu.dma_semaphore, #tpu.memory_space<semaphore_mem>>) src(%dma_wait3A_94 : memref<1000000x32xf32, #tpu.memory_space<hbm>>) dst(%arg13 : memref<32x32xf32, #tpu.memory_space<vmem>>)
      %add3A_95 = arith.constant 1 : i32
      %add3A_96 = arith.addi %add3A_79, %add3A_95 : i32
      %lt3A = arith.constant 16 : i32
      %lt3A_97 = arith.cmpi slt, %add3A_96, %lt3A : i32
      %convert_element_type3A = arith.extui %lt3A_97 : i1 to i32
      %cond3A = arith.constant 0 : i32
      %cond3A_98 = arith.cmpi ne, %convert_element_type3A, %cond3A : i32
      scf.if %cond3A_98 {
        %add3A_177 = arith.constant 1 : i32
        %add3A_178 = arith.addi %add3A_79, %add3A_177 : i32
        %mul3A_179 = arith.constant 50 : i32
        %mul3A_180 = arith.muli %multiple_of3A, %mul3A_179 : i32
        %multiple_of3A_181 = tpu.assume_multiple %mul3A_180, 25600 : i32
        %mul3A_182 = arith.constant 1600 : i32
        %mul3A_183 = arith.muli %add3A_178, %mul3A_182 : i32
        %add3A_184 = arith.addi %multiple_of3A_181, %mul3A_183 : i32
        %mul3A_185 = arith.constant 64 : i32
        %mul3A_186 = arith.muli %multiple_of3A, %mul3A_185 : i32
        %multiple_of3A_187 = tpu.assume_multiple %mul3A_186, 32768 : i32
        %mul3A_188 = arith.constant 2048 : i32
        %mul3A_189 = arith.muli %add3A_178, %mul3A_188 : i32
        %add3A_190 = arith.addi %multiple_of3A_187, %mul3A_189 : i32
        %dma_wait3A_191 = tpu.memref_slice %arg3[%add3A_184] : memref<819200xi32, #tpu.memory_space<hbm>> -> memref<1600xi32, #tpu.memory_space<hbm>>
        %dma_wait3A_192 = tpu.memref_slice %arg3[%add3A_184] : memref<819200xi32, #tpu.memory_space<hbm>> -> memref<1600xi32, #tpu.memory_space<hbm>>
        tpu.wait_dma2 semaphore(%arg26 : memref<!tpu.dma_semaphore, #tpu.memory_space<semaphore_mem>>) src(%dma_wait3A_192 : memref<1600xi32, #tpu.memory_space<hbm>>) dst(%arg16 : memref<1600xi32, #tpu.memory_space<vmem>>)
        %dma_wait3A_193 = tpu.memref_slice %arg4[%add3A_190] : memref<1048576xf32, #tpu.memory_space<hbm>> -> memref<2048xf32, #tpu.memory_space<hbm>>
        %dma_wait3A_194 = tpu.memref_slice %arg4[%add3A_190] : memref<1048576xf32, #tpu.memory_space<hbm>> -> memref<2048xf32, #tpu.memory_space<hbm>>
        tpu.wait_dma2 semaphore(%arg26 : memref<!tpu.dma_semaphore, #tpu.memory_space<semaphore_mem>>) src(%dma_wait3A_194 : memref<2048xf32, #tpu.memory_space<hbm>>) dst(%arg18 : memref<2048xf32, #tpu.memory_space<vmem>>)
        %add3A_195 = arith.constant 1 : i32
        %add3A_196 = arith.addi %add3A_79, %add3A_195 : i32
        %mul3A_197 = arith.constant 32 : i32
        %mul3A_198 = arith.muli %add3A_196, %mul3A_197 : i32
        %mul3A_199 = arith.constant 32 : i32
        %mul3A_200 = arith.muli %add3A_196, %mul3A_199 : i32
        %dma_start3A_201 = arith.constant 0 : i32
        %dma_start3A_202 = arith.constant 0 : i32
        %dma_start3A_203 = tpu.memref_slice %arg7[%dma_start3A_201, %dma_start3A_202] : memref<1000000x32xf32, #tpu.memory_space<hbm>> -> memref<1000000x32xf32, #tpu.memory_space<hbm>>
        tpu.enqueue_indirect_dma source(%dma_start3A_203 : memref<1000000x32xf32, #tpu.memory_space<hbm>>) target(%arg20 : memref<1600x32xf32, #tpu.memory_space<vmem>>) offsets(%arg16 : memref<1600xi32, #tpu.memory_space<vmem>>) semaphore(%arg24 : memref<!tpu.dma_semaphore, #tpu.memory_space<semaphore_mem>>)
        %dma_start3A_204 = tpu.memref_slice %arg9[%mul3A_198] : memref<512xi32, #tpu.memory_space<vmem>> -> memref<32xi32, #tpu.memory_space<vmem>>
        %dma_start3A_205 = arith.constant 0 : i32
        %dma_start3A_206 = arith.constant 0 : i32
        %dma_start3A_207 = tpu.memref_slice %arg6[%dma_start3A_205, %dma_start3A_206] : memref<1000000x32xf32, #tpu.memory_space<hbm>> -> memref<1000000x32xf32, #tpu.memory_space<hbm>>
        tpu.enqueue_indirect_dma source(%dma_start3A_207 : memref<1000000x32xf32, #tpu.memory_space<hbm>>) target(%arg12 : memref<32x32xf32, #tpu.memory_space<vmem>>) offsets(%dma_start3A_204 : memref<32xi32, #tpu.memory_space<vmem>>) semaphore(%arg24 : memref<!tpu.dma_semaphore, #tpu.memory_space<semaphore_mem>>)
        %dma_start3A_208 = tpu.memref_slice %arg10[%mul3A_200] : memref<512xi32, #tpu.memory_space<vmem>> -> memref<32xi32, #tpu.memory_space<vmem>>
        %dma_start3A_209 = arith.constant 0 : i32
        %dma_start3A_210 = arith.constant 0 : i32
        %dma_start3A_211 = tpu.memref_slice %arg7[%dma_start3A_209, %dma_start3A_210] : memref<1000000x32xf32, #tpu.memory_space<hbm>> -> memref<1000000x32xf32, #tpu.memory_space<hbm>>
        tpu.enqueue_indirect_dma source(%dma_start3A_211 : memref<1000000x32xf32, #tpu.memory_space<hbm>>) target(%arg14 : memref<32x32xf32, #tpu.memory_space<vmem>>) offsets(%dma_start3A_208 : memref<32xi32, #tpu.memory_space<vmem>>) semaphore(%arg24 : memref<!tpu.dma_semaphore, #tpu.memory_space<semaphore_mem>>)
      } else {
      }
      %ge3A = arith.constant 2 : i32
      %ge3A_99 = arith.cmpi sge, %add3A_79, %ge3A : i32
      %convert_element_type3A_100 = arith.extui %ge3A_99 : i1 to i32
      %cond3A_101 = arith.constant 0 : i32
      %cond3A_102 = arith.cmpi ne, %convert_element_type3A_100, %cond3A_101 : i32
      scf.if %cond3A_102 {
        %sub3A = arith.constant 2 : i32
        %sub3A_177 = arith.subi %add3A_79, %sub3A : i32
        %mul3A_178 = arith.constant 32 : i32
        %mul3A_179 = arith.muli %sub3A_177, %mul3A_178 : i32
        %add3A_180 = arith.addi %multiple_of3A, %mul3A_179 : i32
        %dma_wait3A_181 = arith.constant 0 : i32
        %dma_wait3A_182 = tpu.memref_slice %arg8[%add3A_180, %dma_wait3A_181] : memref<16384x96xf32, #tpu.memory_space<hbm>> -> memref<32x96xf32, #tpu.memory_space<hbm>>
        %dma_wait3A_183 = arith.constant 0 : i32
        %dma_wait3A_184 = tpu.memref_slice %arg8[%add3A_180, %dma_wait3A_183] : memref<16384x96xf32, #tpu.memory_space<hbm>> -> memref<32x96xf32, #tpu.memory_space<hbm>>
        tpu.wait_dma2 semaphore(%arg27 : memref<!tpu.dma_semaphore, #tpu.memory_space<semaphore_mem>>) src(%arg21 : memref<32x96xf32, #tpu.memory_space<vmem>>) dst(%dma_wait3A_184 : memref<32x96xf32, #tpu.memory_space<hbm>>)
      } else {
      }
      %scan3A_103 = arith.constant 0 : i32
      %scan3A_104 = arith.constant 0 : i32
      %scan3A_105 = arith.constant 32 : i32
      %scan3A_106 = arith.addi %scan3A_104, %scan3A_105 : i32
      %scan3A_107 = arith.constant 1 : i32
      %scan3A_108 = scf.for %scan3A_177 = %scan3A_104 to %scan3A_106 step %scan3A_107 iter_args(%scan3A_178 = %scan3A_103) -> (i32)  : i32 {
        %mul3A_179 = arith.constant 50 : i32
        %mul3A_180 = arith.muli %scan3A_177, %mul3A_179 : i32
        %mul3A_181 = arith.constant 64 : i32
        %mul3A_182 = arith.muli %scan3A_177, %mul3A_181 : i32
        %add3A_183 = arith.constant 0 : i32
        %add3A_184 = arith.addi %mul3A_182, %add3A_183 : i32
        %get3A = arith.index_cast %add3A_184 : i32 to index
        %get3A_185 = tpu.vector_load %arg17[%get3A] {strides = array<i32>} : memref<2048xf32, #tpu.memory_space<vmem>>, vector<16xf32>,
        %get3A_186 = vector.shape_cast %get3A_185 : vector<16xf32> to vector<16xf32>
        %mul3A_187 = arith.constant 64 : i32
        %mul3A_188 = arith.muli %scan3A_177, %mul3A_187 : i32
        %add3A_189 = arith.constant 16 : i32
        %add3A_190 = arith.addi %mul3A_188, %add3A_189 : i32
        %get3A_191 = arith.index_cast %add3A_190 : i32 to index
        %get3A_192 = tpu.vector_load %arg17[%get3A_191] {strides = array<i32>} : memref<2048xf32, #tpu.memory_space<vmem>>, vector<16xf32>,
        %get3A_193 = vector.shape_cast %get3A_192 : vector<16xf32> to vector<16xf32>
        %mul3A_194 = arith.constant 64 : i32
        %mul3A_195 = arith.muli %scan3A_177, %mul3A_194 : i32
        %add3A_196 = arith.constant 32 : i32
        %add3A_197 = arith.addi %mul3A_195, %add3A_196 : i32
        %get3A_198 = arith.index_cast %add3A_197 : i32 to index
        %get3A_199 = tpu.vector_load %arg17[%get3A_198] {strides = array<i32>} : memref<2048xf32, #tpu.memory_space<vmem>>, vector<16xf32>,
        %get3A_200 = vector.shape_cast %get3A_199 : vector<16xf32> to vector<16xf32>
        %mul3A_201 = arith.constant 64 : i32
        %mul3A_202 = arith.muli %scan3A_177, %mul3A_201 : i32
        %add3A_203 = arith.constant 48 : i32
        %add3A_204 = arith.addi %mul3A_202, %add3A_203 : i32
        %get3A_205 = arith.index_cast %add3A_204 : i32 to index
        %get3A_206 = tpu.vector_load %arg17[%get3A_205] {strides = array<i32>} : memref<2048xf32, #tpu.memory_space<vmem>>, vector<16xf32>,
        %get3A_207 = vector.shape_cast %get3A_206 : vector<16xf32> to vector<16xf32>
        %broadcast_in_dim3A = arith.constant 0.000000e+00 : f32
        %broadcast_in_dim3A_208 = vector.broadcast %broadcast_in_dim3A : f32 to vector<16xf32>
        %broadcast_in_dim3A_209 = arith.constant 0.000000e+00 : f32
        %broadcast_in_dim3A_210 = vector.broadcast %broadcast_in_dim3A_209 : f32 to vector<16xf32>
        %broadcast_in_dim3A_211 = arith.constant 0.000000e+00 : f32
        %broadcast_in_dim3A_212 = vector.broadcast %broadcast_in_dim3A_211 : f32 to vector<16xf32>
        %broadcast_in_dim3A_213 = arith.constant 0.000000e+00 : f32
        %broadcast_in_dim3A_214 = vector.broadcast %broadcast_in_dim3A_213 : f32 to vector<16xf32>
        %broadcast_in_dim3A_215 = arith.constant 0.000000e+00 : f32
        %broadcast_in_dim3A_216 = vector.broadcast %broadcast_in_dim3A_215 : f32 to vector<16xf32>
        %broadcast_in_dim3A_217 = arith.constant 0.000000e+00 : f32
        %broadcast_in_dim3A_218 = vector.broadcast %broadcast_in_dim3A_217 : f32 to vector<16xf32>
        %broadcast_in_dim3A_219 = arith.constant 0.000000e+00 : f32
        %broadcast_in_dim3A_220 = vector.broadcast %broadcast_in_dim3A_219 : f32 to vector<16xf32>
        %broadcast_in_dim3A_221 = arith.constant 0.000000e+00 : f32
        %broadcast_in_dim3A_222 = vector.broadcast %broadcast_in_dim3A_221 : f32 to vector<16xf32>
        %slice3A = vector.extract_strided_slice %get3A_186 {offsets = [0], sizes = [1], strides = [1]} : vector<16xf32> to vector<1xf32>
        %squeeze3A = vector.extract %slice3A[0] : f32 from vector<1xf32>
        %add3A_223 = arith.constant 0 : i32
        %add3A_224 = arith.addi %mul3A_180, %add3A_223 : i32
        %get3A_225 = arith.index_cast %add3A_224 : i32 to index
        %get3A_226 = arith.constant 0 : index
        %get3A_227 = tpu.vector_load %arg19[%get3A_225, %get3A_226] {strides = array<i32>} : memref<1600x32xf32, #tpu.memory_space<vmem>>, vector<1x16xf32>,
        %get3A_228 = vector.shape_cast %get3A_227 : vector<1x16xf32> to vector<16xf32>
        %mul3A_229 = vector.broadcast %squeeze3A : f32 to vector<16xf32>
        %mul3A_230 = arith.mulf %mul3A_229, %get3A_228 : vector<16xf32>
        %add3A_231 = arith.addf %broadcast_in_dim3A_208, %mul3A_230 : vector<16xf32>
        %add3A_232 = arith.constant 0 : i32
        %add3A_233 = arith.addi %mul3A_180, %add3A_232 : i32
        %get3A_234 = arith.index_cast %add3A_233 : i32 to index
        %get3A_235 = arith.constant 16 : index
        %get3A_236 = tpu.vector_load %arg19[%get3A_234, %get3A_235] {strides = array<i32>} : memref<1600x32xf32, #tpu.memory_space<vmem>>, vector<1x16xf32>,
        %get3A_237 = vector.shape_cast %get3A_236 : vector<1x16xf32> to vector<16xf32>
        %mul3A_238 = vector.broadcast %squeeze3A : f32 to vector<16xf32>
        %mul3A_239 = arith.mulf %mul3A_238, %get3A_237 : vector<16xf32>
        %add3A_240 = arith.addf %broadcast_in_dim3A_210, %mul3A_239 : vector<16xf32>
        %slice3A_241 = vector.extract_strided_slice %get3A_186 {offsets = [1], sizes = [1], strides = [1]} : vector<16xf32> to vector<1xf32>
        %squeeze3A_242 = vector.extract %slice3A_241[0] : f32 from vector<1xf32>
        %add3A_243 = arith.constant 1 : i32
        %add3A_244 = arith.addi %mul3A_180, %add3A_243 : i32
        %get3A_245 = arith.index_cast %add3A_244 : i32 to index
        %get3A_246 = arith.constant 0 : index
        %get3A_247 = tpu.vector_load %arg19[%get3A_245, %get3A_246] {strides = array<i32>} : memref<1600x32xf32, #tpu.memory_space<vmem>>, vector<1x16xf32>,
        %get3A_248 = vector.shape_cast %get3A_247 : vector<1x16xf32> to vector<16xf32>
        %mul3A_249 = vector.broadcast %squeeze3A_242 : f32 to vector<16xf32>
        %mul3A_250 = arith.mulf %mul3A_249, %get3A_248 : vector<16xf32>
        %add3A_251 = arith.addf %broadcast_in_dim3A_212, %mul3A_250 : vector<16xf32>
        %add3A_252 = arith.constant 1 : i32
        %add3A_253 = arith.addi %mul3A_180, %add3A_252 : i32
        %get3A_254 = arith.index_cast %add3A_253 : i32 to index
        %get3A_255 = arith.constant 16 : index
        %get3A_256 = tpu.vector_load %arg19[%get3A_254, %get3A_255] {strides = array<i32>} : memref<1600x32xf32, #tpu.memory_space<vmem>>, vector<1x16xf32>,
        %get3A_257 = vector.shape_cast %get3A_256 : vector<1x16xf32> to vector<16xf32>
        %mul3A_258 = vector.broadcast %squeeze3A_242 : f32 to vector<16xf32>
        %mul3A_259 = arith.mulf %mul3A_258, %get3A_257 : vector<16xf32>
        %add3A_260 = arith.addf %broadcast_in_dim3A_214, %mul3A_259 : vector<16xf32>
        %slice3A_261 = vector.extract_strided_slice %get3A_186 {offsets = [2], sizes = [1], strides = [1]} : vector<16xf32> to vector<1xf32>
        %squeeze3A_262 = vector.extract %slice3A_261[0] : f32 from vector<1xf32>
        %add3A_263 = arith.constant 2 : i32
        %add3A_264 = arith.addi %mul3A_180, %add3A_263 : i32
        %get3A_265 = arith.index_cast %add3A_264 : i32 to index
        %get3A_266 = arith.constant 0 : index
        %get3A_267 = tpu.vector_load %arg19[%get3A_265, %get3A_266] {strides = array<i32>} : memref<1600x32xf32, #tpu.memory_space<vmem>>, vector<1x16xf32>,
        %get3A_268 = vector.shape_cast %get3A_267 : vector<1x16xf32> to vector<16xf32>
        %mul3A_269 = vector.broadcast %squeeze3A_262 : f32 to vector<16xf32>
        %mul3A_270 = arith.mulf %mul3A_269, %get3A_268 : vector<16xf32>
        %add3A_271 = arith.addf %broadcast_in_dim3A_216, %mul3A_270 : vector<16xf32>
        %add3A_272 = arith.constant 2 : i32
        %add3A_273 = arith.addi %mul3A_180, %add3A_272 : i32
        %get3A_274 = arith.index_cast %add3A_273 : i32 to index
        %get3A_275 = arith.constant 16 : index
        %get3A_276 = tpu.vector_load %arg19[%get3A_274, %get3A_275] {strides = array<i32>} : memref<1600x32xf32, #tpu.memory_space<vmem>>, vector<1x16xf32>,
        %get3A_277 = vector.shape_cast %get3A_276 : vector<1x16xf32> to vector<16xf32>
        %mul3A_278 = vector.broadcast %squeeze3A_262 : f32 to vector<16xf32>
        %mul3A_279 = arith.mulf %mul3A_278, %get3A_277 : vector<16xf32>
        %add3A_280 = arith.addf %broadcast_in_dim3A_218, %mul3A_279 : vector<16xf32>
        %slice3A_281 = vector.extract_strided_slice %get3A_186 {offsets = [3], sizes = [1], strides = [1]} : vector<16xf32> to vector<1xf32>
        %squeeze3A_282 = vector.extract %slice3A_281[0] : f32 from vector<1xf32>
        %add3A_283 = arith.constant 3 : i32
        %add3A_284 = arith.addi %mul3A_180, %add3A_283 : i32
        %get3A_285 = arith.index_cast %add3A_284 : i32 to index
        %get3A_286 = arith.constant 0 : index
        %get3A_287 = tpu.vector_load %arg19[%get3A_285, %get3A_286] {strides = array<i32>} : memref<1600x32xf32, #tpu.memory_space<vmem>>, vector<1x16xf32>,
        %get3A_288 = vector.shape_cast %get3A_287 : vector<1x16xf32> to vector<16xf32>
        %mul3A_289 = vector.broadcast %squeeze3A_282 : f32 to vector<16xf32>
        %mul3A_290 = arith.mulf %mul3A_289, %get3A_288 : vector<16xf32>
        %add3A_291 = arith.addf %broadcast_in_dim3A_220, %mul3A_290 : vector<16xf32>
        %add3A_292 = arith.constant 3 : i32
        %add3A_293 = arith.addi %mul3A_180, %add3A_292 : i32
        %get3A_294 = arith.index_cast %add3A_293 : i32 to index
        %get3A_295 = arith.constant 16 : index
        %get3A_296 = tpu.vector_load %arg19[%get3A_294, %get3A_295] {strides = array<i32>} : memref<1600x32xf32, #tpu.memory_space<vmem>>, vector<1x16xf32>,
        %get3A_297 = vector.shape_cast %get3A_296 : vector<1x16xf32> to vector<16xf32>
        %mul3A_298 = vector.broadcast %squeeze3A_282 : f32 to vector<16xf32>
        %mul3A_299 = arith.mulf %mul3A_298, %get3A_297 : vector<16xf32>
        %add3A_300 = arith.addf %broadcast_in_dim3A_222, %mul3A_299 : vector<16xf32>
        %slice3A_301 = vector.extract_strided_slice %get3A_186 {offsets = [4], sizes = [1], strides = [1]} : vector<16xf32> to vector<1xf32>
        %squeeze3A_302 = vector.extract %slice3A_301[0] : f32 from vector<1xf32>
        %add3A_303 = arith.constant 4 : i32
        %add3A_304 = arith.addi %mul3A_180, %add3A_303 : i32
        %get3A_305 = arith.index_cast %add3A_304 : i32 to index
        %get3A_306 = arith.constant 0 : index
        %get3A_307 = tpu.vector_load %arg19[%get3A_305, %get3A_306] {strides = array<i32>} : memref<1600x32xf32, #tpu.memory_space<vmem>>, vector<1x16xf32>,
        %get3A_308 = vector.shape_cast %get3A_307 : vector<1x16xf32> to vector<16xf32>
        %mul3A_309 = vector.broadcast %squeeze3A_302 : f32 to vector<16xf32>
        %mul3A_310 = arith.mulf %mul3A_309, %get3A_308 : vector<16xf32>
        %add3A_311 = arith.addf %add3A_231, %mul3A_310 : vector<16xf32>
        %add3A_312 = arith.constant 4 : i32
        %add3A_313 = arith.addi %mul3A_180, %add3A_312 : i32
        %get3A_314 = arith.index_cast %add3A_313 : i32 to index
        %get3A_315 = arith.constant 16 : index
        %get3A_316 = tpu.vector_load %arg19[%get3A_314, %get3A_315] {strides = array<i32>} : memref<1600x32xf32, #tpu.memory_space<vmem>>, vector<1x16xf32>,
        %get3A_317 = vector.shape_cast %get3A_316 : vector<1x16xf32> to vector<16xf32>
        %mul3A_318 = vector.broadcast %squeeze3A_302 : f32 to vector<16xf32>
        %mul3A_319 = arith.mulf %mul3A_318, %get3A_317 : vector<16xf32>
        %add3A_320 = arith.addf %add3A_240, %mul3A_319 : vector<16xf32>
        %slice3A_321 = vector.extract_strided_slice %get3A_186 {offsets = [5], sizes = [1], strides = [1]} : vector<16xf32> to vector<1xf32>
        %squeeze3A_322 = vector.extract %slice3A_321[0] : f32 from vector<1xf32>
        %add3A_323 = arith.constant 5 : i32
        %add3A_324 = arith.addi %mul3A_180, %add3A_323 : i32
        %get3A_325 = arith.index_cast %add3A_324 : i32 to index
        %get3A_326 = arith.constant 0 : index
        %get3A_327 = tpu.vector_load %arg19[%get3A_325, %get3A_326] {strides = array<i32>} : memref<1600x32xf32, #tpu.memory_space<vmem>>, vector<1x16xf32>,
        %get3A_328 = vector.shape_cast %get3A_327 : vector<1x16xf32> to vector<16xf32>
        %mul3A_329 = vector.broadcast %squeeze3A_322 : f32 to vector<16xf32>
        %mul3A_330 = arith.mulf %mul3A_329, %get3A_328 : vector<16xf32>
        %add3A_331 = arith.addf %add3A_251, %mul3A_330 : vector<16xf32>
        %add3A_332 = arith.constant 5 : i32
        %add3A_333 = arith.addi %mul3A_180, %add3A_332 : i32
        %get3A_334 = arith.index_cast %add3A_333 : i32 to index
        %get3A_335 = arith.constant 16 : index
        %get3A_336 = tpu.vector_load %arg19[%get3A_334, %get3A_335] {strides = array<i32>} : memref<1600x32xf32, #tpu.memory_space<vmem>>, vector<1x16xf32>,
        %get3A_337 = vector.shape_cast %get3A_336 : vector<1x16xf32> to vector<16xf32>
        %mul3A_338 = vector.broadcast %squeeze3A_322 : f32 to vector<16xf32>
        %mul3A_339 = arith.mulf %mul3A_338, %get3A_337 : vector<16xf32>
        %add3A_340 = arith.addf %add3A_260, %mul3A_339 : vector<16xf32>
        %slice3A_341 = vector.extract_strided_slice %get3A_186 {offsets = [6], sizes = [1], strides = [1]} : vector<16xf32> to vector<1xf32>
        %squeeze3A_342 = vector.extract %slice3A_341[0] : f32 from vector<1xf32>
        %add3A_343 = arith.constant 6 : i32
        %add3A_344 = arith.addi %mul3A_180, %add3A_343 : i32
        %get3A_345 = arith.index_cast %add3A_344 : i32 to index
        %get3A_346 = arith.constant 0 : index
        %get3A_347 = tpu.vector_load %arg19[%get3A_345, %get3A_346] {strides = array<i32>} : memref<1600x32xf32, #tpu.memory_space<vmem>>, vector<1x16xf32>,
        %get3A_348 = vector.shape_cast %get3A_347 : vector<1x16xf32> to vector<16xf32>
        %mul3A_349 = vector.broadcast %squeeze3A_342 : f32 to vector<16xf32>
        %mul3A_350 = arith.mulf %mul3A_349, %get3A_348 : vector<16xf32>
        %add3A_351 = arith.addf %add3A_271, %mul3A_350 : vector<16xf32>
        %add3A_352 = arith.constant 6 : i32
        %add3A_353 = arith.addi %mul3A_180, %add3A_352 : i32
        %get3A_354 = arith.index_cast %add3A_353 : i32 to index
        %get3A_355 = arith.constant 16 : index
        %get3A_356 = tpu.vector_load %arg19[%get3A_354, %get3A_355] {strides = array<i32>} : memref<1600x32xf32, #tpu.memory_space<vmem>>, vector<1x16xf32>,
        %get3A_357 = vector.shape_cast %get3A_356 : vector<1x16xf32> to vector<16xf32>
        %mul3A_358 = vector.broadcast %squeeze3A_342 : f32 to vector<16xf32>
        %mul3A_359 = arith.mulf %mul3A_358, %get3A_357 : vector<16xf32>
        %add3A_360 = arith.addf %add3A_280, %mul3A_359 : vector<16xf32>
        %slice3A_361 = vector.extract_strided_slice %get3A_186 {offsets = [7], sizes = [1], strides = [1]} : vector<16xf32> to vector<1xf32>
        %squeeze3A_362 = vector.extract %slice3A_361[0] : f32 from vector<1xf32>
        %add3A_363 = arith.constant 7 : i32
        %add3A_364 = arith.addi %mul3A_180, %add3A_363 : i32
        %get3A_365 = arith.index_cast %add3A_364 : i32 to index
        %get3A_366 = arith.constant 0 : index
        %get3A_367 = tpu.vector_load %arg19[%get3A_365, %get3A_366] {strides = array<i32>} : memref<1600x32xf32, #tpu.memory_space<vmem>>, vector<1x16xf32>,
        %get3A_368 = vector.shape_cast %get3A_367 : vector<1x16xf32> to vector<16xf32>
        %mul3A_369 = vector.broadcast %squeeze3A_362 : f32 to vector<16xf32>
        %mul3A_370 = arith.mulf %mul3A_369, %get3A_368 : vector<16xf32>
        %add3A_371 = arith.addf %add3A_291, %mul3A_370 : vector<16xf32>
        %add3A_372 = arith.constant 7 : i32
        %add3A_373 = arith.addi %mul3A_180, %add3A_372 : i32
        %get3A_374 = arith.index_cast %add3A_373 : i32 to index
        %get3A_375 = arith.constant 16 : index
        %get3A_376 = tpu.vector_load %arg19[%get3A_374, %get3A_375] {strides = array<i32>} : memref<1600x32xf32, #tpu.memory_space<vmem>>, vector<1x16xf32>,
        %get3A_377 = vector.shape_cast %get3A_376 : vector<1x16xf32> to vector<16xf32>
        %mul3A_378 = vector.broadcast %squeeze3A_362 : f32 to vector<16xf32>
        %mul3A_379 = arith.mulf %mul3A_378, %get3A_377 : vector<16xf32>
        %add3A_380 = arith.addf %add3A_300, %mul3A_379 : vector<16xf32>
        %slice3A_381 = vector.extract_strided_slice %get3A_186 {offsets = [8], sizes = [1], strides = [1]} : vector<16xf32> to vector<1xf32>
        %squeeze3A_382 = vector.extract %slice3A_381[0] : f32 from vector<1xf32>
        %add3A_383 = arith.constant 8 : i32
        %add3A_384 = arith.addi %mul3A_180, %add3A_383 : i32
        %get3A_385 = arith.index_cast %add3A_384 : i32 to index
        %get3A_386 = arith.constant 0 : index
        %get3A_387 = tpu.vector_load %arg19[%get3A_385, %get3A_386] {strides = array<i32>} : memref<1600x32xf32, #tpu.memory_space<vmem>>, vector<1x16xf32>,
        %get3A_388 = vector.shape_cast %get3A_387 : vector<1x16xf32> to vector<16xf32>
        %mul3A_389 = vector.broadcast %squeeze3A_382 : f32 to vector<16xf32>
        %mul3A_390 = arith.mulf %mul3A_389, %get3A_388 : vector<16xf32>
        %add3A_391 = arith.addf %add3A_311, %mul3A_390 : vector<16xf32>
        %add3A_392 = arith.constant 8 : i32
        %add3A_393 = arith.addi %mul3A_180, %add3A_392 : i32
        %get3A_394 = arith.index_cast %add3A_393 : i32 to index
        %get3A_395 = arith.constant 16 : index
        %get3A_396 = tpu.vector_load %arg19[%get3A_394, %get3A_395] {strides = array<i32>} : memref<1600x32xf32, #tpu.memory_space<vmem>>, vector<1x16xf32>,
        %get3A_397 = vector.shape_cast %get3A_396 : vector<1x16xf32> to vector<16xf32>
        %mul3A_398 = vector.broadcast %squeeze3A_382 : f32 to vector<16xf32>
        %mul3A_399 = arith.mulf %mul3A_398, %get3A_397 : vector<16xf32>
        %add3A_400 = arith.addf %add3A_320, %mul3A_399 : vector<16xf32>
        %slice3A_401 = vector.extract_strided_slice %get3A_186 {offsets = [9], sizes = [1], strides = [1]} : vector<16xf32> to vector<1xf32>
        %squeeze3A_402 = vector.extract %slice3A_401[0] : f32 from vector<1xf32>
        %add3A_403 = arith.constant 9 : i32
        %add3A_404 = arith.addi %mul3A_180, %add3A_403 : i32
        %get3A_405 = arith.index_cast %add3A_404 : i32 to index
        %get3A_406 = arith.constant 0 : index
        %get3A_407 = tpu.vector_load %arg19[%get3A_405, %get3A_406] {strides = array<i32>} : memref<1600x32xf32, #tpu.memory_space<vmem>>, vector<1x16xf32>,
        %get3A_408 = vector.shape_cast %get3A_407 : vector<1x16xf32> to vector<16xf32>
        %mul3A_409 = vector.broadcast %squeeze3A_402 : f32 to vector<16xf32>
        %mul3A_410 = arith.mulf %mul3A_409, %get3A_408 : vector<16xf32>
        %add3A_411 = arith.addf %add3A_331, %mul3A_410 : vector<16xf32>
        %add3A_412 = arith.constant 9 : i32
        %add3A_413 = arith.addi %mul3A_180, %add3A_412 : i32
        %get3A_414 = arith.index_cast %add3A_413 : i32 to index
        %get3A_415 = arith.constant 16 : index
        %get3A_416 = tpu.vector_load %arg19[%get3A_414, %get3A_415] {strides = array<i32>} : memref<1600x32xf32, #tpu.memory_space<vmem>>, vector<1x16xf32>,
        %get3A_417 = vector.shape_cast %get3A_416 : vector<1x16xf32> to vector<16xf32>
        %mul3A_418 = vector.broadcast %squeeze3A_402 : f32 to vector<16xf32>
        %mul3A_419 = arith.mulf %mul3A_418, %get3A_417 : vector<16xf32>
        %add3A_420 = arith.addf %add3A_340, %mul3A_419 : vector<16xf32>
        %slice3A_421 = vector.extract_strided_slice %get3A_186 {offsets = [10], sizes = [1], strides = [1]} : vector<16xf32> to vector<1xf32>
        %squeeze3A_422 = vector.extract %slice3A_421[0] : f32 from vector<1xf32>
        %add3A_423 = arith.constant 10 : i32
        %add3A_424 = arith.addi %mul3A_180, %add3A_423 : i32
        %get3A_425 = arith.index_cast %add3A_424 : i32 to index
        %get3A_426 = arith.constant 0 : index
        %get3A_427 = tpu.vector_load %arg19[%get3A_425, %get3A_426] {strides = array<i32>} : memref<1600x32xf32, #tpu.memory_space<vmem>>, vector<1x16xf32>,
        %get3A_428 = vector.shape_cast %get3A_427 : vector<1x16xf32> to vector<16xf32>
        %mul3A_429 = vector.broadcast %squeeze3A_422 : f32 to vector<16xf32>
        %mul3A_430 = arith.mulf %mul3A_429, %get3A_428 : vector<16xf32>
        %add3A_431 = arith.addf %add3A_351, %mul3A_430 : vector<16xf32>
        %add3A_432 = arith.constant 10 : i32
        %add3A_433 = arith.addi %mul3A_180, %add3A_432 : i32
        %get3A_434 = arith.index_cast %add3A_433 : i32 to index
        %get3A_435 = arith.constant 16 : index
        %get3A_436 = tpu.vector_load %arg19[%get3A_434, %get3A_435] {strides = array<i32>} : memref<1600x32xf32, #tpu.memory_space<vmem>>, vector<1x16xf32>,
        %get3A_437 = vector.shape_cast %get3A_436 : vector<1x16xf32> to vector<16xf32>
        %mul3A_438 = vector.broadcast %squeeze3A_422 : f32 to vector<16xf32>
        %mul3A_439 = arith.mulf %mul3A_438, %get3A_437 : vector<16xf32>
        %add3A_440 = arith.addf %add3A_360, %mul3A_439 : vector<16xf32>
        %slice3A_441 = vector.extract_strided_slice %get3A_186 {offsets = [11], sizes = [1], strides = [1]} : vector<16xf32> to vector<1xf32>
        %squeeze3A_442 = vector.extract %slice3A_441[0] : f32 from vector<1xf32>
        %add3A_443 = arith.constant 11 : i32
        %add3A_444 = arith.addi %mul3A_180, %add3A_443 : i32
        %get3A_445 = arith.index_cast %add3A_444 : i32 to index
        %get3A_446 = arith.constant 0 : index
        %get3A_447 = tpu.vector_load %arg19[%get3A_445, %get3A_446] {strides = array<i32>} : memref<1600x32xf32, #tpu.memory_space<vmem>>, vector<1x16xf32>,
        %get3A_448 = vector.shape_cast %get3A_447 : vector<1x16xf32> to vector<16xf32>
        %mul3A_449 = vector.broadcast %squeeze3A_442 : f32 to vector<16xf32>
        %mul3A_450 = arith.mulf %mul3A_449, %get3A_448 : vector<16xf32>
        %add3A_451 = arith.addf %add3A_371, %mul3A_450 : vector<16xf32>
        %add3A_452 = arith.constant 11 : i32
        %add3A_453 = arith.addi %mul3A_180, %add3A_452 : i32
        %get3A_454 = arith.index_cast %add3A_453 : i32 to index
        %get3A_455 = arith.constant 16 : index
        %get3A_456 = tpu.vector_load %arg19[%get3A_454, %get3A_455] {strides = array<i32>} : memref<1600x32xf32, #tpu.memory_space<vmem>>, vector<1x16xf32>,
        %get3A_457 = vector.shape_cast %get3A_456 : vector<1x16xf32> to vector<16xf32>
        %mul3A_458 = vector.broadcast %squeeze3A_442 : f32 to vector<16xf32>
        %mul3A_459 = arith.mulf %mul3A_458, %get3A_457 : vector<16xf32>
        %add3A_460 = arith.addf %add3A_380, %mul3A_459 : vector<16xf32>
        %slice3A_461 = vector.extract_strided_slice %get3A_186 {offsets = [12], sizes = [1], strides = [1]} : vector<16xf32> to vector<1xf32>
        %squeeze3A_462 = vector.extract %slice3A_461[0] : f32 from vector<1xf32>
        %add3A_463 = arith.constant 12 : i32
        %add3A_464 = arith.addi %mul3A_180, %add3A_463 : i32
        %get3A_465 = arith.index_cast %add3A_464 : i32 to index
        %get3A_466 = arith.constant 0 : index
        %get3A_467 = tpu.vector_load %arg19[%get3A_465, %get3A_466] {strides = array<i32>} : memref<1600x32xf32, #tpu.memory_space<vmem>>, vector<1x16xf32>,
        %get3A_468 = vector.shape_cast %get3A_467 : vector<1x16xf32> to vector<16xf32>
        %mul3A_469 = vector.broadcast %squeeze3A_462 : f32 to vector<16xf32>
        %mul3A_470 = arith.mulf %mul3A_469, %get3A_468 : vector<16xf32>
        %add3A_471 = arith.addf %add3A_391, %mul3A_470 : vector<16xf32>
        %add3A_472 = arith.constant 12 : i32
        %add3A_473 = arith.addi %mul3A_180, %add3A_472 : i32
        %get3A_474 = arith.index_cast %add3A_473 : i32 to index
        %get3A_475 = arith.constant 16 : index
        %get3A_476 = tpu.vector_load %arg19[%get3A_474, %get3A_475] {strides = array<i32>} : memref<1600x32xf32, #tpu.memory_space<vmem>>, vector<1x16xf32>,
        %get3A_477 = vector.shape_cast %get3A_476 : vector<1x16xf32> to vector<16xf32>
        %mul3A_478 = vector.broadcast %squeeze3A_462 : f32 to vector<16xf32>
        %mul3A_479 = arith.mulf %mul3A_478, %get3A_477 : vector<16xf32>
        %add3A_480 = arith.addf %add3A_400, %mul3A_479 : vector<16xf32>
        %slice3A_481 = vector.extract_strided_slice %get3A_186 {offsets = [13], sizes = [1], strides = [1]} : vector<16xf32> to vector<1xf32>
        %squeeze3A_482 = vector.extract %slice3A_481[0] : f32 from vector<1xf32>
        %add3A_483 = arith.constant 13 : i32
        %add3A_484 = arith.addi %mul3A_180, %add3A_483 : i32
        %get3A_485 = arith.index_cast %add3A_484 : i32 to index
        %get3A_486 = arith.constant 0 : index
        %get3A_487 = tpu.vector_load %arg19[%get3A_485, %get3A_486] {strides = array<i32>} : memref<1600x32xf32, #tpu.memory_space<vmem>>, vector<1x16xf32>,
        %get3A_488 = vector.shape_cast %get3A_487 : vector<1x16xf32> to vector<16xf32>
        %mul3A_489 = vector.broadcast %squeeze3A_482 : f32 to vector<16xf32>
        %mul3A_490 = arith.mulf %mul3A_489, %get3A_488 : vector<16xf32>
        %add3A_491 = arith.addf %add3A_411, %mul3A_490 : vector<16xf32>
        %add3A_492 = arith.constant 13 : i32
        %add3A_493 = arith.addi %mul3A_180, %add3A_492 : i32
        %get3A_494 = arith.index_cast %add3A_493 : i32 to index
        %get3A_495 = arith.constant 16 : index
        %get3A_496 = tpu.vector_load %arg19[%get3A_494, %get3A_495] {strides = array<i32>} : memref<1600x32xf32, #tpu.memory_space<vmem>>, vector<1x16xf32>,
        %get3A_497 = vector.shape_cast %get3A_496 : vector<1x16xf32> to vector<16xf32>
        %mul3A_498 = vector.broadcast %squeeze3A_482 : f32 to vector<16xf32>
        %mul3A_499 = arith.mulf %mul3A_498, %get3A_497 : vector<16xf32>
        %add3A_500 = arith.addf %add3A_420, %mul3A_499 : vector<16xf32>
        %slice3A_501 = vector.extract_strided_slice %get3A_186 {offsets = [14], sizes = [1], strides = [1]} : vector<16xf32> to vector<1xf32>
        %squeeze3A_502 = vector.extract %slice3A_501[0] : f32 from vector<1xf32>
        %add3A_503 = arith.constant 14 : i32
        %add3A_504 = arith.addi %mul3A_180, %add3A_503 : i32
        %get3A_505 = arith.index_cast %add3A_504 : i32 to index
        %get3A_506 = arith.constant 0 : index
        %get3A_507 = tpu.vector_load %arg19[%get3A_505, %get3A_506] {strides = array<i32>} : memref<1600x32xf32, #tpu.memory_space<vmem>>, vector<1x16xf32>,
        %get3A_508 = vector.shape_cast %get3A_507 : vector<1x16xf32> to vector<16xf32>
        %mul3A_509 = vector.broadcast %squeeze3A_502 : f32 to vector<16xf32>
        %mul3A_510 = arith.mulf %mul3A_509, %get3A_508 : vector<16xf32>
        %add3A_511 = arith.addf %add3A_431, %mul3A_510 : vector<16xf32>
        %add3A_512 = arith.constant 14 : i32
        %add3A_513 = arith.addi %mul3A_180, %add3A_512 : i32
        %get3A_514 = arith.index_cast %add3A_513 : i32 to index
        %get3A_515 = arith.constant 16 : index
        %get3A_516 = tpu.vector_load %arg19[%get3A_514, %get3A_515] {strides = array<i32>} : memref<1600x32xf32, #tpu.memory_space<vmem>>, vector<1x16xf32>,
        %get3A_517 = vector.shape_cast %get3A_516 : vector<1x16xf32> to vector<16xf32>
        %mul3A_518 = vector.broadcast %squeeze3A_502 : f32 to vector<16xf32>
        %mul3A_519 = arith.mulf %mul3A_518, %get3A_517 : vector<16xf32>
        %add3A_520 = arith.addf %add3A_440, %mul3A_519 : vector<16xf32>
        %slice3A_521 = vector.extract_strided_slice %get3A_186 {offsets = [15], sizes = [1], strides = [1]} : vector<16xf32> to vector<1xf32>
        %squeeze3A_522 = vector.extract %slice3A_521[0] : f32 from vector<1xf32>
        %add3A_523 = arith.constant 15 : i32
        %add3A_524 = arith.addi %mul3A_180, %add3A_523 : i32
        %get3A_525 = arith.index_cast %add3A_524 : i32 to index
        %get3A_526 = arith.constant 0 : index
        %get3A_527 = tpu.vector_load %arg19[%get3A_525, %get3A_526] {strides = array<i32>} : memref<1600x32xf32, #tpu.memory_space<vmem>>, vector<1x16xf32>,
        %get3A_528 = vector.shape_cast %get3A_527 : vector<1x16xf32> to vector<16xf32>
        %mul3A_529 = vector.broadcast %squeeze3A_522 : f32 to vector<16xf32>
        %mul3A_530 = arith.mulf %mul3A_529, %get3A_528 : vector<16xf32>
        %add3A_531 = arith.addf %add3A_451, %mul3A_530 : vector<16xf32>
        %add3A_532 = arith.constant 15 : i32
        %add3A_533 = arith.addi %mul3A_180, %add3A_532 : i32
        %get3A_534 = arith.index_cast %add3A_533 : i32 to index
        %get3A_535 = arith.constant 16 : index
        %get3A_536 = tpu.vector_load %arg19[%get3A_534, %get3A_535] {strides = array<i32>} : memref<1600x32xf32, #tpu.memory_space<vmem>>, vector<1x16xf32>,
        %get3A_537 = vector.shape_cast %get3A_536 : vector<1x16xf32> to vector<16xf32>
        %mul3A_538 = vector.broadcast %squeeze3A_522 : f32 to vector<16xf32>
        %mul3A_539 = arith.mulf %mul3A_538, %get3A_537 : vector<16xf32>
        %add3A_540 = arith.addf %add3A_460, %mul3A_539 : vector<16xf32>
        %slice3A_541 = vector.extract_strided_slice %get3A_193 {offsets = [0], sizes = [1], strides = [1]} : vector<16xf32> to vector<1xf32>
        %squeeze3A_542 = vector.extract %slice3A_541[0] : f32 from vector<1xf32>
        %add3A_543 = arith.constant 16 : i32
        %add3A_544 = arith.addi %mul3A_180, %add3A_543 : i32
        %get3A_545 = arith.index_cast %add3A_544 : i32 to index
        %get3A_546 = arith.constant 0 : index
        %get3A_547 = tpu.vector_load %arg19[%get3A_545, %get3A_546] {strides = array<i32>} : memref<1600x32xf32, #tpu.memory_space<vmem>>, vector<1x16xf32>,
        %get3A_548 = vector.shape_cast %get3A_547 : vector<1x16xf32> to vector<16xf32>
        %mul3A_549 = vector.broadcast %squeeze3A_542 : f32 to vector<16xf32>
        %mul3A_550 = arith.mulf %mul3A_549, %get3A_548 : vector<16xf32>
        %add3A_551 = arith.addf %add3A_471, %mul3A_550 : vector<16xf32>
        %add3A_552 = arith.constant 16 : i32
        %add3A_553 = arith.addi %mul3A_180, %add3A_552 : i32
        %get3A_554 = arith.index_cast %add3A_553 : i32 to index
        %get3A_555 = arith.constant 16 : index
        %get3A_556 = tpu.vector_load %arg19[%get3A_554, %get3A_555] {strides = array<i32>} : memref<1600x32xf32, #tpu.memory_space<vmem>>, vector<1x16xf32>,
        %get3A_557 = vector.shape_cast %get3A_556 : vector<1x16xf32> to vector<16xf32>
        %mul3A_558 = vector.broadcast %squeeze3A_542 : f32 to vector<16xf32>
        %mul3A_559 = arith.mulf %mul3A_558, %get3A_557 : vector<16xf32>
        %add3A_560 = arith.addf %add3A_480, %mul3A_559 : vector<16xf32>
        %slice3A_561 = vector.extract_strided_slice %get3A_193 {offsets = [1], sizes = [1], strides = [1]} : vector<16xf32> to vector<1xf32>
        %squeeze3A_562 = vector.extract %slice3A_561[0] : f32 from vector<1xf32>
        %add3A_563 = arith.constant 17 : i32
        %add3A_564 = arith.addi %mul3A_180, %add3A_563 : i32
        %get3A_565 = arith.index_cast %add3A_564 : i32 to index
        %get3A_566 = arith.constant 0 : index
        %get3A_567 = tpu.vector_load %arg19[%get3A_565, %get3A_566] {strides = array<i32>} : memref<1600x32xf32, #tpu.memory_space<vmem>>, vector<1x16xf32>,
        %get3A_568 = vector.shape_cast %get3A_567 : vector<1x16xf32> to vector<16xf32>
        %mul3A_569 = vector.broadcast %squeeze3A_562 : f32 to vector<16xf32>
        %mul3A_570 = arith.mulf %mul3A_569, %get3A_568 : vector<16xf32>
        %add3A_571 = arith.addf %add3A_491, %mul3A_570 : vector<16xf32>
        %add3A_572 = arith.constant 17 : i32
        %add3A_573 = arith.addi %mul3A_180, %add3A_572 : i32
        %get3A_574 = arith.index_cast %add3A_573 : i32 to index
        %get3A_575 = arith.constant 16 : index
        %get3A_576 = tpu.vector_load %arg19[%get3A_574, %get3A_575] {strides = array<i32>} : memref<1600x32xf32, #tpu.memory_space<vmem>>, vector<1x16xf32>,
        %get3A_577 = vector.shape_cast %get3A_576 : vector<1x16xf32> to vector<16xf32>
        %mul3A_578 = vector.broadcast %squeeze3A_562 : f32 to vector<16xf32>
        %mul3A_579 = arith.mulf %mul3A_578, %get3A_577 : vector<16xf32>
        %add3A_580 = arith.addf %add3A_500, %mul3A_579 : vector<16xf32>
        %slice3A_581 = vector.extract_strided_slice %get3A_193 {offsets = [2], sizes = [1], strides = [1]} : vector<16xf32> to vector<1xf32>
        %squeeze3A_582 = vector.extract %slice3A_581[0] : f32 from vector<1xf32>
        %add3A_583 = arith.constant 18 : i32
        %add3A_584 = arith.addi %mul3A_180, %add3A_583 : i32
        %get3A_585 = arith.index_cast %add3A_584 : i32 to index
        %get3A_586 = arith.constant 0 : index
        %get3A_587 = tpu.vector_load %arg19[%get3A_585, %get3A_586] {strides = array<i32>} : memref<1600x32xf32, #tpu.memory_space<vmem>>, vector<1x16xf32>,
        %get3A_588 = vector.shape_cast %get3A_587 : vector<1x16xf32> to vector<16xf32>
        %mul3A_589 = vector.broadcast %squeeze3A_582 : f32 to vector<16xf32>
        %mul3A_590 = arith.mulf %mul3A_589, %get3A_588 : vector<16xf32>
        %add3A_591 = arith.addf %add3A_511, %mul3A_590 : vector<16xf32>
        %add3A_592 = arith.constant 18 : i32
        %add3A_593 = arith.addi %mul3A_180, %add3A_592 : i32
        %get3A_594 = arith.index_cast %add3A_593 : i32 to index
        %get3A_595 = arith.constant 16 : index
        %get3A_596 = tpu.vector_load %arg19[%get3A_594, %get3A_595] {strides = array<i32>} : memref<1600x32xf32, #tpu.memory_space<vmem>>, vector<1x16xf32>,
        %get3A_597 = vector.shape_cast %get3A_596 : vector<1x16xf32> to vector<16xf32>
        %mul3A_598 = vector.broadcast %squeeze3A_582 : f32 to vector<16xf32>
        %mul3A_599 = arith.mulf %mul3A_598, %get3A_597 : vector<16xf32>
        %add3A_600 = arith.addf %add3A_520, %mul3A_599 : vector<16xf32>
        %slice3A_601 = vector.extract_strided_slice %get3A_193 {offsets = [3], sizes = [1], strides = [1]} : vector<16xf32> to vector<1xf32>
        %squeeze3A_602 = vector.extract %slice3A_601[0] : f32 from vector<1xf32>
        %add3A_603 = arith.constant 19 : i32
        %add3A_604 = arith.addi %mul3A_180, %add3A_603 : i32
        %get3A_605 = arith.index_cast %add3A_604 : i32 to index
        %get3A_606 = arith.constant 0 : index
        %get3A_607 = tpu.vector_load %arg19[%get3A_605, %get3A_606] {strides = array<i32>} : memref<1600x32xf32, #tpu.memory_space<vmem>>, vector<1x16xf32>,
        %get3A_608 = vector.shape_cast %get3A_607 : vector<1x16xf32> to vector<16xf32>
        %mul3A_609 = vector.broadcast %squeeze3A_602 : f32 to vector<16xf32>
        %mul3A_610 = arith.mulf %mul3A_609, %get3A_608 : vector<16xf32>
        %add3A_611 = arith.addf %add3A_531, %mul3A_610 : vector<16xf32>
        %add3A_612 = arith.constant 19 : i32
        %add3A_613 = arith.addi %mul3A_180, %add3A_612 : i32
        %get3A_614 = arith.index_cast %add3A_613 : i32 to index
        %get3A_615 = arith.constant 16 : index
        %get3A_616 = tpu.vector_load %arg19[%get3A_614, %get3A_615] {strides = array<i32>} : memref<1600x32xf32, #tpu.memory_space<vmem>>, vector<1x16xf32>,
        %get3A_617 = vector.shape_cast %get3A_616 : vector<1x16xf32> to vector<16xf32>
        %mul3A_618 = vector.broadcast %squeeze3A_602 : f32 to vector<16xf32>
        %mul3A_619 = arith.mulf %mul3A_618, %get3A_617 : vector<16xf32>
        %add3A_620 = arith.addf %add3A_540, %mul3A_619 : vector<16xf32>
        %slice3A_621 = vector.extract_strided_slice %get3A_193 {offsets = [4], sizes = [1], strides = [1]} : vector<16xf32> to vector<1xf32>
        %squeeze3A_622 = vector.extract %slice3A_621[0] : f32 from vector<1xf32>
        %add3A_623 = arith.constant 20 : i32
        %add3A_624 = arith.addi %mul3A_180, %add3A_623 : i32
        %get3A_625 = arith.index_cast %add3A_624 : i32 to index
        %get3A_626 = arith.constant 0 : index
        %get3A_627 = tpu.vector_load %arg19[%get3A_625, %get3A_626] {strides = array<i32>} : memref<1600x32xf32, #tpu.memory_space<vmem>>, vector<1x16xf32>,
        %get3A_628 = vector.shape_cast %get3A_627 : vector<1x16xf32> to vector<16xf32>
        %mul3A_629 = vector.broadcast %squeeze3A_622 : f32 to vector<16xf32>
        %mul3A_630 = arith.mulf %mul3A_629, %get3A_628 : vector<16xf32>
        %add3A_631 = arith.addf %add3A_551, %mul3A_630 : vector<16xf32>
        %add3A_632 = arith.constant 20 : i32
        %add3A_633 = arith.addi %mul3A_180, %add3A_632 : i32
        %get3A_634 = arith.index_cast %add3A_633 : i32 to index
        %get3A_635 = arith.constant 16 : index
        %get3A_636 = tpu.vector_load %arg19[%get3A_634, %get3A_635] {strides = array<i32>} : memref<1600x32xf32, #tpu.memory_space<vmem>>, vector<1x16xf32>,
        %get3A_637 = vector.shape_cast %get3A_636 : vector<1x16xf32> to vector<16xf32>
        %mul3A_638 = vector.broadcast %squeeze3A_622 : f32 to vector<16xf32>
        %mul3A_639 = arith.mulf %mul3A_638, %get3A_637 : vector<16xf32>
        %add3A_640 = arith.addf %add3A_560, %mul3A_639 : vector<16xf32>
        %slice3A_641 = vector.extract_strided_slice %get3A_193 {offsets = [5], sizes = [1], strides = [1]} : vector<16xf32> to vector<1xf32>
        %squeeze3A_642 = vector.extract %slice3A_641[0] : f32 from vector<1xf32>
        %add3A_643 = arith.constant 21 : i32
        %add3A_644 = arith.addi %mul3A_180, %add3A_643 : i32
        %get3A_645 = arith.index_cast %add3A_644 : i32 to index
        %get3A_646 = arith.constant 0 : index
        %get3A_647 = tpu.vector_load %arg19[%get3A_645, %get3A_646] {strides = array<i32>} : memref<1600x32xf32, #tpu.memory_space<vmem>>, vector<1x16xf32>,
        %get3A_648 = vector.shape_cast %get3A_647 : vector<1x16xf32> to vector<16xf32>
        %mul3A_649 = vector.broadcast %squeeze3A_642 : f32 to vector<16xf32>
        %mul3A_650 = arith.mulf %mul3A_649, %get3A_648 : vector<16xf32>
        %add3A_651 = arith.addf %add3A_571, %mul3A_650 : vector<16xf32>
        %add3A_652 = arith.constant 21 : i32
        %add3A_653 = arith.addi %mul3A_180, %add3A_652 : i32
        %get3A_654 = arith.index_cast %add3A_653 : i32 to index
        %get3A_655 = arith.constant 16 : index
        %get3A_656 = tpu.vector_load %arg19[%get3A_654, %get3A_655] {strides = array<i32>} : memref<1600x32xf32, #tpu.memory_space<vmem>>, vector<1x16xf32>,
        %get3A_657 = vector.shape_cast %get3A_656 : vector<1x16xf32> to vector<16xf32>
        %mul3A_658 = vector.broadcast %squeeze3A_642 : f32 to vector<16xf32>
        %mul3A_659 = arith.mulf %mul3A_658, %get3A_657 : vector<16xf32>
        %add3A_660 = arith.addf %add3A_580, %mul3A_659 : vector<16xf32>
        %slice3A_661 = vector.extract_strided_slice %get3A_193 {offsets = [6], sizes = [1], strides = [1]} : vector<16xf32> to vector<1xf32>
        %squeeze3A_662 = vector.extract %slice3A_661[0] : f32 from vector<1xf32>
        %add3A_663 = arith.constant 22 : i32
        %add3A_664 = arith.addi %mul3A_180, %add3A_663 : i32
        %get3A_665 = arith.index_cast %add3A_664 : i32 to index
        %get3A_666 = arith.constant 0 : index
        %get3A_667 = tpu.vector_load %arg19[%get3A_665, %get3A_666] {strides = array<i32>} : memref<1600x32xf32, #tpu.memory_space<vmem>>, vector<1x16xf32>,
        %get3A_668 = vector.shape_cast %get3A_667 : vector<1x16xf32> to vector<16xf32>
        %mul3A_669 = vector.broadcast %squeeze3A_662 : f32 to vector<16xf32>
        %mul3A_670 = arith.mulf %mul3A_669, %get3A_668 : vector<16xf32>
        %add3A_671 = arith.addf %add3A_591, %mul3A_670 : vector<16xf32>
        %add3A_672 = arith.constant 22 : i32
        %add3A_673 = arith.addi %mul3A_180, %add3A_672 : i32
        %get3A_674 = arith.index_cast %add3A_673 : i32 to index
        %get3A_675 = arith.constant 16 : index
        %get3A_676 = tpu.vector_load %arg19[%get3A_674, %get3A_675] {strides = array<i32>} : memref<1600x32xf32, #tpu.memory_space<vmem>>, vector<1x16xf32>,
        %get3A_677 = vector.shape_cast %get3A_676 : vector<1x16xf32> to vector<16xf32>
        %mul3A_678 = vector.broadcast %squeeze3A_662 : f32 to vector<16xf32>
        %mul3A_679 = arith.mulf %mul3A_678, %get3A_677 : vector<16xf32>
        %add3A_680 = arith.addf %add3A_600, %mul3A_679 : vector<16xf32>
        %slice3A_681 = vector.extract_strided_slice %get3A_193 {offsets = [7], sizes = [1], strides = [1]} : vector<16xf32> to vector<1xf32>
        %squeeze3A_682 = vector.extract %slice3A_681[0] : f32 from vector<1xf32>
        %add3A_683 = arith.constant 23 : i32
        %add3A_684 = arith.addi %mul3A_180, %add3A_683 : i32
        %get3A_685 = arith.index_cast %add3A_684 : i32 to index
        %get3A_686 = arith.constant 0 : index
        %get3A_687 = tpu.vector_load %arg19[%get3A_685, %get3A_686] {strides = array<i32>} : memref<1600x32xf32, #tpu.memory_space<vmem>>, vector<1x16xf32>,
        %get3A_688 = vector.shape_cast %get3A_687 : vector<1x16xf32> to vector<16xf32>
        %mul3A_689 = vector.broadcast %squeeze3A_682 : f32 to vector<16xf32>
        %mul3A_690 = arith.mulf %mul3A_689, %get3A_688 : vector<16xf32>
        %add3A_691 = arith.addf %add3A_611, %mul3A_690 : vector<16xf32>
        %add3A_692 = arith.constant 23 : i32
        %add3A_693 = arith.addi %mul3A_180, %add3A_692 : i32
        %get3A_694 = arith.index_cast %add3A_693 : i32 to index
        %get3A_695 = arith.constant 16 : index
        %get3A_696 = tpu.vector_load %arg19[%get3A_694, %get3A_695] {strides = array<i32>} : memref<1600x32xf32, #tpu.memory_space<vmem>>, vector<1x16xf32>,
        %get3A_697 = vector.shape_cast %get3A_696 : vector<1x16xf32> to vector<16xf32>
        %mul3A_698 = vector.broadcast %squeeze3A_682 : f32 to vector<16xf32>
        %mul3A_699 = arith.mulf %mul3A_698, %get3A_697 : vector<16xf32>
        %add3A_700 = arith.addf %add3A_620, %mul3A_699 : vector<16xf32>
        %slice3A_701 = vector.extract_strided_slice %get3A_193 {offsets = [8], sizes = [1], strides = [1]} : vector<16xf32> to vector<1xf32>
        %squeeze3A_702 = vector.extract %slice3A_701[0] : f32 from vector<1xf32>
        %add3A_703 = arith.constant 24 : i32
        %add3A_704 = arith.addi %mul3A_180, %add3A_703 : i32
        %get3A_705 = arith.index_cast %add3A_704 : i32 to index
        %get3A_706 = arith.constant 0 : index
        %get3A_707 = tpu.vector_load %arg19[%get3A_705, %get3A_706] {strides = array<i32>} : memref<1600x32xf32, #tpu.memory_space<vmem>>, vector<1x16xf32>,
        %get3A_708 = vector.shape_cast %get3A_707 : vector<1x16xf32> to vector<16xf32>
        %mul3A_709 = vector.broadcast %squeeze3A_702 : f32 to vector<16xf32>
        %mul3A_710 = arith.mulf %mul3A_709, %get3A_708 : vector<16xf32>
        %add3A_711 = arith.addf %add3A_631, %mul3A_710 : vector<16xf32>
        %add3A_712 = arith.constant 24 : i32
        %add3A_713 = arith.addi %mul3A_180, %add3A_712 : i32
        %get3A_714 = arith.index_cast %add3A_713 : i32 to index
        %get3A_715 = arith.constant 16 : index
        %get3A_716 = tpu.vector_load %arg19[%get3A_714, %get3A_715] {strides = array<i32>} : memref<1600x32xf32, #tpu.memory_space<vmem>>, vector<1x16xf32>,
        %get3A_717 = vector.shape_cast %get3A_716 : vector<1x16xf32> to vector<16xf32>
        %mul3A_718 = vector.broadcast %squeeze3A_702 : f32 to vector<16xf32>
        %mul3A_719 = arith.mulf %mul3A_718, %get3A_717 : vector<16xf32>
        %add3A_720 = arith.addf %add3A_640, %mul3A_719 : vector<16xf32>
        %slice3A_721 = vector.extract_strided_slice %get3A_193 {offsets = [9], sizes = [1], strides = [1]} : vector<16xf32> to vector<1xf32>
        %squeeze3A_722 = vector.extract %slice3A_721[0] : f32 from vector<1xf32>
        %add3A_723 = arith.constant 25 : i32
        %add3A_724 = arith.addi %mul3A_180, %add3A_723 : i32
        %get3A_725 = arith.index_cast %add3A_724 : i32 to index
        %get3A_726 = arith.constant 0 : index
        %get3A_727 = tpu.vector_load %arg19[%get3A_725, %get3A_726] {strides = array<i32>} : memref<1600x32xf32, #tpu.memory_space<vmem>>, vector<1x16xf32>,
        %get3A_728 = vector.shape_cast %get3A_727 : vector<1x16xf32> to vector<16xf32>
        %mul3A_729 = vector.broadcast %squeeze3A_722 : f32 to vector<16xf32>
        %mul3A_730 = arith.mulf %mul3A_729, %get3A_728 : vector<16xf32>
        %add3A_731 = arith.addf %add3A_651, %mul3A_730 : vector<16xf32>
        %add3A_732 = arith.constant 25 : i32
        %add3A_733 = arith.addi %mul3A_180, %add3A_732 : i32
        %get3A_734 = arith.index_cast %add3A_733 : i32 to index
        %get3A_735 = arith.constant 16 : index
        %get3A_736 = tpu.vector_load %arg19[%get3A_734, %get3A_735] {strides = array<i32>} : memref<1600x32xf32, #tpu.memory_space<vmem>>, vector<1x16xf32>,
        %get3A_737 = vector.shape_cast %get3A_736 : vector<1x16xf32> to vector<16xf32>
        %mul3A_738 = vector.broadcast %squeeze3A_722 : f32 to vector<16xf32>
        %mul3A_739 = arith.mulf %mul3A_738, %get3A_737 : vector<16xf32>
        %add3A_740 = arith.addf %add3A_660, %mul3A_739 : vector<16xf32>
        %slice3A_741 = vector.extract_strided_slice %get3A_193 {offsets = [10], sizes = [1], strides = [1]} : vector<16xf32> to vector<1xf32>
        %squeeze3A_742 = vector.extract %slice3A_741[0] : f32 from vector<1xf32>
        %add3A_743 = arith.constant 26 : i32
        %add3A_744 = arith.addi %mul3A_180, %add3A_743 : i32
        %get3A_745 = arith.index_cast %add3A_744 : i32 to index
        %get3A_746 = arith.constant 0 : index
        %get3A_747 = tpu.vector_load %arg19[%get3A_745, %get3A_746] {strides = array<i32>} : memref<1600x32xf32, #tpu.memory_space<vmem>>, vector<1x16xf32>,
        %get3A_748 = vector.shape_cast %get3A_747 : vector<1x16xf32> to vector<16xf32>
        %mul3A_749 = vector.broadcast %squeeze3A_742 : f32 to vector<16xf32>
        %mul3A_750 = arith.mulf %mul3A_749, %get3A_748 : vector<16xf32>
        %add3A_751 = arith.addf %add3A_671, %mul3A_750 : vector<16xf32>
        %add3A_752 = arith.constant 26 : i32
        %add3A_753 = arith.addi %mul3A_180, %add3A_752 : i32
        %get3A_754 = arith.index_cast %add3A_753 : i32 to index
        %get3A_755 = arith.constant 16 : index
        %get3A_756 = tpu.vector_load %arg19[%get3A_754, %get3A_755] {strides = array<i32>} : memref<1600x32xf32, #tpu.memory_space<vmem>>, vector<1x16xf32>,
        %get3A_757 = vector.shape_cast %get3A_756 : vector<1x16xf32> to vector<16xf32>
        %mul3A_758 = vector.broadcast %squeeze3A_742 : f32 to vector<16xf32>
        %mul3A_759 = arith.mulf %mul3A_758, %get3A_757 : vector<16xf32>
        %add3A_760 = arith.addf %add3A_680, %mul3A_759 : vector<16xf32>
        %slice3A_761 = vector.extract_strided_slice %get3A_193 {offsets = [11], sizes = [1], strides = [1]} : vector<16xf32> to vector<1xf32>
        %squeeze3A_762 = vector.extract %slice3A_761[0] : f32 from vector<1xf32>
        %add3A_763 = arith.constant 27 : i32
        %add3A_764 = arith.addi %mul3A_180, %add3A_763 : i32
        %get3A_765 = arith.index_cast %add3A_764 : i32 to index
        %get3A_766 = arith.constant 0 : index
        %get3A_767 = tpu.vector_load %arg19[%get3A_765, %get3A_766] {strides = array<i32>} : memref<1600x32xf32, #tpu.memory_space<vmem>>, vector<1x16xf32>,
        %get3A_768 = vector.shape_cast %get3A_767 : vector<1x16xf32> to vector<16xf32>
        %mul3A_769 = vector.broadcast %squeeze3A_762 : f32 to vector<16xf32>
        %mul3A_770 = arith.mulf %mul3A_769, %get3A_768 : vector<16xf32>
        %add3A_771 = arith.addf %add3A_691, %mul3A_770 : vector<16xf32>
        %add3A_772 = arith.constant 27 : i32
        %add3A_773 = arith.addi %mul3A_180, %add3A_772 : i32
        %get3A_774 = arith.index_cast %add3A_773 : i32 to index
        %get3A_775 = arith.constant 16 : index
        %get3A_776 = tpu.vector_load %arg19[%get3A_774, %get3A_775] {strides = array<i32>} : memref<1600x32xf32, #tpu.memory_space<vmem>>, vector<1x16xf32>,
        %get3A_777 = vector.shape_cast %get3A_776 : vector<1x16xf32> to vector<16xf32>
        %mul3A_778 = vector.broadcast %squeeze3A_762 : f32 to vector<16xf32>
        %mul3A_779 = arith.mulf %mul3A_778, %get3A_777 : vector<16xf32>
        %add3A_780 = arith.addf %add3A_700, %mul3A_779 : vector<16xf32>
        %slice3A_781 = vector.extract_strided_slice %get3A_193 {offsets = [12], sizes = [1], strides = [1]} : vector<16xf32> to vector<1xf32>
        %squeeze3A_782 = vector.extract %slice3A_781[0] : f32 from vector<1xf32>
        %add3A_783 = arith.constant 28 : i32
        %add3A_784 = arith.addi %mul3A_180, %add3A_783 : i32
        %get3A_785 = arith.index_cast %add3A_784 : i32 to index
        %get3A_786 = arith.constant 0 : index
        %get3A_787 = tpu.vector_load %arg19[%get3A_785, %get3A_786] {strides = array<i32>} : memref<1600x32xf32, #tpu.memory_space<vmem>>, vector<1x16xf32>,
        %get3A_788 = vector.shape_cast %get3A_787 : vector<1x16xf32> to vector<16xf32>
        %mul3A_789 = vector.broadcast %squeeze3A_782 : f32 to vector<16xf32>
        %mul3A_790 = arith.mulf %mul3A_789, %get3A_788 : vector<16xf32>
        %add3A_791 = arith.addf %add3A_711, %mul3A_790 : vector<16xf32>
        %add3A_792 = arith.constant 28 : i32
        %add3A_793 = arith.addi %mul3A_180, %add3A_792 : i32
        %get3A_794 = arith.index_cast %add3A_793 : i32 to index
        %get3A_795 = arith.constant 16 : index
        %get3A_796 = tpu.vector_load %arg19[%get3A_794, %get3A_795] {strides = array<i32>} : memref<1600x32xf32, #tpu.memory_space<vmem>>, vector<1x16xf32>,
        %get3A_797 = vector.shape_cast %get3A_796 : vector<1x16xf32> to vector<16xf32>
        %mul3A_798 = vector.broadcast %squeeze3A_782 : f32 to vector<16xf32>
        %mul3A_799 = arith.mulf %mul3A_798, %get3A_797 : vector<16xf32>
        %add3A_800 = arith.addf %add3A_720, %mul3A_799 : vector<16xf32>
        %slice3A_801 = vector.extract_strided_slice %get3A_193 {offsets = [13], sizes = [1], strides = [1]} : vector<16xf32> to vector<1xf32>
        %squeeze3A_802 = vector.extract %slice3A_801[0] : f32 from vector<1xf32>
        %add3A_803 = arith.constant 29 : i32
        %add3A_804 = arith.addi %mul3A_180, %add3A_803 : i32
        %get3A_805 = arith.index_cast %add3A_804 : i32 to index
        %get3A_806 = arith.constant 0 : index
        %get3A_807 = tpu.vector_load %arg19[%get3A_805, %get3A_806] {strides = array<i32>} : memref<1600x32xf32, #tpu.memory_space<vmem>>, vector<1x16xf32>,
        %get3A_808 = vector.shape_cast %get3A_807 : vector<1x16xf32> to vector<16xf32>
        %mul3A_809 = vector.broadcast %squeeze3A_802 : f32 to vector<16xf32>
        %mul3A_810 = arith.mulf %mul3A_809, %get3A_808 : vector<16xf32>
        %add3A_811 = arith.addf %add3A_731, %mul3A_810 : vector<16xf32>
        %add3A_812 = arith.constant 29 : i32
        %add3A_813 = arith.addi %mul3A_180, %add3A_812 : i32
        %get3A_814 = arith.index_cast %add3A_813 : i32 to index
        %get3A_815 = arith.constant 16 : index
        %get3A_816 = tpu.vector_load %arg19[%get3A_814, %get3A_815] {strides = array<i32>} : memref<1600x32xf32, #tpu.memory_space<vmem>>, vector<1x16xf32>,
        %get3A_817 = vector.shape_cast %get3A_816 : vector<1x16xf32> to vector<16xf32>
        %mul3A_818 = vector.broadcast %squeeze3A_802 : f32 to vector<16xf32>
        %mul3A_819 = arith.mulf %mul3A_818, %get3A_817 : vector<16xf32>
        %add3A_820 = arith.addf %add3A_740, %mul3A_819 : vector<16xf32>
        %slice3A_821 = vector.extract_strided_slice %get3A_193 {offsets = [14], sizes = [1], strides = [1]} : vector<16xf32> to vector<1xf32>
        %squeeze3A_822 = vector.extract %slice3A_821[0] : f32 from vector<1xf32>
        %add3A_823 = arith.constant 30 : i32
        %add3A_824 = arith.addi %mul3A_180, %add3A_823 : i32
        %get3A_825 = arith.index_cast %add3A_824 : i32 to index
        %get3A_826 = arith.constant 0 : index
        %get3A_827 = tpu.vector_load %arg19[%get3A_825, %get3A_826] {strides = array<i32>} : memref<1600x32xf32, #tpu.memory_space<vmem>>, vector<1x16xf32>,
        %get3A_828 = vector.shape_cast %get3A_827 : vector<1x16xf32> to vector<16xf32>
        %mul3A_829 = vector.broadcast %squeeze3A_822 : f32 to vector<16xf32>
        %mul3A_830 = arith.mulf %mul3A_829, %get3A_828 : vector<16xf32>
        %add3A_831 = arith.addf %add3A_751, %mul3A_830 : vector<16xf32>
        %add3A_832 = arith.constant 30 : i32
        %add3A_833 = arith.addi %mul3A_180, %add3A_832 : i32
        %get3A_834 = arith.index_cast %add3A_833 : i32 to index
        %get3A_835 = arith.constant 16 : index
        %get3A_836 = tpu.vector_load %arg19[%get3A_834, %get3A_835] {strides = array<i32>} : memref<1600x32xf32, #tpu.memory_space<vmem>>, vector<1x16xf32>,
        %get3A_837 = vector.shape_cast %get3A_836 : vector<1x16xf32> to vector<16xf32>
        %mul3A_838 = vector.broadcast %squeeze3A_822 : f32 to vector<16xf32>
        %mul3A_839 = arith.mulf %mul3A_838, %get3A_837 : vector<16xf32>
        %add3A_840 = arith.addf %add3A_760, %mul3A_839 : vector<16xf32>
        %slice3A_841 = vector.extract_strided_slice %get3A_193 {offsets = [15], sizes = [1], strides = [1]} : vector<16xf32> to vector<1xf32>
        %squeeze3A_842 = vector.extract %slice3A_841[0] : f32 from vector<1xf32>
        %add3A_843 = arith.constant 31 : i32
        %add3A_844 = arith.addi %mul3A_180, %add3A_843 : i32
        %get3A_845 = arith.index_cast %add3A_844 : i32 to index
        %get3A_846 = arith.constant 0 : index
        %get3A_847 = tpu.vector_load %arg19[%get3A_845, %get3A_846] {strides = array<i32>} : memref<1600x32xf32, #tpu.memory_space<vmem>>, vector<1x16xf32>,
        %get3A_848 = vector.shape_cast %get3A_847 : vector<1x16xf32> to vector<16xf32>
        %mul3A_849 = vector.broadcast %squeeze3A_842 : f32 to vector<16xf32>
        %mul3A_850 = arith.mulf %mul3A_849, %get3A_848 : vector<16xf32>
        %add3A_851 = arith.addf %add3A_771, %mul3A_850 : vector<16xf32>
        %add3A_852 = arith.constant 31 : i32
        %add3A_853 = arith.addi %mul3A_180, %add3A_852 : i32
        %get3A_854 = arith.index_cast %add3A_853 : i32 to index
        %get3A_855 = arith.constant 16 : index
        %get3A_856 = tpu.vector_load %arg19[%get3A_854, %get3A_855] {strides = array<i32>} : memref<1600x32xf32, #tpu.memory_space<vmem>>, vector<1x16xf32>,
        %get3A_857 = vector.shape_cast %get3A_856 : vector<1x16xf32> to vector<16xf32>
        %mul3A_858 = vector.broadcast %squeeze3A_842 : f32 to vector<16xf32>
        %mul3A_859 = arith.mulf %mul3A_858, %get3A_857 : vector<16xf32>
        %add3A_860 = arith.addf %add3A_780, %mul3A_859 : vector<16xf32>
        %slice3A_861 = vector.extract_strided_slice %get3A_200 {offsets = [0], sizes = [1], strides = [1]} : vector<16xf32> to vector<1xf32>
        %squeeze3A_862 = vector.extract %slice3A_861[0] : f32 from vector<1xf32>
        %add3A_863 = arith.constant 32 : i32
        %add3A_864 = arith.addi %mul3A_180, %add3A_863 : i32
        %get3A_865 = arith.index_cast %add3A_864 : i32 to index
        %get3A_866 = arith.constant 0 : index
        %get3A_867 = tpu.vector_load %arg19[%get3A_865, %get3A_866] {strides = array<i32>} : memref<1600x32xf32, #tpu.memory_space<vmem>>, vector<1x16xf32>,
        %get3A_868 = vector.shape_cast %get3A_867 : vector<1x16xf32> to vector<16xf32>
        %mul3A_869 = vector.broadcast %squeeze3A_862 : f32 to vector<16xf32>
        %mul3A_870 = arith.mulf %mul3A_869, %get3A_868 : vector<16xf32>
        %add3A_871 = arith.addf %add3A_791, %mul3A_870 : vector<16xf32>
        %add3A_872 = arith.constant 32 : i32
        %add3A_873 = arith.addi %mul3A_180, %add3A_872 : i32
        %get3A_874 = arith.index_cast %add3A_873 : i32 to index
        %get3A_875 = arith.constant 16 : index
        %get3A_876 = tpu.vector_load %arg19[%get3A_874, %get3A_875] {strides = array<i32>} : memref<1600x32xf32, #tpu.memory_space<vmem>>, vector<1x16xf32>,
        %get3A_877 = vector.shape_cast %get3A_876 : vector<1x16xf32> to vector<16xf32>
        %mul3A_878 = vector.broadcast %squeeze3A_862 : f32 to vector<16xf32>
        %mul3A_879 = arith.mulf %mul3A_878, %get3A_877 : vector<16xf32>
        %add3A_880 = arith.addf %add3A_800, %mul3A_879 : vector<16xf32>
        %slice3A_881 = vector.extract_strided_slice %get3A_200 {offsets = [1], sizes = [1], strides = [1]} : vector<16xf32> to vector<1xf32>
        %squeeze3A_882 = vector.extract %slice3A_881[0] : f32 from vector<1xf32>
        %add3A_883 = arith.constant 33 : i32
        %add3A_884 = arith.addi %mul3A_180, %add3A_883 : i32
        %get3A_885 = arith.index_cast %add3A_884 : i32 to index
        %get3A_886 = arith.constant 0 : index
        %get3A_887 = tpu.vector_load %arg19[%get3A_885, %get3A_886] {strides = array<i32>} : memref<1600x32xf32, #tpu.memory_space<vmem>>, vector<1x16xf32>,
        %get3A_888 = vector.shape_cast %get3A_887 : vector<1x16xf32> to vector<16xf32>
        %mul3A_889 = vector.broadcast %squeeze3A_882 : f32 to vector<16xf32>
        %mul3A_890 = arith.mulf %mul3A_889, %get3A_888 : vector<16xf32>
        %add3A_891 = arith.addf %add3A_811, %mul3A_890 : vector<16xf32>
        %add3A_892 = arith.constant 33 : i32
        %add3A_893 = arith.addi %mul3A_180, %add3A_892 : i32
        %get3A_894 = arith.index_cast %add3A_893 : i32 to index
        %get3A_895 = arith.constant 16 : index
        %get3A_896 = tpu.vector_load %arg19[%get3A_894, %get3A_895] {strides = array<i32>} : memref<1600x32xf32, #tpu.memory_space<vmem>>, vector<1x16xf32>,
        %get3A_897 = vector.shape_cast %get3A_896 : vector<1x16xf32> to vector<16xf32>
        %mul3A_898 = vector.broadcast %squeeze3A_882 : f32 to vector<16xf32>
        %mul3A_899 = arith.mulf %mul3A_898, %get3A_897 : vector<16xf32>
        %add3A_900 = arith.addf %add3A_820, %mul3A_899 : vector<16xf32>
        %slice3A_901 = vector.extract_strided_slice %get3A_200 {offsets = [2], sizes = [1], strides = [1]} : vector<16xf32> to vector<1xf32>
        %squeeze3A_902 = vector.extract %slice3A_901[0] : f32 from vector<1xf32>
        %add3A_903 = arith.constant 34 : i32
        %add3A_904 = arith.addi %mul3A_180, %add3A_903 : i32
        %get3A_905 = arith.index_cast %add3A_904 : i32 to index
        %get3A_906 = arith.constant 0 : index
        %get3A_907 = tpu.vector_load %arg19[%get3A_905, %get3A_906] {strides = array<i32>} : memref<1600x32xf32, #tpu.memory_space<vmem>>, vector<1x16xf32>,
        %get3A_908 = vector.shape_cast %get3A_907 : vector<1x16xf32> to vector<16xf32>
        %mul3A_909 = vector.broadcast %squeeze3A_902 : f32 to vector<16xf32>
        %mul3A_910 = arith.mulf %mul3A_909, %get3A_908 : vector<16xf32>
        %add3A_911 = arith.addf %add3A_831, %mul3A_910 : vector<16xf32>
        %add3A_912 = arith.constant 34 : i32
        %add3A_913 = arith.addi %mul3A_180, %add3A_912 : i32
        %get3A_914 = arith.index_cast %add3A_913 : i32 to index
        %get3A_915 = arith.constant 16 : index
        %get3A_916 = tpu.vector_load %arg19[%get3A_914, %get3A_915] {strides = array<i32>} : memref<1600x32xf32, #tpu.memory_space<vmem>>, vector<1x16xf32>,
        %get3A_917 = vector.shape_cast %get3A_916 : vector<1x16xf32> to vector<16xf32>
        %mul3A_918 = vector.broadcast %squeeze3A_902 : f32 to vector<16xf32>
        %mul3A_919 = arith.mulf %mul3A_918, %get3A_917 : vector<16xf32>
        %add3A_920 = arith.addf %add3A_840, %mul3A_919 : vector<16xf32>
        %slice3A_921 = vector.extract_strided_slice %get3A_200 {offsets = [3], sizes = [1], strides = [1]} : vector<16xf32> to vector<1xf32>
        %squeeze3A_922 = vector.extract %slice3A_921[0] : f32 from vector<1xf32>
        %add3A_923 = arith.constant 35 : i32
        %add3A_924 = arith.addi %mul3A_180, %add3A_923 : i32
        %get3A_925 = arith.index_cast %add3A_924 : i32 to index
        %get3A_926 = arith.constant 0 : index
        %get3A_927 = tpu.vector_load %arg19[%get3A_925, %get3A_926] {strides = array<i32>} : memref<1600x32xf32, #tpu.memory_space<vmem>>, vector<1x16xf32>,
        %get3A_928 = vector.shape_cast %get3A_927 : vector<1x16xf32> to vector<16xf32>
        %mul3A_929 = vector.broadcast %squeeze3A_922 : f32 to vector<16xf32>
        %mul3A_930 = arith.mulf %mul3A_929, %get3A_928 : vector<16xf32>
        %add3A_931 = arith.addf %add3A_851, %mul3A_930 : vector<16xf32>
        %add3A_932 = arith.constant 35 : i32
        %add3A_933 = arith.addi %mul3A_180, %add3A_932 : i32
        %get3A_934 = arith.index_cast %add3A_933 : i32 to index
        %get3A_935 = arith.constant 16 : index
        %get3A_936 = tpu.vector_load %arg19[%get3A_934, %get3A_935] {strides = array<i32>} : memref<1600x32xf32, #tpu.memory_space<vmem>>, vector<1x16xf32>,
        %get3A_937 = vector.shape_cast %get3A_936 : vector<1x16xf32> to vector<16xf32>
        %mul3A_938 = vector.broadcast %squeeze3A_922 : f32 to vector<16xf32>
        %mul3A_939 = arith.mulf %mul3A_938, %get3A_937 : vector<16xf32>
        %add3A_940 = arith.addf %add3A_860, %mul3A_939 : vector<16xf32>
        %slice3A_941 = vector.extract_strided_slice %get3A_200 {offsets = [4], sizes = [1], strides = [1]} : vector<16xf32> to vector<1xf32>
        %squeeze3A_942 = vector.extract %slice3A_941[0] : f32 from vector<1xf32>
        %add3A_943 = arith.constant 36 : i32
        %add3A_944 = arith.addi %mul3A_180, %add3A_943 : i32
        %get3A_945 = arith.index_cast %add3A_944 : i32 to index
        %get3A_946 = arith.constant 0 : index
        %get3A_947 = tpu.vector_load %arg19[%get3A_945, %get3A_946] {strides = array<i32>} : memref<1600x32xf32, #tpu.memory_space<vmem>>, vector<1x16xf32>,
        %get3A_948 = vector.shape_cast %get3A_947 : vector<1x16xf32> to vector<16xf32>
        %mul3A_949 = vector.broadcast %squeeze3A_942 : f32 to vector<16xf32>
        %mul3A_950 = arith.mulf %mul3A_949, %get3A_948 : vector<16xf32>
        %add3A_951 = arith.addf %add3A_871, %mul3A_950 : vector<16xf32>
        %add3A_952 = arith.constant 36 : i32
        %add3A_953 = arith.addi %mul3A_180, %add3A_952 : i32
        %get3A_954 = arith.index_cast %add3A_953 : i32 to index
        %get3A_955 = arith.constant 16 : index
        %get3A_956 = tpu.vector_load %arg19[%get3A_954, %get3A_955] {strides = array<i32>} : memref<1600x32xf32, #tpu.memory_space<vmem>>, vector<1x16xf32>,
        %get3A_957 = vector.shape_cast %get3A_956 : vector<1x16xf32> to vector<16xf32>
        %mul3A_958 = vector.broadcast %squeeze3A_942 : f32 to vector<16xf32>
        %mul3A_959 = arith.mulf %mul3A_958, %get3A_957 : vector<16xf32>
        %add3A_960 = arith.addf %add3A_880, %mul3A_959 : vector<16xf32>
        %slice3A_961 = vector.extract_strided_slice %get3A_200 {offsets = [5], sizes = [1], strides = [1]} : vector<16xf32> to vector<1xf32>
        %squeeze3A_962 = vector.extract %slice3A_961[0] : f32 from vector<1xf32>
        %add3A_963 = arith.constant 37 : i32
        %add3A_964 = arith.addi %mul3A_180, %add3A_963 : i32
        %get3A_965 = arith.index_cast %add3A_964 : i32 to index
        %get3A_966 = arith.constant 0 : index
        %get3A_967 = tpu.vector_load %arg19[%get3A_965, %get3A_966] {strides = array<i32>} : memref<1600x32xf32, #tpu.memory_space<vmem>>, vector<1x16xf32>,
        %get3A_968 = vector.shape_cast %get3A_967 : vector<1x16xf32> to vector<16xf32>
        %mul3A_969 = vector.broadcast %squeeze3A_962 : f32 to vector<16xf32>
        %mul3A_970 = arith.mulf %mul3A_969, %get3A_968 : vector<16xf32>
        %add3A_971 = arith.addf %add3A_891, %mul3A_970 : vector<16xf32>
        %add3A_972 = arith.constant 37 : i32
        %add3A_973 = arith.addi %mul3A_180, %add3A_972 : i32
        %get3A_974 = arith.index_cast %add3A_973 : i32 to index
        %get3A_975 = arith.constant 16 : index
        %get3A_976 = tpu.vector_load %arg19[%get3A_974, %get3A_975] {strides = array<i32>} : memref<1600x32xf32, #tpu.memory_space<vmem>>, vector<1x16xf32>,
        %get3A_977 = vector.shape_cast %get3A_976 : vector<1x16xf32> to vector<16xf32>
        %mul3A_978 = vector.broadcast %squeeze3A_962 : f32 to vector<16xf32>
        %mul3A_979 = arith.mulf %mul3A_978, %get3A_977 : vector<16xf32>
        %add3A_980 = arith.addf %add3A_900, %mul3A_979 : vector<16xf32>
        %slice3A_981 = vector.extract_strided_slice %get3A_200 {offsets = [6], sizes = [1], strides = [1]} : vector<16xf32> to vector<1xf32>
        %squeeze3A_982 = vector.extract %slice3A_981[0] : f32 from vector<1xf32>
        %add3A_983 = arith.constant 38 : i32
        %add3A_984 = arith.addi %mul3A_180, %add3A_983 : i32
        %get3A_985 = arith.index_cast %add3A_984 : i32 to index
        %get3A_986 = arith.constant 0 : index
        %get3A_987 = tpu.vector_load %arg19[%get3A_985, %get3A_986] {strides = array<i32>} : memref<1600x32xf32, #tpu.memory_space<vmem>>, vector<1x16xf32>,
        %get3A_988 = vector.shape_cast %get3A_987 : vector<1x16xf32> to vector<16xf32>
        %mul3A_989 = vector.broadcast %squeeze3A_982 : f32 to vector<16xf32>
        %mul3A_990 = arith.mulf %mul3A_989, %get3A_988 : vector<16xf32>
        %add3A_991 = arith.addf %add3A_911, %mul3A_990 : vector<16xf32>
        %add3A_992 = arith.constant 38 : i32
        %add3A_993 = arith.addi %mul3A_180, %add3A_992 : i32
        %get3A_994 = arith.index_cast %add3A_993 : i32 to index
        %get3A_995 = arith.constant 16 : index
        %get3A_996 = tpu.vector_load %arg19[%get3A_994, %get3A_995] {strides = array<i32>} : memref<1600x32xf32, #tpu.memory_space<vmem>>, vector<1x16xf32>,
        %get3A_997 = vector.shape_cast %get3A_996 : vector<1x16xf32> to vector<16xf32>
        %mul3A_998 = vector.broadcast %squeeze3A_982 : f32 to vector<16xf32>
        %mul3A_999 = arith.mulf %mul3A_998, %get3A_997 : vector<16xf32>
        %add3A_1000 = arith.addf %add3A_920, %mul3A_999 : vector<16xf32>
        %slice3A_1001 = vector.extract_strided_slice %get3A_200 {offsets = [7], sizes = [1], strides = [1]} : vector<16xf32> to vector<1xf32>
        %squeeze3A_1002 = vector.extract %slice3A_1001[0] : f32 from vector<1xf32>
        %add3A_1003 = arith.constant 39 : i32
        %add3A_1004 = arith.addi %mul3A_180, %add3A_1003 : i32
        %get3A_1005 = arith.index_cast %add3A_1004 : i32 to index
        %get3A_1006 = arith.constant 0 : index
        %get3A_1007 = tpu.vector_load %arg19[%get3A_1005, %get3A_1006] {strides = array<i32>} : memref<1600x32xf32, #tpu.memory_space<vmem>>, vector<1x16xf32>,
        %get3A_1008 = vector.shape_cast %get3A_1007 : vector<1x16xf32> to vector<16xf32>
        %mul3A_1009 = vector.broadcast %squeeze3A_1002 : f32 to vector<16xf32>
        %mul3A_1010 = arith.mulf %mul3A_1009, %get3A_1008 : vector<16xf32>
        %add3A_1011 = arith.addf %add3A_931, %mul3A_1010 : vector<16xf32>
        %add3A_1012 = arith.constant 39 : i32
        %add3A_1013 = arith.addi %mul3A_180, %add3A_1012 : i32
        %get3A_1014 = arith.index_cast %add3A_1013 : i32 to index
        %get3A_1015 = arith.constant 16 : index
        %get3A_1016 = tpu.vector_load %arg19[%get3A_1014, %get3A_1015] {strides = array<i32>} : memref<1600x32xf32, #tpu.memory_space<vmem>>, vector<1x16xf32>,
        %get3A_1017 = vector.shape_cast %get3A_1016 : vector<1x16xf32> to vector<16xf32>
        %mul3A_1018 = vector.broadcast %squeeze3A_1002 : f32 to vector<16xf32>
        %mul3A_1019 = arith.mulf %mul3A_1018, %get3A_1017 : vector<16xf32>
        %add3A_1020 = arith.addf %add3A_940, %mul3A_1019 : vector<16xf32>
        %slice3A_1021 = vector.extract_strided_slice %get3A_200 {offsets = [8], sizes = [1], strides = [1]} : vector<16xf32> to vector<1xf32>
        %squeeze3A_1022 = vector.extract %slice3A_1021[0] : f32 from vector<1xf32>
        %add3A_1023 = arith.constant 40 : i32
        %add3A_1024 = arith.addi %mul3A_180, %add3A_1023 : i32
        %get3A_1025 = arith.index_cast %add3A_1024 : i32 to index
        %get3A_1026 = arith.constant 0 : index
        %get3A_1027 = tpu.vector_load %arg19[%get3A_1025, %get3A_1026] {strides = array<i32>} : memref<1600x32xf32, #tpu.memory_space<vmem>>, vector<1x16xf32>,
        %get3A_1028 = vector.shape_cast %get3A_1027 : vector<1x16xf32> to vector<16xf32>
        %mul3A_1029 = vector.broadcast %squeeze3A_1022 : f32 to vector<16xf32>
        %mul3A_1030 = arith.mulf %mul3A_1029, %get3A_1028 : vector<16xf32>
        %add3A_1031 = arith.addf %add3A_951, %mul3A_1030 : vector<16xf32>
        %add3A_1032 = arith.constant 40 : i32
        %add3A_1033 = arith.addi %mul3A_180, %add3A_1032 : i32
        %get3A_1034 = arith.index_cast %add3A_1033 : i32 to index
        %get3A_1035 = arith.constant 16 : index
        %get3A_1036 = tpu.vector_load %arg19[%get3A_1034, %get3A_1035] {strides = array<i32>} : memref<1600x32xf32, #tpu.memory_space<vmem>>, vector<1x16xf32>,
        %get3A_1037 = vector.shape_cast %get3A_1036 : vector<1x16xf32> to vector<16xf32>
        %mul3A_1038 = vector.broadcast %squeeze3A_1022 : f32 to vector<16xf32>
        %mul3A_1039 = arith.mulf %mul3A_1038, %get3A_1037 : vector<16xf32>
        %add3A_1040 = arith.addf %add3A_960, %mul3A_1039 : vector<16xf32>
        %slice3A_1041 = vector.extract_strided_slice %get3A_200 {offsets = [9], sizes = [1], strides = [1]} : vector<16xf32> to vector<1xf32>
        %squeeze3A_1042 = vector.extract %slice3A_1041[0] : f32 from vector<1xf32>
        %add3A_1043 = arith.constant 41 : i32
        %add3A_1044 = arith.addi %mul3A_180, %add3A_1043 : i32
        %get3A_1045 = arith.index_cast %add3A_1044 : i32 to index
        %get3A_1046 = arith.constant 0 : index
        %get3A_1047 = tpu.vector_load %arg19[%get3A_1045, %get3A_1046] {strides = array<i32>} : memref<1600x32xf32, #tpu.memory_space<vmem>>, vector<1x16xf32>,
        %get3A_1048 = vector.shape_cast %get3A_1047 : vector<1x16xf32> to vector<16xf32>
        %mul3A_1049 = vector.broadcast %squeeze3A_1042 : f32 to vector<16xf32>
        %mul3A_1050 = arith.mulf %mul3A_1049, %get3A_1048 : vector<16xf32>
        %add3A_1051 = arith.addf %add3A_971, %mul3A_1050 : vector<16xf32>
        %add3A_1052 = arith.constant 41 : i32
        %add3A_1053 = arith.addi %mul3A_180, %add3A_1052 : i32
        %get3A_1054 = arith.index_cast %add3A_1053 : i32 to index
        %get3A_1055 = arith.constant 16 : index
        %get3A_1056 = tpu.vector_load %arg19[%get3A_1054, %get3A_1055] {strides = array<i32>} : memref<1600x32xf32, #tpu.memory_space<vmem>>, vector<1x16xf32>,
        %get3A_1057 = vector.shape_cast %get3A_1056 : vector<1x16xf32> to vector<16xf32>
        %mul3A_1058 = vector.broadcast %squeeze3A_1042 : f32 to vector<16xf32>
        %mul3A_1059 = arith.mulf %mul3A_1058, %get3A_1057 : vector<16xf32>
        %add3A_1060 = arith.addf %add3A_980, %mul3A_1059 : vector<16xf32>
        %slice3A_1061 = vector.extract_strided_slice %get3A_200 {offsets = [10], sizes = [1], strides = [1]} : vector<16xf32> to vector<1xf32>
        %squeeze3A_1062 = vector.extract %slice3A_1061[0] : f32 from vector<1xf32>
        %add3A_1063 = arith.constant 42 : i32
        %add3A_1064 = arith.addi %mul3A_180, %add3A_1063 : i32
        %get3A_1065 = arith.index_cast %add3A_1064 : i32 to index
        %get3A_1066 = arith.constant 0 : index
        %get3A_1067 = tpu.vector_load %arg19[%get3A_1065, %get3A_1066] {strides = array<i32>} : memref<1600x32xf32, #tpu.memory_space<vmem>>, vector<1x16xf32>,
        %get3A_1068 = vector.shape_cast %get3A_1067 : vector<1x16xf32> to vector<16xf32>
        %mul3A_1069 = vector.broadcast %squeeze3A_1062 : f32 to vector<16xf32>
        %mul3A_1070 = arith.mulf %mul3A_1069, %get3A_1068 : vector<16xf32>
        %add3A_1071 = arith.addf %add3A_991, %mul3A_1070 : vector<16xf32>
        %add3A_1072 = arith.constant 42 : i32
        %add3A_1073 = arith.addi %mul3A_180, %add3A_1072 : i32
        %get3A_1074 = arith.index_cast %add3A_1073 : i32 to index
        %get3A_1075 = arith.constant 16 : index
        %get3A_1076 = tpu.vector_load %arg19[%get3A_1074, %get3A_1075] {strides = array<i32>} : memref<1600x32xf32, #tpu.memory_space<vmem>>, vector<1x16xf32>,
        %get3A_1077 = vector.shape_cast %get3A_1076 : vector<1x16xf32> to vector<16xf32>
        %mul3A_1078 = vector.broadcast %squeeze3A_1062 : f32 to vector<16xf32>
        %mul3A_1079 = arith.mulf %mul3A_1078, %get3A_1077 : vector<16xf32>
        %add3A_1080 = arith.addf %add3A_1000, %mul3A_1079 : vector<16xf32>
        %slice3A_1081 = vector.extract_strided_slice %get3A_200 {offsets = [11], sizes = [1], strides = [1]} : vector<16xf32> to vector<1xf32>
        %squeeze3A_1082 = vector.extract %slice3A_1081[0] : f32 from vector<1xf32>
        %add3A_1083 = arith.constant 43 : i32
        %add3A_1084 = arith.addi %mul3A_180, %add3A_1083 : i32
        %get3A_1085 = arith.index_cast %add3A_1084 : i32 to index
        %get3A_1086 = arith.constant 0 : index
        %get3A_1087 = tpu.vector_load %arg19[%get3A_1085, %get3A_1086] {strides = array<i32>} : memref<1600x32xf32, #tpu.memory_space<vmem>>, vector<1x16xf32>,
        %get3A_1088 = vector.shape_cast %get3A_1087 : vector<1x16xf32> to vector<16xf32>
        %mul3A_1089 = vector.broadcast %squeeze3A_1082 : f32 to vector<16xf32>
        %mul3A_1090 = arith.mulf %mul3A_1089, %get3A_1088 : vector<16xf32>
        %add3A_1091 = arith.addf %add3A_1011, %mul3A_1090 : vector<16xf32>
        %add3A_1092 = arith.constant 43 : i32
        %add3A_1093 = arith.addi %mul3A_180, %add3A_1092 : i32
        %get3A_1094 = arith.index_cast %add3A_1093 : i32 to index
        %get3A_1095 = arith.constant 16 : index
        %get3A_1096 = tpu.vector_load %arg19[%get3A_1094, %get3A_1095] {strides = array<i32>} : memref<1600x32xf32, #tpu.memory_space<vmem>>, vector<1x16xf32>,
        %get3A_1097 = vector.shape_cast %get3A_1096 : vector<1x16xf32> to vector<16xf32>
        %mul3A_1098 = vector.broadcast %squeeze3A_1082 : f32 to vector<16xf32>
        %mul3A_1099 = arith.mulf %mul3A_1098, %get3A_1097 : vector<16xf32>
        %add3A_1100 = arith.addf %add3A_1020, %mul3A_1099 : vector<16xf32>
        %slice3A_1101 = vector.extract_strided_slice %get3A_200 {offsets = [12], sizes = [1], strides = [1]} : vector<16xf32> to vector<1xf32>
        %squeeze3A_1102 = vector.extract %slice3A_1101[0] : f32 from vector<1xf32>
        %add3A_1103 = arith.constant 44 : i32
        %add3A_1104 = arith.addi %mul3A_180, %add3A_1103 : i32
        %get3A_1105 = arith.index_cast %add3A_1104 : i32 to index
        %get3A_1106 = arith.constant 0 : index
        %get3A_1107 = tpu.vector_load %arg19[%get3A_1105, %get3A_1106] {strides = array<i32>} : memref<1600x32xf32, #tpu.memory_space<vmem>>, vector<1x16xf32>,
        %get3A_1108 = vector.shape_cast %get3A_1107 : vector<1x16xf32> to vector<16xf32>
        %mul3A_1109 = vector.broadcast %squeeze3A_1102 : f32 to vector<16xf32>
        %mul3A_1110 = arith.mulf %mul3A_1109, %get3A_1108 : vector<16xf32>
        %add3A_1111 = arith.addf %add3A_1031, %mul3A_1110 : vector<16xf32>
        %add3A_1112 = arith.constant 44 : i32
        %add3A_1113 = arith.addi %mul3A_180, %add3A_1112 : i32
        %get3A_1114 = arith.index_cast %add3A_1113 : i32 to index
        %get3A_1115 = arith.constant 16 : index
        %get3A_1116 = tpu.vector_load %arg19[%get3A_1114, %get3A_1115] {strides = array<i32>} : memref<1600x32xf32, #tpu.memory_space<vmem>>, vector<1x16xf32>,
        %get3A_1117 = vector.shape_cast %get3A_1116 : vector<1x16xf32> to vector<16xf32>
        %mul3A_1118 = vector.broadcast %squeeze3A_1102 : f32 to vector<16xf32>
        %mul3A_1119 = arith.mulf %mul3A_1118, %get3A_1117 : vector<16xf32>
        %add3A_1120 = arith.addf %add3A_1040, %mul3A_1119 : vector<16xf32>
        %slice3A_1121 = vector.extract_strided_slice %get3A_200 {offsets = [13], sizes = [1], strides = [1]} : vector<16xf32> to vector<1xf32>
        %squeeze3A_1122 = vector.extract %slice3A_1121[0] : f32 from vector<1xf32>
        %add3A_1123 = arith.constant 45 : i32
        %add3A_1124 = arith.addi %mul3A_180, %add3A_1123 : i32
        %get3A_1125 = arith.index_cast %add3A_1124 : i32 to index
        %get3A_1126 = arith.constant 0 : index
        %get3A_1127 = tpu.vector_load %arg19[%get3A_1125, %get3A_1126] {strides = array<i32>} : memref<1600x32xf32, #tpu.memory_space<vmem>>, vector<1x16xf32>,
        %get3A_1128 = vector.shape_cast %get3A_1127 : vector<1x16xf32> to vector<16xf32>
        %mul3A_1129 = vector.broadcast %squeeze3A_1122 : f32 to vector<16xf32>
        %mul3A_1130 = arith.mulf %mul3A_1129, %get3A_1128 : vector<16xf32>
        %add3A_1131 = arith.addf %add3A_1051, %mul3A_1130 : vector<16xf32>
        %add3A_1132 = arith.constant 45 : i32
        %add3A_1133 = arith.addi %mul3A_180, %add3A_1132 : i32
        %get3A_1134 = arith.index_cast %add3A_1133 : i32 to index
        %get3A_1135 = arith.constant 16 : index
        %get3A_1136 = tpu.vector_load %arg19[%get3A_1134, %get3A_1135] {strides = array<i32>} : memref<1600x32xf32, #tpu.memory_space<vmem>>, vector<1x16xf32>,
        %get3A_1137 = vector.shape_cast %get3A_1136 : vector<1x16xf32> to vector<16xf32>
        %mul3A_1138 = vector.broadcast %squeeze3A_1122 : f32 to vector<16xf32>
        %mul3A_1139 = arith.mulf %mul3A_1138, %get3A_1137 : vector<16xf32>
        %add3A_1140 = arith.addf %add3A_1060, %mul3A_1139 : vector<16xf32>
        %slice3A_1141 = vector.extract_strided_slice %get3A_200 {offsets = [14], sizes = [1], strides = [1]} : vector<16xf32> to vector<1xf32>
        %squeeze3A_1142 = vector.extract %slice3A_1141[0] : f32 from vector<1xf32>
        %add3A_1143 = arith.constant 46 : i32
        %add3A_1144 = arith.addi %mul3A_180, %add3A_1143 : i32
        %get3A_1145 = arith.index_cast %add3A_1144 : i32 to index
        %get3A_1146 = arith.constant 0 : index
        %get3A_1147 = tpu.vector_load %arg19[%get3A_1145, %get3A_1146] {strides = array<i32>} : memref<1600x32xf32, #tpu.memory_space<vmem>>, vector<1x16xf32>,
        %get3A_1148 = vector.shape_cast %get3A_1147 : vector<1x16xf32> to vector<16xf32>
        %mul3A_1149 = vector.broadcast %squeeze3A_1142 : f32 to vector<16xf32>
        %mul3A_1150 = arith.mulf %mul3A_1149, %get3A_1148 : vector<16xf32>
        %add3A_1151 = arith.addf %add3A_1071, %mul3A_1150 : vector<16xf32>
        %add3A_1152 = arith.constant 46 : i32
        %add3A_1153 = arith.addi %mul3A_180, %add3A_1152 : i32
        %get3A_1154 = arith.index_cast %add3A_1153 : i32 to index
        %get3A_1155 = arith.constant 16 : index
        %get3A_1156 = tpu.vector_load %arg19[%get3A_1154, %get3A_1155] {strides = array<i32>} : memref<1600x32xf32, #tpu.memory_space<vmem>>, vector<1x16xf32>,
        %get3A_1157 = vector.shape_cast %get3A_1156 : vector<1x16xf32> to vector<16xf32>
        %mul3A_1158 = vector.broadcast %squeeze3A_1142 : f32 to vector<16xf32>
        %mul3A_1159 = arith.mulf %mul3A_1158, %get3A_1157 : vector<16xf32>
        %add3A_1160 = arith.addf %add3A_1080, %mul3A_1159 : vector<16xf32>
        %slice3A_1161 = vector.extract_strided_slice %get3A_200 {offsets = [15], sizes = [1], strides = [1]} : vector<16xf32> to vector<1xf32>
        %squeeze3A_1162 = vector.extract %slice3A_1161[0] : f32 from vector<1xf32>
        %add3A_1163 = arith.constant 47 : i32
        %add3A_1164 = arith.addi %mul3A_180, %add3A_1163 : i32
        %get3A_1165 = arith.index_cast %add3A_1164 : i32 to index
        %get3A_1166 = arith.constant 0 : index
        %get3A_1167 = tpu.vector_load %arg19[%get3A_1165, %get3A_1166] {strides = array<i32>} : memref<1600x32xf32, #tpu.memory_space<vmem>>, vector<1x16xf32>,
        %get3A_1168 = vector.shape_cast %get3A_1167 : vector<1x16xf32> to vector<16xf32>
        %mul3A_1169 = vector.broadcast %squeeze3A_1162 : f32 to vector<16xf32>
        %mul3A_1170 = arith.mulf %mul3A_1169, %get3A_1168 : vector<16xf32>
        %add3A_1171 = arith.addf %add3A_1091, %mul3A_1170 : vector<16xf32>
        %add3A_1172 = arith.constant 47 : i32
        %add3A_1173 = arith.addi %mul3A_180, %add3A_1172 : i32
        %get3A_1174 = arith.index_cast %add3A_1173 : i32 to index
        %get3A_1175 = arith.constant 16 : index
        %get3A_1176 = tpu.vector_load %arg19[%get3A_1174, %get3A_1175] {strides = array<i32>} : memref<1600x32xf32, #tpu.memory_space<vmem>>, vector<1x16xf32>,
        %get3A_1177 = vector.shape_cast %get3A_1176 : vector<1x16xf32> to vector<16xf32>
        %mul3A_1178 = vector.broadcast %squeeze3A_1162 : f32 to vector<16xf32>
        %mul3A_1179 = arith.mulf %mul3A_1178, %get3A_1177 : vector<16xf32>
        %add3A_1180 = arith.addf %add3A_1100, %mul3A_1179 : vector<16xf32>
        %slice3A_1181 = vector.extract_strided_slice %get3A_207 {offsets = [0], sizes = [1], strides = [1]} : vector<16xf32> to vector<1xf32>
        %squeeze3A_1182 = vector.extract %slice3A_1181[0] : f32 from vector<1xf32>
        %add3A_1183 = arith.constant 48 : i32
        %add3A_1184 = arith.addi %mul3A_180, %add3A_1183 : i32
        %get3A_1185 = arith.index_cast %add3A_1184 : i32 to index
        %get3A_1186 = arith.constant 0 : index
        %get3A_1187 = tpu.vector_load %arg19[%get3A_1185, %get3A_1186] {strides = array<i32>} : memref<1600x32xf32, #tpu.memory_space<vmem>>, vector<1x16xf32>,
        %get3A_1188 = vector.shape_cast %get3A_1187 : vector<1x16xf32> to vector<16xf32>
        %mul3A_1189 = vector.broadcast %squeeze3A_1182 : f32 to vector<16xf32>
        %mul3A_1190 = arith.mulf %mul3A_1189, %get3A_1188 : vector<16xf32>
        %add3A_1191 = arith.addf %add3A_1111, %mul3A_1190 : vector<16xf32>
        %add3A_1192 = arith.constant 48 : i32
        %add3A_1193 = arith.addi %mul3A_180, %add3A_1192 : i32
        %get3A_1194 = arith.index_cast %add3A_1193 : i32 to index
        %get3A_1195 = arith.constant 16 : index
        %get3A_1196 = tpu.vector_load %arg19[%get3A_1194, %get3A_1195] {strides = array<i32>} : memref<1600x32xf32, #tpu.memory_space<vmem>>, vector<1x16xf32>,
        %get3A_1197 = vector.shape_cast %get3A_1196 : vector<1x16xf32> to vector<16xf32>
        %mul3A_1198 = vector.broadcast %squeeze3A_1182 : f32 to vector<16xf32>
        %mul3A_1199 = arith.mulf %mul3A_1198, %get3A_1197 : vector<16xf32>
        %add3A_1200 = arith.addf %add3A_1120, %mul3A_1199 : vector<16xf32>
        %slice3A_1201 = vector.extract_strided_slice %get3A_207 {offsets = [1], sizes = [1], strides = [1]} : vector<16xf32> to vector<1xf32>
        %squeeze3A_1202 = vector.extract %slice3A_1201[0] : f32 from vector<1xf32>
        %add3A_1203 = arith.constant 49 : i32
        %add3A_1204 = arith.addi %mul3A_180, %add3A_1203 : i32
        %get3A_1205 = arith.index_cast %add3A_1204 : i32 to index
        %get3A_1206 = arith.constant 0 : index
        %get3A_1207 = tpu.vector_load %arg19[%get3A_1205, %get3A_1206] {strides = array<i32>} : memref<1600x32xf32, #tpu.memory_space<vmem>>, vector<1x16xf32>,
        %get3A_1208 = vector.shape_cast %get3A_1207 : vector<1x16xf32> to vector<16xf32>
        %mul3A_1209 = vector.broadcast %squeeze3A_1202 : f32 to vector<16xf32>
        %mul3A_1210 = arith.mulf %mul3A_1209, %get3A_1208 : vector<16xf32>
        %add3A_1211 = arith.addf %add3A_1131, %mul3A_1210 : vector<16xf32>
        %add3A_1212 = arith.constant 49 : i32
        %add3A_1213 = arith.addi %mul3A_180, %add3A_1212 : i32
        %get3A_1214 = arith.index_cast %add3A_1213 : i32 to index
        %get3A_1215 = arith.constant 16 : index
        %get3A_1216 = tpu.vector_load %arg19[%get3A_1214, %get3A_1215] {strides = array<i32>} : memref<1600x32xf32, #tpu.memory_space<vmem>>, vector<1x16xf32>,
        %get3A_1217 = vector.shape_cast %get3A_1216 : vector<1x16xf32> to vector<16xf32>
        %mul3A_1218 = vector.broadcast %squeeze3A_1202 : f32 to vector<16xf32>
        %mul3A_1219 = arith.mulf %mul3A_1218, %get3A_1217 : vector<16xf32>
        %add3A_1220 = arith.addf %add3A_1140, %mul3A_1219 : vector<16xf32>
        %add3A_1221 = arith.addf %add3A_1191, %add3A_1211 : vector<16xf32>
        %add3A_1222 = arith.addf %add3A_1151, %add3A_1171 : vector<16xf32>
        %add3A_1223 = arith.addf %add3A_1221, %add3A_1222 : vector<16xf32>
        %add3A_1224 = arith.addf %add3A_1200, %add3A_1220 : vector<16xf32>
        %add3A_1225 = arith.addf %add3A_1160, %add3A_1180 : vector<16xf32>
        %add3A_1226 = arith.addf %add3A_1224, %add3A_1225 : vector<16xf32>
        %get3A_1227 = arith.index_cast %scan3A_177 : i32 to index
        %get3A_1228 = arith.constant 0 : index
        %get3A_1229 = tpu.vector_load %arg11[%get3A_1227, %get3A_1228] {strides = array<i32>} : memref<32x32xf32, #tpu.memory_space<vmem>>, vector<1x16xf32>,
        %get3A_1230 = vector.shape_cast %get3A_1229 : vector<1x16xf32> to vector<16xf32>
        %swap3A = arith.index_cast %scan3A_177 : i32 to index
        %swap3A_1231 = arith.constant 0 : index
        %swap3A_1232 = tpu.vector_load %arg21[%swap3A, %swap3A_1231] {strides = array<i32>} : memref<32x96xf32, #tpu.memory_space<vmem>>, vector<1x16xf32>,
        %swap3A_1233 = vector.shape_cast %swap3A_1232 : vector<1x16xf32> to vector<16xf32>
        %swap3A_1234 = vector.shape_cast %get3A_1230 : vector<16xf32> to vector<1x16xf32>
        tpu.vector_store %arg21[%swap3A, %swap3A_1231], %swap3A_1234 {strides = array<i32>} : memref<32x96xf32, #tpu.memory_space<vmem>>, vector<1x16xf32>,
        %get3A_1235 = arith.index_cast %scan3A_177 : i32 to index
        %get3A_1236 = arith.constant 16 : index
        %get3A_1237 = tpu.vector_load %arg11[%get3A_1235, %get3A_1236] {strides = array<i32>} : memref<32x32xf32, #tpu.memory_space<vmem>>, vector<1x16xf32>,
        %get3A_1238 = vector.shape_cast %get3A_1237 : vector<1x16xf32> to vector<16xf32>
        %swap3A_1239 = arith.index_cast %scan3A_177 : i32 to index
        %swap3A_1240 = arith.constant 16 : index
        %swap3A_1241 = tpu.vector_load %arg21[%swap3A_1239, %swap3A_1240] {strides = array<i32>} : memref<32x96xf32, #tpu.memory_space<vmem>>, vector<1x16xf32>,
        %swap3A_1242 = vector.shape_cast %swap3A_1241 : vector<1x16xf32> to vector<16xf32>
        %swap3A_1243 = vector.shape_cast %get3A_1238 : vector<16xf32> to vector<1x16xf32>
        tpu.vector_store %arg21[%swap3A_1239, %swap3A_1240], %swap3A_1243 {strides = array<i32>} : memref<32x96xf32, #tpu.memory_space<vmem>>, vector<1x16xf32>,
        %mul3A_1244 = arith.constant 2.000000e-02 : f32
        %mul3A_1245 = vector.broadcast %mul3A_1244 : f32 to vector<16xf32>
        %mul3A_1246 = arith.mulf %add3A_1223, %mul3A_1245 : vector<16xf32>
        %swap3A_1247 = arith.index_cast %scan3A_177 : i32 to index
        %swap3A_1248 = arith.constant 32 : index
        %swap3A_1249 = tpu.vector_load %arg21[%swap3A_1247, %swap3A_1248] {strides = array<i32>} : memref<32x96xf32, #tpu.memory_space<vmem>>, vector<1x16xf32>,
        %swap3A_1250 = vector.shape_cast %swap3A_1249 : vector<1x16xf32> to vector<16xf32>
        %swap3A_1251 = vector.shape_cast %mul3A_1246 : vector<16xf32> to vector<1x16xf32>
        tpu.vector_store %arg21[%swap3A_1247, %swap3A_1248], %swap3A_1251 {strides = array<i32>} : memref<32x96xf32, #tpu.memory_space<vmem>>, vector<1x16xf32>,
        %mul3A_1252 = arith.constant 2.000000e-02 : f32
        %mul3A_1253 = vector.broadcast %mul3A_1252 : f32 to vector<16xf32>
        %mul3A_1254 = arith.mulf %add3A_1226, %mul3A_1253 : vector<16xf32>
        %swap3A_1255 = arith.index_cast %scan3A_177 : i32 to index
        %swap3A_1256 = arith.constant 48 : index
        %swap3A_1257 = tpu.vector_load %arg21[%swap3A_1255, %swap3A_1256] {strides = array<i32>} : memref<32x96xf32, #tpu.memory_space<vmem>>, vector<1x16xf32>,
        %swap3A_1258 = vector.shape_cast %swap3A_1257 : vector<1x16xf32> to vector<16xf32>
        %swap3A_1259 = vector.shape_cast %mul3A_1254 : vector<16xf32> to vector<1x16xf32>
        tpu.vector_store %arg21[%swap3A_1255, %swap3A_1256], %swap3A_1259 {strides = array<i32>} : memref<32x96xf32, #tpu.memory_space<vmem>>, vector<1x16xf32>,
        %get3A_1260 = arith.index_cast %scan3A_177 : i32 to index
        %get3A_1261 = arith.constant 0 : index
        %get3A_1262 = tpu.vector_load %arg13[%get3A_1260, %get3A_1261] {strides = array<i32>} : memref<32x32xf32, #tpu.memory_space<vmem>>, vector<1x16xf32>,
        %get3A_1263 = vector.shape_cast %get3A_1262 : vector<1x16xf32> to vector<16xf32>
        %swap3A_1264 = arith.index_cast %scan3A_177 : i32 to index
        %swap3A_1265 = arith.constant 64 : index
        %swap3A_1266 = tpu.vector_load %arg21[%swap3A_1264, %swap3A_1265] {strides = array<i32>} : memref<32x96xf32, #tpu.memory_space<vmem>>, vector<1x16xf32>,
        %swap3A_1267 = vector.shape_cast %swap3A_1266 : vector<1x16xf32> to vector<16xf32>
        %swap3A_1268 = vector.shape_cast %get3A_1263 : vector<16xf32> to vector<1x16xf32>
        tpu.vector_store %arg21[%swap3A_1264, %swap3A_1265], %swap3A_1268 {strides = array<i32>} : memref<32x96xf32, #tpu.memory_space<vmem>>, vector<1x16xf32>,
        %get3A_1269 = arith.index_cast %scan3A_177 : i32 to index
        %get3A_1270 = arith.constant 16 : index
        %get3A_1271 = tpu.vector_load %arg13[%get3A_1269, %get3A_1270] {strides = array<i32>} : memref<32x32xf32, #tpu.memory_space<vmem>>, vector<1x16xf32>,
        %get3A_1272 = vector.shape_cast %get3A_1271 : vector<1x16xf32> to vector<16xf32>
        %swap3A_1273 = arith.index_cast %scan3A_177 : i32 to index
        %swap3A_1274 = arith.constant 80 : index
        %swap3A_1275 = tpu.vector_load %arg21[%swap3A_1273, %swap3A_1274] {strides = array<i32>} : memref<32x96xf32, #tpu.memory_space<vmem>>, vector<1x16xf32>,
        %swap3A_1276 = vector.shape_cast %swap3A_1275 : vector<1x16xf32> to vector<16xf32>
        %swap3A_1277 = vector.shape_cast %get3A_1272 : vector<16xf32> to vector<1x16xf32>
        tpu.vector_store %arg21[%swap3A_1273, %swap3A_1274], %swap3A_1277 {strides = array<i32>} : memref<32x96xf32, #tpu.memory_space<vmem>>, vector<1x16xf32>,
        %scan3A_1278 = arith.constant 0 : i32
        scf.yield %scan3A_1278 : i32
      }
      %scan3A_109 = arith.constant 32 : i32
      %mul3A_110 = arith.constant 32 : i32
      %mul3A_111 = arith.muli %add3A_79, %mul3A_110 : i32
      %add3A_112 = arith.addi %multiple_of3A, %mul3A_111 : i32
      %dma_start3A_113 = arith.constant 0 : i32
      %dma_start3A_114 = tpu.memref_slice %arg8[%add3A_112, %dma_start3A_113] : memref<16384x96xf32, #tpu.memory_space<hbm>> -> memref<32x96xf32, #tpu.memory_space<hbm>>
      %dma_start3A_115 = arith.constant 0 : i32
      %dma_start3A_116 = tpu.memref_slice %arg8[%add3A_112, %dma_start3A_115] : memref<16384x96xf32, #tpu.memory_space<hbm>> -> memref<32x96xf32, #tpu.memory_space<hbm>>
      tpu.enqueue_dma source(%arg21 : memref<32x96xf32, #tpu.memory_space<vmem>>) target(%dma_start3A_116 : memref<32x96xf32, #tpu.memory_space<hbm>>) target_semaphore(%arg27 : memref<!tpu.dma_semaphore, #tpu.memory_space<semaphore_mem>>)
      %add3A_117 = arith.constant 2 : i32
      %add3A_118 = arith.addi %add3A_79, %add3A_117 : i32
      %lt3A_119 = arith.constant 16 : i32
      %lt3A_120 = arith.cmpi slt, %add3A_118, %lt3A_119 : i32
      %convert_element_type3A_121 = arith.extui %lt3A_120 : i1 to i32
      %cond3A_122 = arith.constant 0 : i32
      %cond3A_123 = arith.cmpi ne, %convert_element_type3A_121, %cond3A_122 : i32
      scf.if %cond3A_123 {
        %add3A_177 = arith.constant 2 : i32
        %add3A_178 = arith.addi %add3A_79, %add3A_177 : i32
        %mul3A_179 = arith.constant 50 : i32
        %mul3A_180 = arith.muli %multiple_of3A, %mul3A_179 : i32
        %multiple_of3A_181 = tpu.assume_multiple %mul3A_180, 25600 : i32
        %mul3A_182 = arith.constant 1600 : i32
        %mul3A_183 = arith.muli %add3A_178, %mul3A_182 : i32
        %add3A_184 = arith.addi %multiple_of3A_181, %mul3A_183 : i32
        %mul3A_185 = arith.constant 64 : i32
        %mul3A_186 = arith.muli %multiple_of3A, %mul3A_185 : i32
        %multiple_of3A_187 = tpu.assume_multiple %mul3A_186, 32768 : i32
        %mul3A_188 = arith.constant 2048 : i32
        %mul3A_189 = arith.muli %add3A_178, %mul3A_188 : i32
        %add3A_190 = arith.addi %multiple_of3A_187, %mul3A_189 : i32
        %dma_start3A_191 = tpu.memref_slice %arg3[%add3A_184] : memref<819200xi32, #tpu.memory_space<hbm>> -> memref<1600xi32, #tpu.memory_space<hbm>>
        %dma_start3A_192 = tpu.memref_slice %arg3[%add3A_184] : memref<819200xi32, #tpu.memory_space<hbm>> -> memref<1600xi32, #tpu.memory_space<hbm>>
        tpu.enqueue_dma source(%dma_start3A_192 : memref<1600xi32, #tpu.memory_space<hbm>>) target(%arg15 : memref<1600xi32, #tpu.memory_space<vmem>>) target_semaphore(%arg25 : memref<!tpu.dma_semaphore, #tpu.memory_space<semaphore_mem>>)
        %dma_start3A_193 = tpu.memref_slice %arg4[%add3A_190] : memref<1048576xf32, #tpu.memory_space<hbm>> -> memref<2048xf32, #tpu.memory_space<hbm>>
        %dma_start3A_194 = tpu.memref_slice %arg4[%add3A_190] : memref<1048576xf32, #tpu.memory_space<hbm>> -> memref<2048xf32, #tpu.memory_space<hbm>>
        tpu.enqueue_dma source(%dma_start3A_194 : memref<2048xf32, #tpu.memory_space<hbm>>) target(%arg17 : memref<2048xf32, #tpu.memory_space<vmem>>) target_semaphore(%arg25 : memref<!tpu.dma_semaphore, #tpu.memory_space<semaphore_mem>>)
      } else {
      }
      %mul3A_124 = arith.constant 2 : i32
      %mul3A_125 = arith.muli %scan3A_74, %mul3A_124 : i32
      %add3A_126 = arith.constant 1 : i32
      %add3A_127 = arith.addi %mul3A_125, %add3A_126 : i32
      %mul3A_128 = arith.constant 32 : i32
      %mul3A_129 = arith.muli %add3A_127, %mul3A_128 : i32
      %mul3A_130 = arith.constant 32 : i32
      %mul3A_131 = arith.muli %add3A_127, %mul3A_130 : i32
      %dma_wait3A_132 = arith.constant 0 : i32
      %dma_wait3A_133 = arith.constant 0 : i32
      %dma_wait3A_134 = tpu.memref_slice %arg7[%dma_wait3A_132, %dma_wait3A_133] : memref<1000000x32xf32, #tpu.memory_space<hbm>> -> memref<1000000x32xf32, #tpu.memory_space<hbm>>
      tpu.wait_indirect_dma semaphore(%arg24 : memref<!tpu.dma_semaphore, #tpu.memory_space<semaphore_mem>>) src(%dma_wait3A_134 : memref<1000000x32xf32, #tpu.memory_space<hbm>>) dst(%arg20 : memref<1600x32xf32, #tpu.memory_space<vmem>>)
      %dma_wait3A_135 = tpu.memref_slice %arg9[%mul3A_129] : memref<512xi32, #tpu.memory_space<vmem>> -> memref<32xi32, #tpu.memory_space<vmem>>
      %dma_wait3A_136 = arith.constant 0 : i32
      %dma_wait3A_137 = arith.constant 0 : i32
      %dma_wait3A_138 = tpu.memref_slice %arg6[%dma_wait3A_136, %dma_wait3A_137] : memref<1000000x32xf32, #tpu.memory_space<hbm>> -> memref<1000000x32xf32, #tpu.memory_space<hbm>>
      tpu.wait_indirect_dma semaphore(%arg24 : memref<!tpu.dma_semaphore, #tpu.memory_space<semaphore_mem>>) src(%dma_wait3A_138 : memref<1000000x32xf32, #tpu.memory_space<hbm>>) dst(%arg12 : memref<32x32xf32, #tpu.memory_space<vmem>>)
      %dma_wait3A_139 = tpu.memref_slice %arg10[%mul3A_131] : memref<512xi32, #tpu.memory_space<vmem>> -> memref<32xi32, #tpu.memory_space<vmem>>
      %dma_wait3A_140 = arith.constant 0 : i32
      %dma_wait3A_141 = arith.constant 0 : i32
      %dma_wait3A_142 = tpu.memref_slice %arg7[%dma_wait3A_140, %dma_wait3A_141] : memref<1000000x32xf32, #tpu.memory_space<hbm>> -> memref<1000000x32xf32, #tpu.memory_space<hbm>>
      tpu.wait_indirect_dma semaphore(%arg24 : memref<!tpu.dma_semaphore, #tpu.memory_space<semaphore_mem>>) src(%dma_wait3A_142 : memref<1000000x32xf32, #tpu.memory_space<hbm>>) dst(%arg14 : memref<32x32xf32, #tpu.memory_space<vmem>>)
      %add3A_143 = arith.constant 1 : i32
      %add3A_144 = arith.addi %add3A_127, %add3A_143 : i32
      %lt3A_145 = arith.constant 16 : i32
      %lt3A_146 = arith.cmpi slt, %add3A_144, %lt3A_145 : i32
      %convert_element_type3A_147 = arith.extui %lt3A_146 : i1 to i32
      %cond3A_148 = arith.constant 0 : i32
      %cond3A_149 = arith.cmpi ne, %convert_element_type3A_147, %cond3A_148 : i32
      scf.if %cond3A_149 {
        %add3A_177 = arith.constant 1 : i32
        %add3A_178 = arith.addi %add3A_127, %add3A_177 : i32
        %mul3A_179 = arith.constant 50 : i32
        %mul3A_180 = arith.muli %multiple_of3A, %mul3A_179 : i32
        %multiple_of3A_181 = tpu.assume_multiple %mul3A_180, 25600 : i32
        %mul3A_182 = arith.constant 1600 : i32
        %mul3A_183 = arith.muli %add3A_178, %mul3A_182 : i32
        %add3A_184 = arith.addi %multiple_of3A_181, %mul3A_183 : i32
        %mul3A_185 = arith.constant 64 : i32
        %mul3A_186 = arith.muli %multiple_of3A, %mul3A_185 : i32
        %multiple_of3A_187 = tpu.assume_multiple %mul3A_186, 32768 : i32
        %mul3A_188 = arith.constant 2048 : i32
        %mul3A_189 = arith.muli %add3A_178, %mul3A_188 : i32
        %add3A_190 = arith.addi %multiple_of3A_187, %mul3A_189 : i32
        %dma_wait3A_191 = tpu.memref_slice %arg3[%add3A_184] : memref<819200xi32, #tpu.memory_space<hbm>> -> memref<1600xi32, #tpu.memory_space<hbm>>
        %dma_wait3A_192 = tpu.memref_slice %arg3[%add3A_184] : memref<819200xi32, #tpu.memory_space<hbm>> -> memref<1600xi32, #tpu.memory_space<hbm>>
        tpu.wait_dma2 semaphore(%arg25 : memref<!tpu.dma_semaphore, #tpu.memory_space<semaphore_mem>>) src(%dma_wait3A_192 : memref<1600xi32, #tpu.memory_space<hbm>>) dst(%arg15 : memref<1600xi32, #tpu.memory_space<vmem>>)
        %dma_wait3A_193 = tpu.memref_slice %arg4[%add3A_190] : memref<1048576xf32, #tpu.memory_space<hbm>> -> memref<2048xf32, #tpu.memory_space<hbm>>
        %dma_wait3A_194 = tpu.memref_slice %arg4[%add3A_190] : memref<1048576xf32, #tpu.memory_space<hbm>> -> memref<2048xf32, #tpu.memory_space<hbm>>
        tpu.wait_dma2 semaphore(%arg25 : memref<!tpu.dma_semaphore, #tpu.memory_space<semaphore_mem>>) src(%dma_wait3A_194 : memref<2048xf32, #tpu.memory_space<hbm>>) dst(%arg17 : memref<2048xf32, #tpu.memory_space<vmem>>)
        %add3A_195 = arith.constant 1 : i32
        %add3A_196 = arith.addi %add3A_127, %add3A_195 : i32
        %mul3A_197 = arith.constant 32 : i32
        %mul3A_198 = arith.muli %add3A_196, %mul3A_197 : i32
        %mul3A_199 = arith.constant 32 : i32
        %mul3A_200 = arith.muli %add3A_196, %mul3A_199 : i32
        %dma_start3A_201 = arith.constant 0 : i32
        %dma_start3A_202 = arith.constant 0 : i32
        %dma_start3A_203 = tpu.memref_slice %arg7[%dma_start3A_201, %dma_start3A_202] : memref<1000000x32xf32, #tpu.memory_space<hbm>> -> memref<1000000x32xf32, #tpu.memory_space<hbm>>
        tpu.enqueue_indirect_dma source(%dma_start3A_203 : memref<1000000x32xf32, #tpu.memory_space<hbm>>) target(%arg19 : memref<1600x32xf32, #tpu.memory_space<vmem>>) offsets(%arg15 : memref<1600xi32, #tpu.memory_space<vmem>>) semaphore(%arg23 : memref<!tpu.dma_semaphore, #tpu.memory_space<semaphore_mem>>)
        %dma_start3A_204 = tpu.memref_slice %arg9[%mul3A_198] : memref<512xi32, #tpu.memory_space<vmem>> -> memref<32xi32, #tpu.memory_space<vmem>>
        %dma_start3A_205 = arith.constant 0 : i32
        %dma_start3A_206 = arith.constant 0 : i32
        %dma_start3A_207 = tpu.memref_slice %arg6[%dma_start3A_205, %dma_start3A_206] : memref<1000000x32xf32, #tpu.memory_space<hbm>> -> memref<1000000x32xf32, #tpu.memory_space<hbm>>
        tpu.enqueue_indirect_dma source(%dma_start3A_207 : memref<1000000x32xf32, #tpu.memory_space<hbm>>) target(%arg11 : memref<32x32xf32, #tpu.memory_space<vmem>>) offsets(%dma_start3A_204 : memref<32xi32, #tpu.memory_space<vmem>>) semaphore(%arg23 : memref<!tpu.dma_semaphore, #tpu.memory_space<semaphore_mem>>)
        %dma_start3A_208 = tpu.memref_slice %arg10[%mul3A_200] : memref<512xi32, #tpu.memory_space<vmem>> -> memref<32xi32, #tpu.memory_space<vmem>>
        %dma_start3A_209 = arith.constant 0 : i32
        %dma_start3A_210 = arith.constant 0 : i32
        %dma_start3A_211 = tpu.memref_slice %arg7[%dma_start3A_209, %dma_start3A_210] : memref<1000000x32xf32, #tpu.memory_space<hbm>> -> memref<1000000x32xf32, #tpu.memory_space<hbm>>
        tpu.enqueue_indirect_dma source(%dma_start3A_211 : memref<1000000x32xf32, #tpu.memory_space<hbm>>) target(%arg13 : memref<32x32xf32, #tpu.memory_space<vmem>>) offsets(%dma_start3A_208 : memref<32xi32, #tpu.memory_space<vmem>>) semaphore(%arg23 : memref<!tpu.dma_semaphore, #tpu.memory_space<semaphore_mem>>)
      } else {
      }
      %ge3A_150 = arith.constant 2 : i32
      %ge3A_151 = arith.cmpi sge, %add3A_127, %ge3A_150 : i32
      %convert_element_type3A_152 = arith.extui %ge3A_151 : i1 to i32
      %cond3A_153 = arith.constant 0 : i32
      %cond3A_154 = arith.cmpi ne, %convert_element_type3A_152, %cond3A_153 : i32
      scf.if %cond3A_154 {
        %sub3A = arith.constant 2 : i32
        %sub3A_177 = arith.subi %add3A_127, %sub3A : i32
        %mul3A_178 = arith.constant 32 : i32
        %mul3A_179 = arith.muli %sub3A_177, %mul3A_178 : i32
        %add3A_180 = arith.addi %multiple_of3A, %mul3A_179 : i32
        %dma_wait3A_181 = arith.constant 0 : i32
        %dma_wait3A_182 = tpu.memref_slice %arg8[%add3A_180, %dma_wait3A_181] : memref<16384x96xf32, #tpu.memory_space<hbm>> -> memref<32x96xf32, #tpu.memory_space<hbm>>
        %dma_wait3A_183 = arith.constant 0 : i32
        %dma_wait3A_184 = tpu.memref_slice %arg8[%add3A_180, %dma_wait3A_183] : memref<16384x96xf32, #tpu.memory_space<hbm>> -> memref<32x96xf32, #tpu.memory_space<hbm>>
        tpu.wait_dma2 semaphore(%arg28 : memref<!tpu.dma_semaphore, #tpu.memory_space<semaphore_mem>>) src(%arg22 : memref<32x96xf32, #tpu.memory_space<vmem>>) dst(%dma_wait3A_184 : memref<32x96xf32, #tpu.memory_space<hbm>>)
      } else {
      }
      %scan3A_155 = arith.constant 0 : i32
      %scan3A_156 = arith.constant 0 : i32
      %scan3A_157 = arith.constant 32 : i32
      %scan3A_158 = arith.addi %scan3A_156, %scan3A_157 : i32
      %scan3A_159 = arith.constant 1 : i32
      %scan3A_160 = scf.for %scan3A_177 = %scan3A_156 to %scan3A_158 step %scan3A_159 iter_args(%scan3A_178 = %scan3A_155) -> (i32)  : i32 {
        %mul3A_179 = arith.constant 50 : i32
        %mul3A_180 = arith.muli %scan3A_177, %mul3A_179 : i32
        %mul3A_181 = arith.constant 64 : i32
        %mul3A_182 = arith.muli %scan3A_177, %mul3A_181 : i32
        %add3A_183 = arith.constant 0 : i32
        %add3A_184 = arith.addi %mul3A_182, %add3A_183 : i32
        %get3A = arith.index_cast %add3A_184 : i32 to index
        %get3A_185 = tpu.vector_load %arg18[%get3A] {strides = array<i32>} : memref<2048xf32, #tpu.memory_space<vmem>>, vector<16xf32>,
        %get3A_186 = vector.shape_cast %get3A_185 : vector<16xf32> to vector<16xf32>
        %mul3A_187 = arith.constant 64 : i32
        %mul3A_188 = arith.muli %scan3A_177, %mul3A_187 : i32
        %add3A_189 = arith.constant 16 : i32
        %add3A_190 = arith.addi %mul3A_188, %add3A_189 : i32
        %get3A_191 = arith.index_cast %add3A_190 : i32 to index
        %get3A_192 = tpu.vector_load %arg18[%get3A_191] {strides = array<i32>} : memref<2048xf32, #tpu.memory_space<vmem>>, vector<16xf32>,
        %get3A_193 = vector.shape_cast %get3A_192 : vector<16xf32> to vector<16xf32>
        %mul3A_194 = arith.constant 64 : i32
        %mul3A_195 = arith.muli %scan3A_177, %mul3A_194 : i32
        %add3A_196 = arith.constant 32 : i32
        %add3A_197 = arith.addi %mul3A_195, %add3A_196 : i32
        %get3A_198 = arith.index_cast %add3A_197 : i32 to index
        %get3A_199 = tpu.vector_load %arg18[%get3A_198] {strides = array<i32>} : memref<2048xf32, #tpu.memory_space<vmem>>, vector<16xf32>,
        %get3A_200 = vector.shape_cast %get3A_199 : vector<16xf32> to vector<16xf32>
        %mul3A_201 = arith.constant 64 : i32
        %mul3A_202 = arith.muli %scan3A_177, %mul3A_201 : i32
        %add3A_203 = arith.constant 48 : i32
        %add3A_204 = arith.addi %mul3A_202, %add3A_203 : i32
        %get3A_205 = arith.index_cast %add3A_204 : i32 to index
        %get3A_206 = tpu.vector_load %arg18[%get3A_205] {strides = array<i32>} : memref<2048xf32, #tpu.memory_space<vmem>>, vector<16xf32>,
        %get3A_207 = vector.shape_cast %get3A_206 : vector<16xf32> to vector<16xf32>
        %broadcast_in_dim3A = arith.constant 0.000000e+00 : f32
        %broadcast_in_dim3A_208 = vector.broadcast %broadcast_in_dim3A : f32 to vector<16xf32>
        %broadcast_in_dim3A_209 = arith.constant 0.000000e+00 : f32
        %broadcast_in_dim3A_210 = vector.broadcast %broadcast_in_dim3A_209 : f32 to vector<16xf32>
        %broadcast_in_dim3A_211 = arith.constant 0.000000e+00 : f32
        %broadcast_in_dim3A_212 = vector.broadcast %broadcast_in_dim3A_211 : f32 to vector<16xf32>
        %broadcast_in_dim3A_213 = arith.constant 0.000000e+00 : f32
        %broadcast_in_dim3A_214 = vector.broadcast %broadcast_in_dim3A_213 : f32 to vector<16xf32>
        %broadcast_in_dim3A_215 = arith.constant 0.000000e+00 : f32
        %broadcast_in_dim3A_216 = vector.broadcast %broadcast_in_dim3A_215 : f32 to vector<16xf32>
        %broadcast_in_dim3A_217 = arith.constant 0.000000e+00 : f32
        %broadcast_in_dim3A_218 = vector.broadcast %broadcast_in_dim3A_217 : f32 to vector<16xf32>
        %broadcast_in_dim3A_219 = arith.constant 0.000000e+00 : f32
        %broadcast_in_dim3A_220 = vector.broadcast %broadcast_in_dim3A_219 : f32 to vector<16xf32>
        %broadcast_in_dim3A_221 = arith.constant 0.000000e+00 : f32
        %broadcast_in_dim3A_222 = vector.broadcast %broadcast_in_dim3A_221 : f32 to vector<16xf32>
        %slice3A = vector.extract_strided_slice %get3A_186 {offsets = [0], sizes = [1], strides = [1]} : vector<16xf32> to vector<1xf32>
        %squeeze3A = vector.extract %slice3A[0] : f32 from vector<1xf32>
        %add3A_223 = arith.constant 0 : i32
        %add3A_224 = arith.addi %mul3A_180, %add3A_223 : i32
        %get3A_225 = arith.index_cast %add3A_224 : i32 to index
        %get3A_226 = arith.constant 0 : index
        %get3A_227 = tpu.vector_load %arg20[%get3A_225, %get3A_226] {strides = array<i32>} : memref<1600x32xf32, #tpu.memory_space<vmem>>, vector<1x16xf32>,
        %get3A_228 = vector.shape_cast %get3A_227 : vector<1x16xf32> to vector<16xf32>
        %mul3A_229 = vector.broadcast %squeeze3A : f32 to vector<16xf32>
        %mul3A_230 = arith.mulf %mul3A_229, %get3A_228 : vector<16xf32>
        %add3A_231 = arith.addf %broadcast_in_dim3A_208, %mul3A_230 : vector<16xf32>
        %add3A_232 = arith.constant 0 : i32
        %add3A_233 = arith.addi %mul3A_180, %add3A_232 : i32
        %get3A_234 = arith.index_cast %add3A_233 : i32 to index
        %get3A_235 = arith.constant 16 : index
        %get3A_236 = tpu.vector_load %arg20[%get3A_234, %get3A_235] {strides = array<i32>} : memref<1600x32xf32, #tpu.memory_space<vmem>>, vector<1x16xf32>,
        %get3A_237 = vector.shape_cast %get3A_236 : vector<1x16xf32> to vector<16xf32>
        %mul3A_238 = vector.broadcast %squeeze3A : f32 to vector<16xf32>
        %mul3A_239 = arith.mulf %mul3A_238, %get3A_237 : vector<16xf32>
        %add3A_240 = arith.addf %broadcast_in_dim3A_210, %mul3A_239 : vector<16xf32>
        %slice3A_241 = vector.extract_strided_slice %get3A_186 {offsets = [1], sizes = [1], strides = [1]} : vector<16xf32> to vector<1xf32>
        %squeeze3A_242 = vector.extract %slice3A_241[0] : f32 from vector<1xf32>
        %add3A_243 = arith.constant 1 : i32
        %add3A_244 = arith.addi %mul3A_180, %add3A_243 : i32
        %get3A_245 = arith.index_cast %add3A_244 : i32 to index
        %get3A_246 = arith.constant 0 : index
        %get3A_247 = tpu.vector_load %arg20[%get3A_245, %get3A_246] {strides = array<i32>} : memref<1600x32xf32, #tpu.memory_space<vmem>>, vector<1x16xf32>,
        %get3A_248 = vector.shape_cast %get3A_247 : vector<1x16xf32> to vector<16xf32>
        %mul3A_249 = vector.broadcast %squeeze3A_242 : f32 to vector<16xf32>
        %mul3A_250 = arith.mulf %mul3A_249, %get3A_248 : vector<16xf32>
        %add3A_251 = arith.addf %broadcast_in_dim3A_212, %mul3A_250 : vector<16xf32>
        %add3A_252 = arith.constant 1 : i32
        %add3A_253 = arith.addi %mul3A_180, %add3A_252 : i32
        %get3A_254 = arith.index_cast %add3A_253 : i32 to index
        %get3A_255 = arith.constant 16 : index
        %get3A_256 = tpu.vector_load %arg20[%get3A_254, %get3A_255] {strides = array<i32>} : memref<1600x32xf32, #tpu.memory_space<vmem>>, vector<1x16xf32>,
        %get3A_257 = vector.shape_cast %get3A_256 : vector<1x16xf32> to vector<16xf32>
        %mul3A_258 = vector.broadcast %squeeze3A_242 : f32 to vector<16xf32>
        %mul3A_259 = arith.mulf %mul3A_258, %get3A_257 : vector<16xf32>
        %add3A_260 = arith.addf %broadcast_in_dim3A_214, %mul3A_259 : vector<16xf32>
        %slice3A_261 = vector.extract_strided_slice %get3A_186 {offsets = [2], sizes = [1], strides = [1]} : vector<16xf32> to vector<1xf32>
        %squeeze3A_262 = vector.extract %slice3A_261[0] : f32 from vector<1xf32>
        %add3A_263 = arith.constant 2 : i32
        %add3A_264 = arith.addi %mul3A_180, %add3A_263 : i32
        %get3A_265 = arith.index_cast %add3A_264 : i32 to index
        %get3A_266 = arith.constant 0 : index
        %get3A_267 = tpu.vector_load %arg20[%get3A_265, %get3A_266] {strides = array<i32>} : memref<1600x32xf32, #tpu.memory_space<vmem>>, vector<1x16xf32>,
        %get3A_268 = vector.shape_cast %get3A_267 : vector<1x16xf32> to vector<16xf32>
        %mul3A_269 = vector.broadcast %squeeze3A_262 : f32 to vector<16xf32>
        %mul3A_270 = arith.mulf %mul3A_269, %get3A_268 : vector<16xf32>
        %add3A_271 = arith.addf %broadcast_in_dim3A_216, %mul3A_270 : vector<16xf32>
        %add3A_272 = arith.constant 2 : i32
        %add3A_273 = arith.addi %mul3A_180, %add3A_272 : i32
        %get3A_274 = arith.index_cast %add3A_273 : i32 to index
        %get3A_275 = arith.constant 16 : index
        %get3A_276 = tpu.vector_load %arg20[%get3A_274, %get3A_275] {strides = array<i32>} : memref<1600x32xf32, #tpu.memory_space<vmem>>, vector<1x16xf32>,
        %get3A_277 = vector.shape_cast %get3A_276 : vector<1x16xf32> to vector<16xf32>
        %mul3A_278 = vector.broadcast %squeeze3A_262 : f32 to vector<16xf32>
        %mul3A_279 = arith.mulf %mul3A_278, %get3A_277 : vector<16xf32>
        %add3A_280 = arith.addf %broadcast_in_dim3A_218, %mul3A_279 : vector<16xf32>
        %slice3A_281 = vector.extract_strided_slice %get3A_186 {offsets = [3], sizes = [1], strides = [1]} : vector<16xf32> to vector<1xf32>
        %squeeze3A_282 = vector.extract %slice3A_281[0] : f32 from vector<1xf32>
        %add3A_283 = arith.constant 3 : i32
        %add3A_284 = arith.addi %mul3A_180, %add3A_283 : i32
        %get3A_285 = arith.index_cast %add3A_284 : i32 to index
        %get3A_286 = arith.constant 0 : index
        %get3A_287 = tpu.vector_load %arg20[%get3A_285, %get3A_286] {strides = array<i32>} : memref<1600x32xf32, #tpu.memory_space<vmem>>, vector<1x16xf32>,
        %get3A_288 = vector.shape_cast %get3A_287 : vector<1x16xf32> to vector<16xf32>
        %mul3A_289 = vector.broadcast %squeeze3A_282 : f32 to vector<16xf32>
        %mul3A_290 = arith.mulf %mul3A_289, %get3A_288 : vector<16xf32>
        %add3A_291 = arith.addf %broadcast_in_dim3A_220, %mul3A_290 : vector<16xf32>
        %add3A_292 = arith.constant 3 : i32
        %add3A_293 = arith.addi %mul3A_180, %add3A_292 : i32
        %get3A_294 = arith.index_cast %add3A_293 : i32 to index
        %get3A_295 = arith.constant 16 : index
        %get3A_296 = tpu.vector_load %arg20[%get3A_294, %get3A_295] {strides = array<i32>} : memref<1600x32xf32, #tpu.memory_space<vmem>>, vector<1x16xf32>,
        %get3A_297 = vector.shape_cast %get3A_296 : vector<1x16xf32> to vector<16xf32>
        %mul3A_298 = vector.broadcast %squeeze3A_282 : f32 to vector<16xf32>
        %mul3A_299 = arith.mulf %mul3A_298, %get3A_297 : vector<16xf32>
        %add3A_300 = arith.addf %broadcast_in_dim3A_222, %mul3A_299 : vector<16xf32>
        %slice3A_301 = vector.extract_strided_slice %get3A_186 {offsets = [4], sizes = [1], strides = [1]} : vector<16xf32> to vector<1xf32>
        %squeeze3A_302 = vector.extract %slice3A_301[0] : f32 from vector<1xf32>
        %add3A_303 = arith.constant 4 : i32
        %add3A_304 = arith.addi %mul3A_180, %add3A_303 : i32
        %get3A_305 = arith.index_cast %add3A_304 : i32 to index
        %get3A_306 = arith.constant 0 : index
        %get3A_307 = tpu.vector_load %arg20[%get3A_305, %get3A_306] {strides = array<i32>} : memref<1600x32xf32, #tpu.memory_space<vmem>>, vector<1x16xf32>,
        %get3A_308 = vector.shape_cast %get3A_307 : vector<1x16xf32> to vector<16xf32>
        %mul3A_309 = vector.broadcast %squeeze3A_302 : f32 to vector<16xf32>
        %mul3A_310 = arith.mulf %mul3A_309, %get3A_308 : vector<16xf32>
        %add3A_311 = arith.addf %add3A_231, %mul3A_310 : vector<16xf32>
        %add3A_312 = arith.constant 4 : i32
        %add3A_313 = arith.addi %mul3A_180, %add3A_312 : i32
        %get3A_314 = arith.index_cast %add3A_313 : i32 to index
        %get3A_315 = arith.constant 16 : index
        %get3A_316 = tpu.vector_load %arg20[%get3A_314, %get3A_315] {strides = array<i32>} : memref<1600x32xf32, #tpu.memory_space<vmem>>, vector<1x16xf32>,
        %get3A_317 = vector.shape_cast %get3A_316 : vector<1x16xf32> to vector<16xf32>
        %mul3A_318 = vector.broadcast %squeeze3A_302 : f32 to vector<16xf32>
        %mul3A_319 = arith.mulf %mul3A_318, %get3A_317 : vector<16xf32>
        %add3A_320 = arith.addf %add3A_240, %mul3A_319 : vector<16xf32>
        %slice3A_321 = vector.extract_strided_slice %get3A_186 {offsets = [5], sizes = [1], strides = [1]} : vector<16xf32> to vector<1xf32>
        %squeeze3A_322 = vector.extract %slice3A_321[0] : f32 from vector<1xf32>
        %add3A_323 = arith.constant 5 : i32
        %add3A_324 = arith.addi %mul3A_180, %add3A_323 : i32
        %get3A_325 = arith.index_cast %add3A_324 : i32 to index
        %get3A_326 = arith.constant 0 : index
        %get3A_327 = tpu.vector_load %arg20[%get3A_325, %get3A_326] {strides = array<i32>} : memref<1600x32xf32, #tpu.memory_space<vmem>>, vector<1x16xf32>,
        %get3A_328 = vector.shape_cast %get3A_327 : vector<1x16xf32> to vector<16xf32>
        %mul3A_329 = vector.broadcast %squeeze3A_322 : f32 to vector<16xf32>
        %mul3A_330 = arith.mulf %mul3A_329, %get3A_328 : vector<16xf32>
        %add3A_331 = arith.addf %add3A_251, %mul3A_330 : vector<16xf32>
        %add3A_332 = arith.constant 5 : i32
        %add3A_333 = arith.addi %mul3A_180, %add3A_332 : i32
        %get3A_334 = arith.index_cast %add3A_333 : i32 to index
        %get3A_335 = arith.constant 16 : index
        %get3A_336 = tpu.vector_load %arg20[%get3A_334, %get3A_335] {strides = array<i32>} : memref<1600x32xf32, #tpu.memory_space<vmem>>, vector<1x16xf32>,
        %get3A_337 = vector.shape_cast %get3A_336 : vector<1x16xf32> to vector<16xf32>
        %mul3A_338 = vector.broadcast %squeeze3A_322 : f32 to vector<16xf32>
        %mul3A_339 = arith.mulf %mul3A_338, %get3A_337 : vector<16xf32>
        %add3A_340 = arith.addf %add3A_260, %mul3A_339 : vector<16xf32>
        %slice3A_341 = vector.extract_strided_slice %get3A_186 {offsets = [6], sizes = [1], strides = [1]} : vector<16xf32> to vector<1xf32>
        %squeeze3A_342 = vector.extract %slice3A_341[0] : f32 from vector<1xf32>
        %add3A_343 = arith.constant 6 : i32
        %add3A_344 = arith.addi %mul3A_180, %add3A_343 : i32
        %get3A_345 = arith.index_cast %add3A_344 : i32 to index
        %get3A_346 = arith.constant 0 : index
        %get3A_347 = tpu.vector_load %arg20[%get3A_345, %get3A_346] {strides = array<i32>} : memref<1600x32xf32, #tpu.memory_space<vmem>>, vector<1x16xf32>,
        %get3A_348 = vector.shape_cast %get3A_347 : vector<1x16xf32> to vector<16xf32>
        %mul3A_349 = vector.broadcast %squeeze3A_342 : f32 to vector<16xf32>
        %mul3A_350 = arith.mulf %mul3A_349, %get3A_348 : vector<16xf32>
        %add3A_351 = arith.addf %add3A_271, %mul3A_350 : vector<16xf32>
        %add3A_352 = arith.constant 6 : i32
        %add3A_353 = arith.addi %mul3A_180, %add3A_352 : i32
        %get3A_354 = arith.index_cast %add3A_353 : i32 to index
        %get3A_355 = arith.constant 16 : index
        %get3A_356 = tpu.vector_load %arg20[%get3A_354, %get3A_355] {strides = array<i32>} : memref<1600x32xf32, #tpu.memory_space<vmem>>, vector<1x16xf32>,
        %get3A_357 = vector.shape_cast %get3A_356 : vector<1x16xf32> to vector<16xf32>
        %mul3A_358 = vector.broadcast %squeeze3A_342 : f32 to vector<16xf32>
        %mul3A_359 = arith.mulf %mul3A_358, %get3A_357 : vector<16xf32>
        %add3A_360 = arith.addf %add3A_280, %mul3A_359 : vector<16xf32>
        %slice3A_361 = vector.extract_strided_slice %get3A_186 {offsets = [7], sizes = [1], strides = [1]} : vector<16xf32> to vector<1xf32>
        %squeeze3A_362 = vector.extract %slice3A_361[0] : f32 from vector<1xf32>
        %add3A_363 = arith.constant 7 : i32
        %add3A_364 = arith.addi %mul3A_180, %add3A_363 : i32
        %get3A_365 = arith.index_cast %add3A_364 : i32 to index
        %get3A_366 = arith.constant 0 : index
        %get3A_367 = tpu.vector_load %arg20[%get3A_365, %get3A_366] {strides = array<i32>} : memref<1600x32xf32, #tpu.memory_space<vmem>>, vector<1x16xf32>,
        %get3A_368 = vector.shape_cast %get3A_367 : vector<1x16xf32> to vector<16xf32>
        %mul3A_369 = vector.broadcast %squeeze3A_362 : f32 to vector<16xf32>
        %mul3A_370 = arith.mulf %mul3A_369, %get3A_368 : vector<16xf32>
        %add3A_371 = arith.addf %add3A_291, %mul3A_370 : vector<16xf32>
        %add3A_372 = arith.constant 7 : i32
        %add3A_373 = arith.addi %mul3A_180, %add3A_372 : i32
        %get3A_374 = arith.index_cast %add3A_373 : i32 to index
        %get3A_375 = arith.constant 16 : index
        %get3A_376 = tpu.vector_load %arg20[%get3A_374, %get3A_375] {strides = array<i32>} : memref<1600x32xf32, #tpu.memory_space<vmem>>, vector<1x16xf32>,
        %get3A_377 = vector.shape_cast %get3A_376 : vector<1x16xf32> to vector<16xf32>
        %mul3A_378 = vector.broadcast %squeeze3A_362 : f32 to vector<16xf32>
        %mul3A_379 = arith.mulf %mul3A_378, %get3A_377 : vector<16xf32>
        %add3A_380 = arith.addf %add3A_300, %mul3A_379 : vector<16xf32>
        %slice3A_381 = vector.extract_strided_slice %get3A_186 {offsets = [8], sizes = [1], strides = [1]} : vector<16xf32> to vector<1xf32>
        %squeeze3A_382 = vector.extract %slice3A_381[0] : f32 from vector<1xf32>
        %add3A_383 = arith.constant 8 : i32
        %add3A_384 = arith.addi %mul3A_180, %add3A_383 : i32
        %get3A_385 = arith.index_cast %add3A_384 : i32 to index
        %get3A_386 = arith.constant 0 : index
        %get3A_387 = tpu.vector_load %arg20[%get3A_385, %get3A_386] {strides = array<i32>} : memref<1600x32xf32, #tpu.memory_space<vmem>>, vector<1x16xf32>,
        %get3A_388 = vector.shape_cast %get3A_387 : vector<1x16xf32> to vector<16xf32>
        %mul3A_389 = vector.broadcast %squeeze3A_382 : f32 to vector<16xf32>
        %mul3A_390 = arith.mulf %mul3A_389, %get3A_388 : vector<16xf32>
        %add3A_391 = arith.addf %add3A_311, %mul3A_390 : vector<16xf32>
        %add3A_392 = arith.constant 8 : i32
        %add3A_393 = arith.addi %mul3A_180, %add3A_392 : i32
        %get3A_394 = arith.index_cast %add3A_393 : i32 to index
        %get3A_395 = arith.constant 16 : index
        %get3A_396 = tpu.vector_load %arg20[%get3A_394, %get3A_395] {strides = array<i32>} : memref<1600x32xf32, #tpu.memory_space<vmem>>, vector<1x16xf32>,
        %get3A_397 = vector.shape_cast %get3A_396 : vector<1x16xf32> to vector<16xf32>
        %mul3A_398 = vector.broadcast %squeeze3A_382 : f32 to vector<16xf32>
        %mul3A_399 = arith.mulf %mul3A_398, %get3A_397 : vector<16xf32>
        %add3A_400 = arith.addf %add3A_320, %mul3A_399 : vector<16xf32>
        %slice3A_401 = vector.extract_strided_slice %get3A_186 {offsets = [9], sizes = [1], strides = [1]} : vector<16xf32> to vector<1xf32>
        %squeeze3A_402 = vector.extract %slice3A_401[0] : f32 from vector<1xf32>
        %add3A_403 = arith.constant 9 : i32
        %add3A_404 = arith.addi %mul3A_180, %add3A_403 : i32
        %get3A_405 = arith.index_cast %add3A_404 : i32 to index
        %get3A_406 = arith.constant 0 : index
        %get3A_407 = tpu.vector_load %arg20[%get3A_405, %get3A_406] {strides = array<i32>} : memref<1600x32xf32, #tpu.memory_space<vmem>>, vector<1x16xf32>,
        %get3A_408 = vector.shape_cast %get3A_407 : vector<1x16xf32> to vector<16xf32>
        %mul3A_409 = vector.broadcast %squeeze3A_402 : f32 to vector<16xf32>
        %mul3A_410 = arith.mulf %mul3A_409, %get3A_408 : vector<16xf32>
        %add3A_411 = arith.addf %add3A_331, %mul3A_410 : vector<16xf32>
        %add3A_412 = arith.constant 9 : i32
        %add3A_413 = arith.addi %mul3A_180, %add3A_412 : i32
        %get3A_414 = arith.index_cast %add3A_413 : i32 to index
        %get3A_415 = arith.constant 16 : index
        %get3A_416 = tpu.vector_load %arg20[%get3A_414, %get3A_415] {strides = array<i32>} : memref<1600x32xf32, #tpu.memory_space<vmem>>, vector<1x16xf32>,
        %get3A_417 = vector.shape_cast %get3A_416 : vector<1x16xf32> to vector<16xf32>
        %mul3A_418 = vector.broadcast %squeeze3A_402 : f32 to vector<16xf32>
        %mul3A_419 = arith.mulf %mul3A_418, %get3A_417 : vector<16xf32>
        %add3A_420 = arith.addf %add3A_340, %mul3A_419 : vector<16xf32>
        %slice3A_421 = vector.extract_strided_slice %get3A_186 {offsets = [10], sizes = [1], strides = [1]} : vector<16xf32> to vector<1xf32>
        %squeeze3A_422 = vector.extract %slice3A_421[0] : f32 from vector<1xf32>
        %add3A_423 = arith.constant 10 : i32
        %add3A_424 = arith.addi %mul3A_180, %add3A_423 : i32
        %get3A_425 = arith.index_cast %add3A_424 : i32 to index
        %get3A_426 = arith.constant 0 : index
        %get3A_427 = tpu.vector_load %arg20[%get3A_425, %get3A_426] {strides = array<i32>} : memref<1600x32xf32, #tpu.memory_space<vmem>>, vector<1x16xf32>,
        %get3A_428 = vector.shape_cast %get3A_427 : vector<1x16xf32> to vector<16xf32>
        %mul3A_429 = vector.broadcast %squeeze3A_422 : f32 to vector<16xf32>
        %mul3A_430 = arith.mulf %mul3A_429, %get3A_428 : vector<16xf32>
        %add3A_431 = arith.addf %add3A_351, %mul3A_430 : vector<16xf32>
        %add3A_432 = arith.constant 10 : i32
        %add3A_433 = arith.addi %mul3A_180, %add3A_432 : i32
        %get3A_434 = arith.index_cast %add3A_433 : i32 to index
        %get3A_435 = arith.constant 16 : index
        %get3A_436 = tpu.vector_load %arg20[%get3A_434, %get3A_435] {strides = array<i32>} : memref<1600x32xf32, #tpu.memory_space<vmem>>, vector<1x16xf32>,
        %get3A_437 = vector.shape_cast %get3A_436 : vector<1x16xf32> to vector<16xf32>
        %mul3A_438 = vector.broadcast %squeeze3A_422 : f32 to vector<16xf32>
        %mul3A_439 = arith.mulf %mul3A_438, %get3A_437 : vector<16xf32>
        %add3A_440 = arith.addf %add3A_360, %mul3A_439 : vector<16xf32>
        %slice3A_441 = vector.extract_strided_slice %get3A_186 {offsets = [11], sizes = [1], strides = [1]} : vector<16xf32> to vector<1xf32>
        %squeeze3A_442 = vector.extract %slice3A_441[0] : f32 from vector<1xf32>
        %add3A_443 = arith.constant 11 : i32
        %add3A_444 = arith.addi %mul3A_180, %add3A_443 : i32
        %get3A_445 = arith.index_cast %add3A_444 : i32 to index
        %get3A_446 = arith.constant 0 : index
        %get3A_447 = tpu.vector_load %arg20[%get3A_445, %get3A_446] {strides = array<i32>} : memref<1600x32xf32, #tpu.memory_space<vmem>>, vector<1x16xf32>,
        %get3A_448 = vector.shape_cast %get3A_447 : vector<1x16xf32> to vector<16xf32>
        %mul3A_449 = vector.broadcast %squeeze3A_442 : f32 to vector<16xf32>
        %mul3A_450 = arith.mulf %mul3A_449, %get3A_448 : vector<16xf32>
        %add3A_451 = arith.addf %add3A_371, %mul3A_450 : vector<16xf32>
        %add3A_452 = arith.constant 11 : i32
        %add3A_453 = arith.addi %mul3A_180, %add3A_452 : i32
        %get3A_454 = arith.index_cast %add3A_453 : i32 to index
        %get3A_455 = arith.constant 16 : index
        %get3A_456 = tpu.vector_load %arg20[%get3A_454, %get3A_455] {strides = array<i32>} : memref<1600x32xf32, #tpu.memory_space<vmem>>, vector<1x16xf32>,
        %get3A_457 = vector.shape_cast %get3A_456 : vector<1x16xf32> to vector<16xf32>
        %mul3A_458 = vector.broadcast %squeeze3A_442 : f32 to vector<16xf32>
        %mul3A_459 = arith.mulf %mul3A_458, %get3A_457 : vector<16xf32>
        %add3A_460 = arith.addf %add3A_380, %mul3A_459 : vector<16xf32>
        %slice3A_461 = vector.extract_strided_slice %get3A_186 {offsets = [12], sizes = [1], strides = [1]} : vector<16xf32> to vector<1xf32>
        %squeeze3A_462 = vector.extract %slice3A_461[0] : f32 from vector<1xf32>
        %add3A_463 = arith.constant 12 : i32
        %add3A_464 = arith.addi %mul3A_180, %add3A_463 : i32
        %get3A_465 = arith.index_cast %add3A_464 : i32 to index
        %get3A_466 = arith.constant 0 : index
        %get3A_467 = tpu.vector_load %arg20[%get3A_465, %get3A_466] {strides = array<i32>} : memref<1600x32xf32, #tpu.memory_space<vmem>>, vector<1x16xf32>,
        %get3A_468 = vector.shape_cast %get3A_467 : vector<1x16xf32> to vector<16xf32>
        %mul3A_469 = vector.broadcast %squeeze3A_462 : f32 to vector<16xf32>
        %mul3A_470 = arith.mulf %mul3A_469, %get3A_468 : vector<16xf32>
        %add3A_471 = arith.addf %add3A_391, %mul3A_470 : vector<16xf32>
        %add3A_472 = arith.constant 12 : i32
        %add3A_473 = arith.addi %mul3A_180, %add3A_472 : i32
        %get3A_474 = arith.index_cast %add3A_473 : i32 to index
        %get3A_475 = arith.constant 16 : index
        %get3A_476 = tpu.vector_load %arg20[%get3A_474, %get3A_475] {strides = array<i32>} : memref<1600x32xf32, #tpu.memory_space<vmem>>, vector<1x16xf32>,
        %get3A_477 = vector.shape_cast %get3A_476 : vector<1x16xf32> to vector<16xf32>
        %mul3A_478 = vector.broadcast %squeeze3A_462 : f32 to vector<16xf32>
        %mul3A_479 = arith.mulf %mul3A_478, %get3A_477 : vector<16xf32>
        %add3A_480 = arith.addf %add3A_400, %mul3A_479 : vector<16xf32>
        %slice3A_481 = vector.extract_strided_slice %get3A_186 {offsets = [13], sizes = [1], strides = [1]} : vector<16xf32> to vector<1xf32>
        %squeeze3A_482 = vector.extract %slice3A_481[0] : f32 from vector<1xf32>
        %add3A_483 = arith.constant 13 : i32
        %add3A_484 = arith.addi %mul3A_180, %add3A_483 : i32
        %get3A_485 = arith.index_cast %add3A_484 : i32 to index
        %get3A_486 = arith.constant 0 : index
        %get3A_487 = tpu.vector_load %arg20[%get3A_485, %get3A_486] {strides = array<i32>} : memref<1600x32xf32, #tpu.memory_space<vmem>>, vector<1x16xf32>,
        %get3A_488 = vector.shape_cast %get3A_487 : vector<1x16xf32> to vector<16xf32>
        %mul3A_489 = vector.broadcast %squeeze3A_482 : f32 to vector<16xf32>
        %mul3A_490 = arith.mulf %mul3A_489, %get3A_488 : vector<16xf32>
        %add3A_491 = arith.addf %add3A_411, %mul3A_490 : vector<16xf32>
        %add3A_492 = arith.constant 13 : i32
        %add3A_493 = arith.addi %mul3A_180, %add3A_492 : i32
        %get3A_494 = arith.index_cast %add3A_493 : i32 to index
        %get3A_495 = arith.constant 16 : index
        %get3A_496 = tpu.vector_load %arg20[%get3A_494, %get3A_495] {strides = array<i32>} : memref<1600x32xf32, #tpu.memory_space<vmem>>, vector<1x16xf32>,
        %get3A_497 = vector.shape_cast %get3A_496 : vector<1x16xf32> to vector<16xf32>
        %mul3A_498 = vector.broadcast %squeeze3A_482 : f32 to vector<16xf32>
        %mul3A_499 = arith.mulf %mul3A_498, %get3A_497 : vector<16xf32>
        %add3A_500 = arith.addf %add3A_420, %mul3A_499 : vector<16xf32>
        %slice3A_501 = vector.extract_strided_slice %get3A_186 {offsets = [14], sizes = [1], strides = [1]} : vector<16xf32> to vector<1xf32>
        %squeeze3A_502 = vector.extract %slice3A_501[0] : f32 from vector<1xf32>
        %add3A_503 = arith.constant 14 : i32
        %add3A_504 = arith.addi %mul3A_180, %add3A_503 : i32
        %get3A_505 = arith.index_cast %add3A_504 : i32 to index
        %get3A_506 = arith.constant 0 : index
        %get3A_507 = tpu.vector_load %arg20[%get3A_505, %get3A_506] {strides = array<i32>} : memref<1600x32xf32, #tpu.memory_space<vmem>>, vector<1x16xf32>,
        %get3A_508 = vector.shape_cast %get3A_507 : vector<1x16xf32> to vector<16xf32>
        %mul3A_509 = vector.broadcast %squeeze3A_502 : f32 to vector<16xf32>
        %mul3A_510 = arith.mulf %mul3A_509, %get3A_508 : vector<16xf32>
        %add3A_511 = arith.addf %add3A_431, %mul3A_510 : vector<16xf32>
        %add3A_512 = arith.constant 14 : i32
        %add3A_513 = arith.addi %mul3A_180, %add3A_512 : i32
        %get3A_514 = arith.index_cast %add3A_513 : i32 to index
        %get3A_515 = arith.constant 16 : index
        %get3A_516 = tpu.vector_load %arg20[%get3A_514, %get3A_515] {strides = array<i32>} : memref<1600x32xf32, #tpu.memory_space<vmem>>, vector<1x16xf32>,
        %get3A_517 = vector.shape_cast %get3A_516 : vector<1x16xf32> to vector<16xf32>
        %mul3A_518 = vector.broadcast %squeeze3A_502 : f32 to vector<16xf32>
        %mul3A_519 = arith.mulf %mul3A_518, %get3A_517 : vector<16xf32>
        %add3A_520 = arith.addf %add3A_440, %mul3A_519 : vector<16xf32>
        %slice3A_521 = vector.extract_strided_slice %get3A_186 {offsets = [15], sizes = [1], strides = [1]} : vector<16xf32> to vector<1xf32>
        %squeeze3A_522 = vector.extract %slice3A_521[0] : f32 from vector<1xf32>
        %add3A_523 = arith.constant 15 : i32
        %add3A_524 = arith.addi %mul3A_180, %add3A_523 : i32
        %get3A_525 = arith.index_cast %add3A_524 : i32 to index
        %get3A_526 = arith.constant 0 : index
        %get3A_527 = tpu.vector_load %arg20[%get3A_525, %get3A_526] {strides = array<i32>} : memref<1600x32xf32, #tpu.memory_space<vmem>>, vector<1x16xf32>,
        %get3A_528 = vector.shape_cast %get3A_527 : vector<1x16xf32> to vector<16xf32>
        %mul3A_529 = vector.broadcast %squeeze3A_522 : f32 to vector<16xf32>
        %mul3A_530 = arith.mulf %mul3A_529, %get3A_528 : vector<16xf32>
        %add3A_531 = arith.addf %add3A_451, %mul3A_530 : vector<16xf32>
        %add3A_532 = arith.constant 15 : i32
        %add3A_533 = arith.addi %mul3A_180, %add3A_532 : i32
        %get3A_534 = arith.index_cast %add3A_533 : i32 to index
        %get3A_535 = arith.constant 16 : index
        %get3A_536 = tpu.vector_load %arg20[%get3A_534, %get3A_535] {strides = array<i32>} : memref<1600x32xf32, #tpu.memory_space<vmem>>, vector<1x16xf32>,
        %get3A_537 = vector.shape_cast %get3A_536 : vector<1x16xf32> to vector<16xf32>
        %mul3A_538 = vector.broadcast %squeeze3A_522 : f32 to vector<16xf32>
        %mul3A_539 = arith.mulf %mul3A_538, %get3A_537 : vector<16xf32>
        %add3A_540 = arith.addf %add3A_460, %mul3A_539 : vector<16xf32>
        %slice3A_541 = vector.extract_strided_slice %get3A_193 {offsets = [0], sizes = [1], strides = [1]} : vector<16xf32> to vector<1xf32>
        %squeeze3A_542 = vector.extract %slice3A_541[0] : f32 from vector<1xf32>
        %add3A_543 = arith.constant 16 : i32
        %add3A_544 = arith.addi %mul3A_180, %add3A_543 : i32
        %get3A_545 = arith.index_cast %add3A_544 : i32 to index
        %get3A_546 = arith.constant 0 : index
        %get3A_547 = tpu.vector_load %arg20[%get3A_545, %get3A_546] {strides = array<i32>} : memref<1600x32xf32, #tpu.memory_space<vmem>>, vector<1x16xf32>,
        %get3A_548 = vector.shape_cast %get3A_547 : vector<1x16xf32> to vector<16xf32>
        %mul3A_549 = vector.broadcast %squeeze3A_542 : f32 to vector<16xf32>
        %mul3A_550 = arith.mulf %mul3A_549, %get3A_548 : vector<16xf32>
        %add3A_551 = arith.addf %add3A_471, %mul3A_550 : vector<16xf32>
        %add3A_552 = arith.constant 16 : i32
        %add3A_553 = arith.addi %mul3A_180, %add3A_552 : i32
        %get3A_554 = arith.index_cast %add3A_553 : i32 to index
        %get3A_555 = arith.constant 16 : index
        %get3A_556 = tpu.vector_load %arg20[%get3A_554, %get3A_555] {strides = array<i32>} : memref<1600x32xf32, #tpu.memory_space<vmem>>, vector<1x16xf32>,
        %get3A_557 = vector.shape_cast %get3A_556 : vector<1x16xf32> to vector<16xf32>
        %mul3A_558 = vector.broadcast %squeeze3A_542 : f32 to vector<16xf32>
        %mul3A_559 = arith.mulf %mul3A_558, %get3A_557 : vector<16xf32>
        %add3A_560 = arith.addf %add3A_480, %mul3A_559 : vector<16xf32>
        %slice3A_561 = vector.extract_strided_slice %get3A_193 {offsets = [1], sizes = [1], strides = [1]} : vector<16xf32> to vector<1xf32>
        %squeeze3A_562 = vector.extract %slice3A_561[0] : f32 from vector<1xf32>
        %add3A_563 = arith.constant 17 : i32
        %add3A_564 = arith.addi %mul3A_180, %add3A_563 : i32
        %get3A_565 = arith.index_cast %add3A_564 : i32 to index
        %get3A_566 = arith.constant 0 : index
        %get3A_567 = tpu.vector_load %arg20[%get3A_565, %get3A_566] {strides = array<i32>} : memref<1600x32xf32, #tpu.memory_space<vmem>>, vector<1x16xf32>,
        %get3A_568 = vector.shape_cast %get3A_567 : vector<1x16xf32> to vector<16xf32>
        %mul3A_569 = vector.broadcast %squeeze3A_562 : f32 to vector<16xf32>
        %mul3A_570 = arith.mulf %mul3A_569, %get3A_568 : vector<16xf32>
        %add3A_571 = arith.addf %add3A_491, %mul3A_570 : vector<16xf32>
        %add3A_572 = arith.constant 17 : i32
        %add3A_573 = arith.addi %mul3A_180, %add3A_572 : i32
        %get3A_574 = arith.index_cast %add3A_573 : i32 to index
        %get3A_575 = arith.constant 16 : index
        %get3A_576 = tpu.vector_load %arg20[%get3A_574, %get3A_575] {strides = array<i32>} : memref<1600x32xf32, #tpu.memory_space<vmem>>, vector<1x16xf32>,
        %get3A_577 = vector.shape_cast %get3A_576 : vector<1x16xf32> to vector<16xf32>
        %mul3A_578 = vector.broadcast %squeeze3A_562 : f32 to vector<16xf32>
        %mul3A_579 = arith.mulf %mul3A_578, %get3A_577 : vector<16xf32>
        %add3A_580 = arith.addf %add3A_500, %mul3A_579 : vector<16xf32>
        %slice3A_581 = vector.extract_strided_slice %get3A_193 {offsets = [2], sizes = [1], strides = [1]} : vector<16xf32> to vector<1xf32>
        %squeeze3A_582 = vector.extract %slice3A_581[0] : f32 from vector<1xf32>
        %add3A_583 = arith.constant 18 : i32
        %add3A_584 = arith.addi %mul3A_180, %add3A_583 : i32
        %get3A_585 = arith.index_cast %add3A_584 : i32 to index
        %get3A_586 = arith.constant 0 : index
        %get3A_587 = tpu.vector_load %arg20[%get3A_585, %get3A_586] {strides = array<i32>} : memref<1600x32xf32, #tpu.memory_space<vmem>>, vector<1x16xf32>,
        %get3A_588 = vector.shape_cast %get3A_587 : vector<1x16xf32> to vector<16xf32>
        %mul3A_589 = vector.broadcast %squeeze3A_582 : f32 to vector<16xf32>
        %mul3A_590 = arith.mulf %mul3A_589, %get3A_588 : vector<16xf32>
        %add3A_591 = arith.addf %add3A_511, %mul3A_590 : vector<16xf32>
        %add3A_592 = arith.constant 18 : i32
        %add3A_593 = arith.addi %mul3A_180, %add3A_592 : i32
        %get3A_594 = arith.index_cast %add3A_593 : i32 to index
        %get3A_595 = arith.constant 16 : index
        %get3A_596 = tpu.vector_load %arg20[%get3A_594, %get3A_595] {strides = array<i32>} : memref<1600x32xf32, #tpu.memory_space<vmem>>, vector<1x16xf32>,
        %get3A_597 = vector.shape_cast %get3A_596 : vector<1x16xf32> to vector<16xf32>
        %mul3A_598 = vector.broadcast %squeeze3A_582 : f32 to vector<16xf32>
        %mul3A_599 = arith.mulf %mul3A_598, %get3A_597 : vector<16xf32>
        %add3A_600 = arith.addf %add3A_520, %mul3A_599 : vector<16xf32>
        %slice3A_601 = vector.extract_strided_slice %get3A_193 {offsets = [3], sizes = [1], strides = [1]} : vector<16xf32> to vector<1xf32>
        %squeeze3A_602 = vector.extract %slice3A_601[0] : f32 from vector<1xf32>
        %add3A_603 = arith.constant 19 : i32
        %add3A_604 = arith.addi %mul3A_180, %add3A_603 : i32
        %get3A_605 = arith.index_cast %add3A_604 : i32 to index
        %get3A_606 = arith.constant 0 : index
        %get3A_607 = tpu.vector_load %arg20[%get3A_605, %get3A_606] {strides = array<i32>} : memref<1600x32xf32, #tpu.memory_space<vmem>>, vector<1x16xf32>,
        %get3A_608 = vector.shape_cast %get3A_607 : vector<1x16xf32> to vector<16xf32>
        %mul3A_609 = vector.broadcast %squeeze3A_602 : f32 to vector<16xf32>
        %mul3A_610 = arith.mulf %mul3A_609, %get3A_608 : vector<16xf32>
        %add3A_611 = arith.addf %add3A_531, %mul3A_610 : vector<16xf32>
        %add3A_612 = arith.constant 19 : i32
        %add3A_613 = arith.addi %mul3A_180, %add3A_612 : i32
        %get3A_614 = arith.index_cast %add3A_613 : i32 to index
        %get3A_615 = arith.constant 16 : index
        %get3A_616 = tpu.vector_load %arg20[%get3A_614, %get3A_615] {strides = array<i32>} : memref<1600x32xf32, #tpu.memory_space<vmem>>, vector<1x16xf32>,
        %get3A_617 = vector.shape_cast %get3A_616 : vector<1x16xf32> to vector<16xf32>
        %mul3A_618 = vector.broadcast %squeeze3A_602 : f32 to vector<16xf32>
        %mul3A_619 = arith.mulf %mul3A_618, %get3A_617 : vector<16xf32>
        %add3A_620 = arith.addf %add3A_540, %mul3A_619 : vector<16xf32>
        %slice3A_621 = vector.extract_strided_slice %get3A_193 {offsets = [4], sizes = [1], strides = [1]} : vector<16xf32> to vector<1xf32>
        %squeeze3A_622 = vector.extract %slice3A_621[0] : f32 from vector<1xf32>
        %add3A_623 = arith.constant 20 : i32
        %add3A_624 = arith.addi %mul3A_180, %add3A_623 : i32
        %get3A_625 = arith.index_cast %add3A_624 : i32 to index
        %get3A_626 = arith.constant 0 : index
        %get3A_627 = tpu.vector_load %arg20[%get3A_625, %get3A_626] {strides = array<i32>} : memref<1600x32xf32, #tpu.memory_space<vmem>>, vector<1x16xf32>,
        %get3A_628 = vector.shape_cast %get3A_627 : vector<1x16xf32> to vector<16xf32>
        %mul3A_629 = vector.broadcast %squeeze3A_622 : f32 to vector<16xf32>
        %mul3A_630 = arith.mulf %mul3A_629, %get3A_628 : vector<16xf32>
        %add3A_631 = arith.addf %add3A_551, %mul3A_630 : vector<16xf32>
        %add3A_632 = arith.constant 20 : i32
        %add3A_633 = arith.addi %mul3A_180, %add3A_632 : i32
        %get3A_634 = arith.index_cast %add3A_633 : i32 to index
        %get3A_635 = arith.constant 16 : index
        %get3A_636 = tpu.vector_load %arg20[%get3A_634, %get3A_635] {strides = array<i32>} : memref<1600x32xf32, #tpu.memory_space<vmem>>, vector<1x16xf32>,
        %get3A_637 = vector.shape_cast %get3A_636 : vector<1x16xf32> to vector<16xf32>
        %mul3A_638 = vector.broadcast %squeeze3A_622 : f32 to vector<16xf32>
        %mul3A_639 = arith.mulf %mul3A_638, %get3A_637 : vector<16xf32>
        %add3A_640 = arith.addf %add3A_560, %mul3A_639 : vector<16xf32>
        %slice3A_641 = vector.extract_strided_slice %get3A_193 {offsets = [5], sizes = [1], strides = [1]} : vector<16xf32> to vector<1xf32>
        %squeeze3A_642 = vector.extract %slice3A_641[0] : f32 from vector<1xf32>
        %add3A_643 = arith.constant 21 : i32
        %add3A_644 = arith.addi %mul3A_180, %add3A_643 : i32
        %get3A_645 = arith.index_cast %add3A_644 : i32 to index
        %get3A_646 = arith.constant 0 : index
        %get3A_647 = tpu.vector_load %arg20[%get3A_645, %get3A_646] {strides = array<i32>} : memref<1600x32xf32, #tpu.memory_space<vmem>>, vector<1x16xf32>,
        %get3A_648 = vector.shape_cast %get3A_647 : vector<1x16xf32> to vector<16xf32>
        %mul3A_649 = vector.broadcast %squeeze3A_642 : f32 to vector<16xf32>
        %mul3A_650 = arith.mulf %mul3A_649, %get3A_648 : vector<16xf32>
        %add3A_651 = arith.addf %add3A_571, %mul3A_650 : vector<16xf32>
        %add3A_652 = arith.constant 21 : i32
        %add3A_653 = arith.addi %mul3A_180, %add3A_652 : i32
        %get3A_654 = arith.index_cast %add3A_653 : i32 to index
        %get3A_655 = arith.constant 16 : index
        %get3A_656 = tpu.vector_load %arg20[%get3A_654, %get3A_655] {strides = array<i32>} : memref<1600x32xf32, #tpu.memory_space<vmem>>, vector<1x16xf32>,
        %get3A_657 = vector.shape_cast %get3A_656 : vector<1x16xf32> to vector<16xf32>
        %mul3A_658 = vector.broadcast %squeeze3A_642 : f32 to vector<16xf32>
        %mul3A_659 = arith.mulf %mul3A_658, %get3A_657 : vector<16xf32>
        %add3A_660 = arith.addf %add3A_580, %mul3A_659 : vector<16xf32>
        %slice3A_661 = vector.extract_strided_slice %get3A_193 {offsets = [6], sizes = [1], strides = [1]} : vector<16xf32> to vector<1xf32>
        %squeeze3A_662 = vector.extract %slice3A_661[0] : f32 from vector<1xf32>
        %add3A_663 = arith.constant 22 : i32
        %add3A_664 = arith.addi %mul3A_180, %add3A_663 : i32
        %get3A_665 = arith.index_cast %add3A_664 : i32 to index
        %get3A_666 = arith.constant 0 : index
        %get3A_667 = tpu.vector_load %arg20[%get3A_665, %get3A_666] {strides = array<i32>} : memref<1600x32xf32, #tpu.memory_space<vmem>>, vector<1x16xf32>,
        %get3A_668 = vector.shape_cast %get3A_667 : vector<1x16xf32> to vector<16xf32>
        %mul3A_669 = vector.broadcast %squeeze3A_662 : f32 to vector<16xf32>
        %mul3A_670 = arith.mulf %mul3A_669, %get3A_668 : vector<16xf32>
        %add3A_671 = arith.addf %add3A_591, %mul3A_670 : vector<16xf32>
        %add3A_672 = arith.constant 22 : i32
        %add3A_673 = arith.addi %mul3A_180, %add3A_672 : i32
        %get3A_674 = arith.index_cast %add3A_673 : i32 to index
        %get3A_675 = arith.constant 16 : index
        %get3A_676 = tpu.vector_load %arg20[%get3A_674, %get3A_675] {strides = array<i32>} : memref<1600x32xf32, #tpu.memory_space<vmem>>, vector<1x16xf32>,
        %get3A_677 = vector.shape_cast %get3A_676 : vector<1x16xf32> to vector<16xf32>
        %mul3A_678 = vector.broadcast %squeeze3A_662 : f32 to vector<16xf32>
        %mul3A_679 = arith.mulf %mul3A_678, %get3A_677 : vector<16xf32>
        %add3A_680 = arith.addf %add3A_600, %mul3A_679 : vector<16xf32>
        %slice3A_681 = vector.extract_strided_slice %get3A_193 {offsets = [7], sizes = [1], strides = [1]} : vector<16xf32> to vector<1xf32>
        %squeeze3A_682 = vector.extract %slice3A_681[0] : f32 from vector<1xf32>
        %add3A_683 = arith.constant 23 : i32
        %add3A_684 = arith.addi %mul3A_180, %add3A_683 : i32
        %get3A_685 = arith.index_cast %add3A_684 : i32 to index
        %get3A_686 = arith.constant 0 : index
        %get3A_687 = tpu.vector_load %arg20[%get3A_685, %get3A_686] {strides = array<i32>} : memref<1600x32xf32, #tpu.memory_space<vmem>>, vector<1x16xf32>,
        %get3A_688 = vector.shape_cast %get3A_687 : vector<1x16xf32> to vector<16xf32>
        %mul3A_689 = vector.broadcast %squeeze3A_682 : f32 to vector<16xf32>
        %mul3A_690 = arith.mulf %mul3A_689, %get3A_688 : vector<16xf32>
        %add3A_691 = arith.addf %add3A_611, %mul3A_690 : vector<16xf32>
        %add3A_692 = arith.constant 23 : i32
        %add3A_693 = arith.addi %mul3A_180, %add3A_692 : i32
        %get3A_694 = arith.index_cast %add3A_693 : i32 to index
        %get3A_695 = arith.constant 16 : index
        %get3A_696 = tpu.vector_load %arg20[%get3A_694, %get3A_695] {strides = array<i32>} : memref<1600x32xf32, #tpu.memory_space<vmem>>, vector<1x16xf32>,
        %get3A_697 = vector.shape_cast %get3A_696 : vector<1x16xf32> to vector<16xf32>
        %mul3A_698 = vector.broadcast %squeeze3A_682 : f32 to vector<16xf32>
        %mul3A_699 = arith.mulf %mul3A_698, %get3A_697 : vector<16xf32>
        %add3A_700 = arith.addf %add3A_620, %mul3A_699 : vector<16xf32>
        %slice3A_701 = vector.extract_strided_slice %get3A_193 {offsets = [8], sizes = [1], strides = [1]} : vector<16xf32> to vector<1xf32>
        %squeeze3A_702 = vector.extract %slice3A_701[0] : f32 from vector<1xf32>
        %add3A_703 = arith.constant 24 : i32
        %add3A_704 = arith.addi %mul3A_180, %add3A_703 : i32
        %get3A_705 = arith.index_cast %add3A_704 : i32 to index
        %get3A_706 = arith.constant 0 : index
        %get3A_707 = tpu.vector_load %arg20[%get3A_705, %get3A_706] {strides = array<i32>} : memref<1600x32xf32, #tpu.memory_space<vmem>>, vector<1x16xf32>,
        %get3A_708 = vector.shape_cast %get3A_707 : vector<1x16xf32> to vector<16xf32>
        %mul3A_709 = vector.broadcast %squeeze3A_702 : f32 to vector<16xf32>
        %mul3A_710 = arith.mulf %mul3A_709, %get3A_708 : vector<16xf32>
        %add3A_711 = arith.addf %add3A_631, %mul3A_710 : vector<16xf32>
        %add3A_712 = arith.constant 24 : i32
        %add3A_713 = arith.addi %mul3A_180, %add3A_712 : i32
        %get3A_714 = arith.index_cast %add3A_713 : i32 to index
        %get3A_715 = arith.constant 16 : index
        %get3A_716 = tpu.vector_load %arg20[%get3A_714, %get3A_715] {strides = array<i32>} : memref<1600x32xf32, #tpu.memory_space<vmem>>, vector<1x16xf32>,
        %get3A_717 = vector.shape_cast %get3A_716 : vector<1x16xf32> to vector<16xf32>
        %mul3A_718 = vector.broadcast %squeeze3A_702 : f32 to vector<16xf32>
        %mul3A_719 = arith.mulf %mul3A_718, %get3A_717 : vector<16xf32>
        %add3A_720 = arith.addf %add3A_640, %mul3A_719 : vector<16xf32>
        %slice3A_721 = vector.extract_strided_slice %get3A_193 {offsets = [9], sizes = [1], strides = [1]} : vector<16xf32> to vector<1xf32>
        %squeeze3A_722 = vector.extract %slice3A_721[0] : f32 from vector<1xf32>
        %add3A_723 = arith.constant 25 : i32
        %add3A_724 = arith.addi %mul3A_180, %add3A_723 : i32
        %get3A_725 = arith.index_cast %add3A_724 : i32 to index
        %get3A_726 = arith.constant 0 : index
        %get3A_727 = tpu.vector_load %arg20[%get3A_725, %get3A_726] {strides = array<i32>} : memref<1600x32xf32, #tpu.memory_space<vmem>>, vector<1x16xf32>,
        %get3A_728 = vector.shape_cast %get3A_727 : vector<1x16xf32> to vector<16xf32>
        %mul3A_729 = vector.broadcast %squeeze3A_722 : f32 to vector<16xf32>
        %mul3A_730 = arith.mulf %mul3A_729, %get3A_728 : vector<16xf32>
        %add3A_731 = arith.addf %add3A_651, %mul3A_730 : vector<16xf32>
        %add3A_732 = arith.constant 25 : i32
        %add3A_733 = arith.addi %mul3A_180, %add3A_732 : i32
        %get3A_734 = arith.index_cast %add3A_733 : i32 to index
        %get3A_735 = arith.constant 16 : index
        %get3A_736 = tpu.vector_load %arg20[%get3A_734, %get3A_735] {strides = array<i32>} : memref<1600x32xf32, #tpu.memory_space<vmem>>, vector<1x16xf32>,
        %get3A_737 = vector.shape_cast %get3A_736 : vector<1x16xf32> to vector<16xf32>
        %mul3A_738 = vector.broadcast %squeeze3A_722 : f32 to vector<16xf32>
        %mul3A_739 = arith.mulf %mul3A_738, %get3A_737 : vector<16xf32>
        %add3A_740 = arith.addf %add3A_660, %mul3A_739 : vector<16xf32>
        %slice3A_741 = vector.extract_strided_slice %get3A_193 {offsets = [10], sizes = [1], strides = [1]} : vector<16xf32> to vector<1xf32>
        %squeeze3A_742 = vector.extract %slice3A_741[0] : f32 from vector<1xf32>
        %add3A_743 = arith.constant 26 : i32
        %add3A_744 = arith.addi %mul3A_180, %add3A_743 : i32
        %get3A_745 = arith.index_cast %add3A_744 : i32 to index
        %get3A_746 = arith.constant 0 : index
        %get3A_747 = tpu.vector_load %arg20[%get3A_745, %get3A_746] {strides = array<i32>} : memref<1600x32xf32, #tpu.memory_space<vmem>>, vector<1x16xf32>,
        %get3A_748 = vector.shape_cast %get3A_747 : vector<1x16xf32> to vector<16xf32>
        %mul3A_749 = vector.broadcast %squeeze3A_742 : f32 to vector<16xf32>
        %mul3A_750 = arith.mulf %mul3A_749, %get3A_748 : vector<16xf32>
        %add3A_751 = arith.addf %add3A_671, %mul3A_750 : vector<16xf32>
        %add3A_752 = arith.constant 26 : i32
        %add3A_753 = arith.addi %mul3A_180, %add3A_752 : i32
        %get3A_754 = arith.index_cast %add3A_753 : i32 to index
        %get3A_755 = arith.constant 16 : index
        %get3A_756 = tpu.vector_load %arg20[%get3A_754, %get3A_755] {strides = array<i32>} : memref<1600x32xf32, #tpu.memory_space<vmem>>, vector<1x16xf32>,
        %get3A_757 = vector.shape_cast %get3A_756 : vector<1x16xf32> to vector<16xf32>
        %mul3A_758 = vector.broadcast %squeeze3A_742 : f32 to vector<16xf32>
        %mul3A_759 = arith.mulf %mul3A_758, %get3A_757 : vector<16xf32>
        %add3A_760 = arith.addf %add3A_680, %mul3A_759 : vector<16xf32>
        %slice3A_761 = vector.extract_strided_slice %get3A_193 {offsets = [11], sizes = [1], strides = [1]} : vector<16xf32> to vector<1xf32>
        %squeeze3A_762 = vector.extract %slice3A_761[0] : f32 from vector<1xf32>
        %add3A_763 = arith.constant 27 : i32
        %add3A_764 = arith.addi %mul3A_180, %add3A_763 : i32
        %get3A_765 = arith.index_cast %add3A_764 : i32 to index
        %get3A_766 = arith.constant 0 : index
        %get3A_767 = tpu.vector_load %arg20[%get3A_765, %get3A_766] {strides = array<i32>} : memref<1600x32xf32, #tpu.memory_space<vmem>>, vector<1x16xf32>,
        %get3A_768 = vector.shape_cast %get3A_767 : vector<1x16xf32> to vector<16xf32>
        %mul3A_769 = vector.broadcast %squeeze3A_762 : f32 to vector<16xf32>
        %mul3A_770 = arith.mulf %mul3A_769, %get3A_768 : vector<16xf32>
        %add3A_771 = arith.addf %add3A_691, %mul3A_770 : vector<16xf32>
        %add3A_772 = arith.constant 27 : i32
        %add3A_773 = arith.addi %mul3A_180, %add3A_772 : i32
        %get3A_774 = arith.index_cast %add3A_773 : i32 to index
        %get3A_775 = arith.constant 16 : index
        %get3A_776 = tpu.vector_load %arg20[%get3A_774, %get3A_775] {strides = array<i32>} : memref<1600x32xf32, #tpu.memory_space<vmem>>, vector<1x16xf32>,
        %get3A_777 = vector.shape_cast %get3A_776 : vector<1x16xf32> to vector<16xf32>
        %mul3A_778 = vector.broadcast %squeeze3A_762 : f32 to vector<16xf32>
        %mul3A_779 = arith.mulf %mul3A_778, %get3A_777 : vector<16xf32>
        %add3A_780 = arith.addf %add3A_700, %mul3A_779 : vector<16xf32>
        %slice3A_781 = vector.extract_strided_slice %get3A_193 {offsets = [12], sizes = [1], strides = [1]} : vector<16xf32> to vector<1xf32>
        %squeeze3A_782 = vector.extract %slice3A_781[0] : f32 from vector<1xf32>
        %add3A_783 = arith.constant 28 : i32
        %add3A_784 = arith.addi %mul3A_180, %add3A_783 : i32
        %get3A_785 = arith.index_cast %add3A_784 : i32 to index
        %get3A_786 = arith.constant 0 : index
        %get3A_787 = tpu.vector_load %arg20[%get3A_785, %get3A_786] {strides = array<i32>} : memref<1600x32xf32, #tpu.memory_space<vmem>>, vector<1x16xf32>,
        %get3A_788 = vector.shape_cast %get3A_787 : vector<1x16xf32> to vector<16xf32>
        %mul3A_789 = vector.broadcast %squeeze3A_782 : f32 to vector<16xf32>
        %mul3A_790 = arith.mulf %mul3A_789, %get3A_788 : vector<16xf32>
        %add3A_791 = arith.addf %add3A_711, %mul3A_790 : vector<16xf32>
        %add3A_792 = arith.constant 28 : i32
        %add3A_793 = arith.addi %mul3A_180, %add3A_792 : i32
        %get3A_794 = arith.index_cast %add3A_793 : i32 to index
        %get3A_795 = arith.constant 16 : index
        %get3A_796 = tpu.vector_load %arg20[%get3A_794, %get3A_795] {strides = array<i32>} : memref<1600x32xf32, #tpu.memory_space<vmem>>, vector<1x16xf32>,
        %get3A_797 = vector.shape_cast %get3A_796 : vector<1x16xf32> to vector<16xf32>
        %mul3A_798 = vector.broadcast %squeeze3A_782 : f32 to vector<16xf32>
        %mul3A_799 = arith.mulf %mul3A_798, %get3A_797 : vector<16xf32>
        %add3A_800 = arith.addf %add3A_720, %mul3A_799 : vector<16xf32>
        %slice3A_801 = vector.extract_strided_slice %get3A_193 {offsets = [13], sizes = [1], strides = [1]} : vector<16xf32> to vector<1xf32>
        %squeeze3A_802 = vector.extract %slice3A_801[0] : f32 from vector<1xf32>
        %add3A_803 = arith.constant 29 : i32
        %add3A_804 = arith.addi %mul3A_180, %add3A_803 : i32
        %get3A_805 = arith.index_cast %add3A_804 : i32 to index
        %get3A_806 = arith.constant 0 : index
        %get3A_807 = tpu.vector_load %arg20[%get3A_805, %get3A_806] {strides = array<i32>} : memref<1600x32xf32, #tpu.memory_space<vmem>>, vector<1x16xf32>,
        %get3A_808 = vector.shape_cast %get3A_807 : vector<1x16xf32> to vector<16xf32>
        %mul3A_809 = vector.broadcast %squeeze3A_802 : f32 to vector<16xf32>
        %mul3A_810 = arith.mulf %mul3A_809, %get3A_808 : vector<16xf32>
        %add3A_811 = arith.addf %add3A_731, %mul3A_810 : vector<16xf32>
        %add3A_812 = arith.constant 29 : i32
        %add3A_813 = arith.addi %mul3A_180, %add3A_812 : i32
        %get3A_814 = arith.index_cast %add3A_813 : i32 to index
        %get3A_815 = arith.constant 16 : index
        %get3A_816 = tpu.vector_load %arg20[%get3A_814, %get3A_815] {strides = array<i32>} : memref<1600x32xf32, #tpu.memory_space<vmem>>, vector<1x16xf32>,
        %get3A_817 = vector.shape_cast %get3A_816 : vector<1x16xf32> to vector<16xf32>
        %mul3A_818 = vector.broadcast %squeeze3A_802 : f32 to vector<16xf32>
        %mul3A_819 = arith.mulf %mul3A_818, %get3A_817 : vector<16xf32>
        %add3A_820 = arith.addf %add3A_740, %mul3A_819 : vector<16xf32>
        %slice3A_821 = vector.extract_strided_slice %get3A_193 {offsets = [14], sizes = [1], strides = [1]} : vector<16xf32> to vector<1xf32>
        %squeeze3A_822 = vector.extract %slice3A_821[0] : f32 from vector<1xf32>
        %add3A_823 = arith.constant 30 : i32
        %add3A_824 = arith.addi %mul3A_180, %add3A_823 : i32
        %get3A_825 = arith.index_cast %add3A_824 : i32 to index
        %get3A_826 = arith.constant 0 : index
        %get3A_827 = tpu.vector_load %arg20[%get3A_825, %get3A_826] {strides = array<i32>} : memref<1600x32xf32, #tpu.memory_space<vmem>>, vector<1x16xf32>,
        %get3A_828 = vector.shape_cast %get3A_827 : vector<1x16xf32> to vector<16xf32>
        %mul3A_829 = vector.broadcast %squeeze3A_822 : f32 to vector<16xf32>
        %mul3A_830 = arith.mulf %mul3A_829, %get3A_828 : vector<16xf32>
        %add3A_831 = arith.addf %add3A_751, %mul3A_830 : vector<16xf32>
        %add3A_832 = arith.constant 30 : i32
        %add3A_833 = arith.addi %mul3A_180, %add3A_832 : i32
        %get3A_834 = arith.index_cast %add3A_833 : i32 to index
        %get3A_835 = arith.constant 16 : index
        %get3A_836 = tpu.vector_load %arg20[%get3A_834, %get3A_835] {strides = array<i32>} : memref<1600x32xf32, #tpu.memory_space<vmem>>, vector<1x16xf32>,
        %get3A_837 = vector.shape_cast %get3A_836 : vector<1x16xf32> to vector<16xf32>
        %mul3A_838 = vector.broadcast %squeeze3A_822 : f32 to vector<16xf32>
        %mul3A_839 = arith.mulf %mul3A_838, %get3A_837 : vector<16xf32>
        %add3A_840 = arith.addf %add3A_760, %mul3A_839 : vector<16xf32>
        %slice3A_841 = vector.extract_strided_slice %get3A_193 {offsets = [15], sizes = [1], strides = [1]} : vector<16xf32> to vector<1xf32>
        %squeeze3A_842 = vector.extract %slice3A_841[0] : f32 from vector<1xf32>
        %add3A_843 = arith.constant 31 : i32
        %add3A_844 = arith.addi %mul3A_180, %add3A_843 : i32
        %get3A_845 = arith.index_cast %add3A_844 : i32 to index
        %get3A_846 = arith.constant 0 : index
        %get3A_847 = tpu.vector_load %arg20[%get3A_845, %get3A_846] {strides = array<i32>} : memref<1600x32xf32, #tpu.memory_space<vmem>>, vector<1x16xf32>,
        %get3A_848 = vector.shape_cast %get3A_847 : vector<1x16xf32> to vector<16xf32>
        %mul3A_849 = vector.broadcast %squeeze3A_842 : f32 to vector<16xf32>
        %mul3A_850 = arith.mulf %mul3A_849, %get3A_848 : vector<16xf32>
        %add3A_851 = arith.addf %add3A_771, %mul3A_850 : vector<16xf32>
        %add3A_852 = arith.constant 31 : i32
        %add3A_853 = arith.addi %mul3A_180, %add3A_852 : i32
        %get3A_854 = arith.index_cast %add3A_853 : i32 to index
        %get3A_855 = arith.constant 16 : index
        %get3A_856 = tpu.vector_load %arg20[%get3A_854, %get3A_855] {strides = array<i32>} : memref<1600x32xf32, #tpu.memory_space<vmem>>, vector<1x16xf32>,
        %get3A_857 = vector.shape_cast %get3A_856 : vector<1x16xf32> to vector<16xf32>
        %mul3A_858 = vector.broadcast %squeeze3A_842 : f32 to vector<16xf32>
        %mul3A_859 = arith.mulf %mul3A_858, %get3A_857 : vector<16xf32>
        %add3A_860 = arith.addf %add3A_780, %mul3A_859 : vector<16xf32>
        %slice3A_861 = vector.extract_strided_slice %get3A_200 {offsets = [0], sizes = [1], strides = [1]} : vector<16xf32> to vector<1xf32>
        %squeeze3A_862 = vector.extract %slice3A_861[0] : f32 from vector<1xf32>
        %add3A_863 = arith.constant 32 : i32
        %add3A_864 = arith.addi %mul3A_180, %add3A_863 : i32
        %get3A_865 = arith.index_cast %add3A_864 : i32 to index
        %get3A_866 = arith.constant 0 : index
        %get3A_867 = tpu.vector_load %arg20[%get3A_865, %get3A_866] {strides = array<i32>} : memref<1600x32xf32, #tpu.memory_space<vmem>>, vector<1x16xf32>,
        %get3A_868 = vector.shape_cast %get3A_867 : vector<1x16xf32> to vector<16xf32>
        %mul3A_869 = vector.broadcast %squeeze3A_862 : f32 to vector<16xf32>
        %mul3A_870 = arith.mulf %mul3A_869, %get3A_868 : vector<16xf32>
        %add3A_871 = arith.addf %add3A_791, %mul3A_870 : vector<16xf32>
        %add3A_872 = arith.constant 32 : i32
        %add3A_873 = arith.addi %mul3A_180, %add3A_872 : i32
        %get3A_874 = arith.index_cast %add3A_873 : i32 to index
        %get3A_875 = arith.constant 16 : index
        %get3A_876 = tpu.vector_load %arg20[%get3A_874, %get3A_875] {strides = array<i32>} : memref<1600x32xf32, #tpu.memory_space<vmem>>, vector<1x16xf32>,
        %get3A_877 = vector.shape_cast %get3A_876 : vector<1x16xf32> to vector<16xf32>
        %mul3A_878 = vector.broadcast %squeeze3A_862 : f32 to vector<16xf32>
        %mul3A_879 = arith.mulf %mul3A_878, %get3A_877 : vector<16xf32>
        %add3A_880 = arith.addf %add3A_800, %mul3A_879 : vector<16xf32>
        %slice3A_881 = vector.extract_strided_slice %get3A_200 {offsets = [1], sizes = [1], strides = [1]} : vector<16xf32> to vector<1xf32>
        %squeeze3A_882 = vector.extract %slice3A_881[0] : f32 from vector<1xf32>
        %add3A_883 = arith.constant 33 : i32
        %add3A_884 = arith.addi %mul3A_180, %add3A_883 : i32
        %get3A_885 = arith.index_cast %add3A_884 : i32 to index
        %get3A_886 = arith.constant 0 : index
        %get3A_887 = tpu.vector_load %arg20[%get3A_885, %get3A_886] {strides = array<i32>} : memref<1600x32xf32, #tpu.memory_space<vmem>>, vector<1x16xf32>,
        %get3A_888 = vector.shape_cast %get3A_887 : vector<1x16xf32> to vector<16xf32>
        %mul3A_889 = vector.broadcast %squeeze3A_882 : f32 to vector<16xf32>
        %mul3A_890 = arith.mulf %mul3A_889, %get3A_888 : vector<16xf32>
        %add3A_891 = arith.addf %add3A_811, %mul3A_890 : vector<16xf32>
        %add3A_892 = arith.constant 33 : i32
        %add3A_893 = arith.addi %mul3A_180, %add3A_892 : i32
        %get3A_894 = arith.index_cast %add3A_893 : i32 to index
        %get3A_895 = arith.constant 16 : index
        %get3A_896 = tpu.vector_load %arg20[%get3A_894, %get3A_895] {strides = array<i32>} : memref<1600x32xf32, #tpu.memory_space<vmem>>, vector<1x16xf32>,
        %get3A_897 = vector.shape_cast %get3A_896 : vector<1x16xf32> to vector<16xf32>
        %mul3A_898 = vector.broadcast %squeeze3A_882 : f32 to vector<16xf32>
        %mul3A_899 = arith.mulf %mul3A_898, %get3A_897 : vector<16xf32>
        %add3A_900 = arith.addf %add3A_820, %mul3A_899 : vector<16xf32>
        %slice3A_901 = vector.extract_strided_slice %get3A_200 {offsets = [2], sizes = [1], strides = [1]} : vector<16xf32> to vector<1xf32>
        %squeeze3A_902 = vector.extract %slice3A_901[0] : f32 from vector<1xf32>
        %add3A_903 = arith.constant 34 : i32
        %add3A_904 = arith.addi %mul3A_180, %add3A_903 : i32
        %get3A_905 = arith.index_cast %add3A_904 : i32 to index
        %get3A_906 = arith.constant 0 : index
        %get3A_907 = tpu.vector_load %arg20[%get3A_905, %get3A_906] {strides = array<i32>} : memref<1600x32xf32, #tpu.memory_space<vmem>>, vector<1x16xf32>,
        %get3A_908 = vector.shape_cast %get3A_907 : vector<1x16xf32> to vector<16xf32>
        %mul3A_909 = vector.broadcast %squeeze3A_902 : f32 to vector<16xf32>
        %mul3A_910 = arith.mulf %mul3A_909, %get3A_908 : vector<16xf32>
        %add3A_911 = arith.addf %add3A_831, %mul3A_910 : vector<16xf32>
        %add3A_912 = arith.constant 34 : i32
        %add3A_913 = arith.addi %mul3A_180, %add3A_912 : i32
        %get3A_914 = arith.index_cast %add3A_913 : i32 to index
        %get3A_915 = arith.constant 16 : index
        %get3A_916 = tpu.vector_load %arg20[%get3A_914, %get3A_915] {strides = array<i32>} : memref<1600x32xf32, #tpu.memory_space<vmem>>, vector<1x16xf32>,
        %get3A_917 = vector.shape_cast %get3A_916 : vector<1x16xf32> to vector<16xf32>
        %mul3A_918 = vector.broadcast %squeeze3A_902 : f32 to vector<16xf32>
        %mul3A_919 = arith.mulf %mul3A_918, %get3A_917 : vector<16xf32>
        %add3A_920 = arith.addf %add3A_840, %mul3A_919 : vector<16xf32>
        %slice3A_921 = vector.extract_strided_slice %get3A_200 {offsets = [3], sizes = [1], strides = [1]} : vector<16xf32> to vector<1xf32>
        %squeeze3A_922 = vector.extract %slice3A_921[0] : f32 from vector<1xf32>
        %add3A_923 = arith.constant 35 : i32
        %add3A_924 = arith.addi %mul3A_180, %add3A_923 : i32
        %get3A_925 = arith.index_cast %add3A_924 : i32 to index
        %get3A_926 = arith.constant 0 : index
        %get3A_927 = tpu.vector_load %arg20[%get3A_925, %get3A_926] {strides = array<i32>} : memref<1600x32xf32, #tpu.memory_space<vmem>>, vector<1x16xf32>,
        %get3A_928 = vector.shape_cast %get3A_927 : vector<1x16xf32> to vector<16xf32>
        %mul3A_929 = vector.broadcast %squeeze3A_922 : f32 to vector<16xf32>
        %mul3A_930 = arith.mulf %mul3A_929, %get3A_928 : vector<16xf32>
        %add3A_931 = arith.addf %add3A_851, %mul3A_930 : vector<16xf32>
        %add3A_932 = arith.constant 35 : i32
        %add3A_933 = arith.addi %mul3A_180, %add3A_932 : i32
        %get3A_934 = arith.index_cast %add3A_933 : i32 to index
        %get3A_935 = arith.constant 16 : index
        %get3A_936 = tpu.vector_load %arg20[%get3A_934, %get3A_935] {strides = array<i32>} : memref<1600x32xf32, #tpu.memory_space<vmem>>, vector<1x16xf32>,
        %get3A_937 = vector.shape_cast %get3A_936 : vector<1x16xf32> to vector<16xf32>
        %mul3A_938 = vector.broadcast %squeeze3A_922 : f32 to vector<16xf32>
        %mul3A_939 = arith.mulf %mul3A_938, %get3A_937 : vector<16xf32>
        %add3A_940 = arith.addf %add3A_860, %mul3A_939 : vector<16xf32>
        %slice3A_941 = vector.extract_strided_slice %get3A_200 {offsets = [4], sizes = [1], strides = [1]} : vector<16xf32> to vector<1xf32>
        %squeeze3A_942 = vector.extract %slice3A_941[0] : f32 from vector<1xf32>
        %add3A_943 = arith.constant 36 : i32
        %add3A_944 = arith.addi %mul3A_180, %add3A_943 : i32
        %get3A_945 = arith.index_cast %add3A_944 : i32 to index
        %get3A_946 = arith.constant 0 : index
        %get3A_947 = tpu.vector_load %arg20[%get3A_945, %get3A_946] {strides = array<i32>} : memref<1600x32xf32, #tpu.memory_space<vmem>>, vector<1x16xf32>,
        %get3A_948 = vector.shape_cast %get3A_947 : vector<1x16xf32> to vector<16xf32>
        %mul3A_949 = vector.broadcast %squeeze3A_942 : f32 to vector<16xf32>
        %mul3A_950 = arith.mulf %mul3A_949, %get3A_948 : vector<16xf32>
        %add3A_951 = arith.addf %add3A_871, %mul3A_950 : vector<16xf32>
        %add3A_952 = arith.constant 36 : i32
        %add3A_953 = arith.addi %mul3A_180, %add3A_952 : i32
        %get3A_954 = arith.index_cast %add3A_953 : i32 to index
        %get3A_955 = arith.constant 16 : index
        %get3A_956 = tpu.vector_load %arg20[%get3A_954, %get3A_955] {strides = array<i32>} : memref<1600x32xf32, #tpu.memory_space<vmem>>, vector<1x16xf32>,
        %get3A_957 = vector.shape_cast %get3A_956 : vector<1x16xf32> to vector<16xf32>
        %mul3A_958 = vector.broadcast %squeeze3A_942 : f32 to vector<16xf32>
        %mul3A_959 = arith.mulf %mul3A_958, %get3A_957 : vector<16xf32>
        %add3A_960 = arith.addf %add3A_880, %mul3A_959 : vector<16xf32>
        %slice3A_961 = vector.extract_strided_slice %get3A_200 {offsets = [5], sizes = [1], strides = [1]} : vector<16xf32> to vector<1xf32>
        %squeeze3A_962 = vector.extract %slice3A_961[0] : f32 from vector<1xf32>
        %add3A_963 = arith.constant 37 : i32
        %add3A_964 = arith.addi %mul3A_180, %add3A_963 : i32
        %get3A_965 = arith.index_cast %add3A_964 : i32 to index
        %get3A_966 = arith.constant 0 : index
        %get3A_967 = tpu.vector_load %arg20[%get3A_965, %get3A_966] {strides = array<i32>} : memref<1600x32xf32, #tpu.memory_space<vmem>>, vector<1x16xf32>,
        %get3A_968 = vector.shape_cast %get3A_967 : vector<1x16xf32> to vector<16xf32>
        %mul3A_969 = vector.broadcast %squeeze3A_962 : f32 to vector<16xf32>
        %mul3A_970 = arith.mulf %mul3A_969, %get3A_968 : vector<16xf32>
        %add3A_971 = arith.addf %add3A_891, %mul3A_970 : vector<16xf32>
        %add3A_972 = arith.constant 37 : i32
        %add3A_973 = arith.addi %mul3A_180, %add3A_972 : i32
        %get3A_974 = arith.index_cast %add3A_973 : i32 to index
        %get3A_975 = arith.constant 16 : index
        %get3A_976 = tpu.vector_load %arg20[%get3A_974, %get3A_975] {strides = array<i32>} : memref<1600x32xf32, #tpu.memory_space<vmem>>, vector<1x16xf32>,
        %get3A_977 = vector.shape_cast %get3A_976 : vector<1x16xf32> to vector<16xf32>
        %mul3A_978 = vector.broadcast %squeeze3A_962 : f32 to vector<16xf32>
        %mul3A_979 = arith.mulf %mul3A_978, %get3A_977 : vector<16xf32>
        %add3A_980 = arith.addf %add3A_900, %mul3A_979 : vector<16xf32>
        %slice3A_981 = vector.extract_strided_slice %get3A_200 {offsets = [6], sizes = [1], strides = [1]} : vector<16xf32> to vector<1xf32>
        %squeeze3A_982 = vector.extract %slice3A_981[0] : f32 from vector<1xf32>
        %add3A_983 = arith.constant 38 : i32
        %add3A_984 = arith.addi %mul3A_180, %add3A_983 : i32
        %get3A_985 = arith.index_cast %add3A_984 : i32 to index
        %get3A_986 = arith.constant 0 : index
        %get3A_987 = tpu.vector_load %arg20[%get3A_985, %get3A_986] {strides = array<i32>} : memref<1600x32xf32, #tpu.memory_space<vmem>>, vector<1x16xf32>,
        %get3A_988 = vector.shape_cast %get3A_987 : vector<1x16xf32> to vector<16xf32>
        %mul3A_989 = vector.broadcast %squeeze3A_982 : f32 to vector<16xf32>
        %mul3A_990 = arith.mulf %mul3A_989, %get3A_988 : vector<16xf32>
        %add3A_991 = arith.addf %add3A_911, %mul3A_990 : vector<16xf32>
        %add3A_992 = arith.constant 38 : i32
        %add3A_993 = arith.addi %mul3A_180, %add3A_992 : i32
        %get3A_994 = arith.index_cast %add3A_993 : i32 to index
        %get3A_995 = arith.constant 16 : index
        %get3A_996 = tpu.vector_load %arg20[%get3A_994, %get3A_995] {strides = array<i32>} : memref<1600x32xf32, #tpu.memory_space<vmem>>, vector<1x16xf32>,
        %get3A_997 = vector.shape_cast %get3A_996 : vector<1x16xf32> to vector<16xf32>
        %mul3A_998 = vector.broadcast %squeeze3A_982 : f32 to vector<16xf32>
        %mul3A_999 = arith.mulf %mul3A_998, %get3A_997 : vector<16xf32>
        %add3A_1000 = arith.addf %add3A_920, %mul3A_999 : vector<16xf32>
        %slice3A_1001 = vector.extract_strided_slice %get3A_200 {offsets = [7], sizes = [1], strides = [1]} : vector<16xf32> to vector<1xf32>
        %squeeze3A_1002 = vector.extract %slice3A_1001[0] : f32 from vector<1xf32>
        %add3A_1003 = arith.constant 39 : i32
        %add3A_1004 = arith.addi %mul3A_180, %add3A_1003 : i32
        %get3A_1005 = arith.index_cast %add3A_1004 : i32 to index
        %get3A_1006 = arith.constant 0 : index
        %get3A_1007 = tpu.vector_load %arg20[%get3A_1005, %get3A_1006] {strides = array<i32>} : memref<1600x32xf32, #tpu.memory_space<vmem>>, vector<1x16xf32>,
        %get3A_1008 = vector.shape_cast %get3A_1007 : vector<1x16xf32> to vector<16xf32>
        %mul3A_1009 = vector.broadcast %squeeze3A_1002 : f32 to vector<16xf32>
        %mul3A_1010 = arith.mulf %mul3A_1009, %get3A_1008 : vector<16xf32>
        %add3A_1011 = arith.addf %add3A_931, %mul3A_1010 : vector<16xf32>
        %add3A_1012 = arith.constant 39 : i32
        %add3A_1013 = arith.addi %mul3A_180, %add3A_1012 : i32
        %get3A_1014 = arith.index_cast %add3A_1013 : i32 to index
        %get3A_1015 = arith.constant 16 : index
        %get3A_1016 = tpu.vector_load %arg20[%get3A_1014, %get3A_1015] {strides = array<i32>} : memref<1600x32xf32, #tpu.memory_space<vmem>>, vector<1x16xf32>,
        %get3A_1017 = vector.shape_cast %get3A_1016 : vector<1x16xf32> to vector<16xf32>
        %mul3A_1018 = vector.broadcast %squeeze3A_1002 : f32 to vector<16xf32>
        %mul3A_1019 = arith.mulf %mul3A_1018, %get3A_1017 : vector<16xf32>
        %add3A_1020 = arith.addf %add3A_940, %mul3A_1019 : vector<16xf32>
        %slice3A_1021 = vector.extract_strided_slice %get3A_200 {offsets = [8], sizes = [1], strides = [1]} : vector<16xf32> to vector<1xf32>
        %squeeze3A_1022 = vector.extract %slice3A_1021[0] : f32 from vector<1xf32>
        %add3A_1023 = arith.constant 40 : i32
        %add3A_1024 = arith.addi %mul3A_180, %add3A_1023 : i32
        %get3A_1025 = arith.index_cast %add3A_1024 : i32 to index
        %get3A_1026 = arith.constant 0 : index
        %get3A_1027 = tpu.vector_load %arg20[%get3A_1025, %get3A_1026] {strides = array<i32>} : memref<1600x32xf32, #tpu.memory_space<vmem>>, vector<1x16xf32>,
        %get3A_1028 = vector.shape_cast %get3A_1027 : vector<1x16xf32> to vector<16xf32>
        %mul3A_1029 = vector.broadcast %squeeze3A_1022 : f32 to vector<16xf32>
        %mul3A_1030 = arith.mulf %mul3A_1029, %get3A_1028 : vector<16xf32>
        %add3A_1031 = arith.addf %add3A_951, %mul3A_1030 : vector<16xf32>
        %add3A_1032 = arith.constant 40 : i32
        %add3A_1033 = arith.addi %mul3A_180, %add3A_1032 : i32
        %get3A_1034 = arith.index_cast %add3A_1033 : i32 to index
        %get3A_1035 = arith.constant 16 : index
        %get3A_1036 = tpu.vector_load %arg20[%get3A_1034, %get3A_1035] {strides = array<i32>} : memref<1600x32xf32, #tpu.memory_space<vmem>>, vector<1x16xf32>,
        %get3A_1037 = vector.shape_cast %get3A_1036 : vector<1x16xf32> to vector<16xf32>
        %mul3A_1038 = vector.broadcast %squeeze3A_1022 : f32 to vector<16xf32>
        %mul3A_1039 = arith.mulf %mul3A_1038, %get3A_1037 : vector<16xf32>
        %add3A_1040 = arith.addf %add3A_960, %mul3A_1039 : vector<16xf32>
        %slice3A_1041 = vector.extract_strided_slice %get3A_200 {offsets = [9], sizes = [1], strides = [1]} : vector<16xf32> to vector<1xf32>
        %squeeze3A_1042 = vector.extract %slice3A_1041[0] : f32 from vector<1xf32>
        %add3A_1043 = arith.constant 41 : i32
        %add3A_1044 = arith.addi %mul3A_180, %add3A_1043 : i32
        %get3A_1045 = arith.index_cast %add3A_1044 : i32 to index
        %get3A_1046 = arith.constant 0 : index
        %get3A_1047 = tpu.vector_load %arg20[%get3A_1045, %get3A_1046] {strides = array<i32>} : memref<1600x32xf32, #tpu.memory_space<vmem>>, vector<1x16xf32>,
        %get3A_1048 = vector.shape_cast %get3A_1047 : vector<1x16xf32> to vector<16xf32>
        %mul3A_1049 = vector.broadcast %squeeze3A_1042 : f32 to vector<16xf32>
        %mul3A_1050 = arith.mulf %mul3A_1049, %get3A_1048 : vector<16xf32>
        %add3A_1051 = arith.addf %add3A_971, %mul3A_1050 : vector<16xf32>
        %add3A_1052 = arith.constant 41 : i32
        %add3A_1053 = arith.addi %mul3A_180, %add3A_1052 : i32
        %get3A_1054 = arith.index_cast %add3A_1053 : i32 to index
        %get3A_1055 = arith.constant 16 : index
        %get3A_1056 = tpu.vector_load %arg20[%get3A_1054, %get3A_1055] {strides = array<i32>} : memref<1600x32xf32, #tpu.memory_space<vmem>>, vector<1x16xf32>,
        %get3A_1057 = vector.shape_cast %get3A_1056 : vector<1x16xf32> to vector<16xf32>
        %mul3A_1058 = vector.broadcast %squeeze3A_1042 : f32 to vector<16xf32>
        %mul3A_1059 = arith.mulf %mul3A_1058, %get3A_1057 : vector<16xf32>
        %add3A_1060 = arith.addf %add3A_980, %mul3A_1059 : vector<16xf32>
        %slice3A_1061 = vector.extract_strided_slice %get3A_200 {offsets = [10], sizes = [1], strides = [1]} : vector<16xf32> to vector<1xf32>
        %squeeze3A_1062 = vector.extract %slice3A_1061[0] : f32 from vector<1xf32>
        %add3A_1063 = arith.constant 42 : i32
        %add3A_1064 = arith.addi %mul3A_180, %add3A_1063 : i32
        %get3A_1065 = arith.index_cast %add3A_1064 : i32 to index
        %get3A_1066 = arith.constant 0 : index
        %get3A_1067 = tpu.vector_load %arg20[%get3A_1065, %get3A_1066] {strides = array<i32>} : memref<1600x32xf32, #tpu.memory_space<vmem>>, vector<1x16xf32>,
        %get3A_1068 = vector.shape_cast %get3A_1067 : vector<1x16xf32> to vector<16xf32>
        %mul3A_1069 = vector.broadcast %squeeze3A_1062 : f32 to vector<16xf32>
        %mul3A_1070 = arith.mulf %mul3A_1069, %get3A_1068 : vector<16xf32>
        %add3A_1071 = arith.addf %add3A_991, %mul3A_1070 : vector<16xf32>
        %add3A_1072 = arith.constant 42 : i32
        %add3A_1073 = arith.addi %mul3A_180, %add3A_1072 : i32
        %get3A_1074 = arith.index_cast %add3A_1073 : i32 to index
        %get3A_1075 = arith.constant 16 : index
        %get3A_1076 = tpu.vector_load %arg20[%get3A_1074, %get3A_1075] {strides = array<i32>} : memref<1600x32xf32, #tpu.memory_space<vmem>>, vector<1x16xf32>,
        %get3A_1077 = vector.shape_cast %get3A_1076 : vector<1x16xf32> to vector<16xf32>
        %mul3A_1078 = vector.broadcast %squeeze3A_1062 : f32 to vector<16xf32>
        %mul3A_1079 = arith.mulf %mul3A_1078, %get3A_1077 : vector<16xf32>
        %add3A_1080 = arith.addf %add3A_1000, %mul3A_1079 : vector<16xf32>
        %slice3A_1081 = vector.extract_strided_slice %get3A_200 {offsets = [11], sizes = [1], strides = [1]} : vector<16xf32> to vector<1xf32>
        %squeeze3A_1082 = vector.extract %slice3A_1081[0] : f32 from vector<1xf32>
        %add3A_1083 = arith.constant 43 : i32
        %add3A_1084 = arith.addi %mul3A_180, %add3A_1083 : i32
        %get3A_1085 = arith.index_cast %add3A_1084 : i32 to index
        %get3A_1086 = arith.constant 0 : index
        %get3A_1087 = tpu.vector_load %arg20[%get3A_1085, %get3A_1086] {strides = array<i32>} : memref<1600x32xf32, #tpu.memory_space<vmem>>, vector<1x16xf32>,
        %get3A_1088 = vector.shape_cast %get3A_1087 : vector<1x16xf32> to vector<16xf32>
        %mul3A_1089 = vector.broadcast %squeeze3A_1082 : f32 to vector<16xf32>
        %mul3A_1090 = arith.mulf %mul3A_1089, %get3A_1088 : vector<16xf32>
        %add3A_1091 = arith.addf %add3A_1011, %mul3A_1090 : vector<16xf32>
        %add3A_1092 = arith.constant 43 : i32
        %add3A_1093 = arith.addi %mul3A_180, %add3A_1092 : i32
        %get3A_1094 = arith.index_cast %add3A_1093 : i32 to index
        %get3A_1095 = arith.constant 16 : index
        %get3A_1096 = tpu.vector_load %arg20[%get3A_1094, %get3A_1095] {strides = array<i32>} : memref<1600x32xf32, #tpu.memory_space<vmem>>, vector<1x16xf32>,
        %get3A_1097 = vector.shape_cast %get3A_1096 : vector<1x16xf32> to vector<16xf32>
        %mul3A_1098 = vector.broadcast %squeeze3A_1082 : f32 to vector<16xf32>
        %mul3A_1099 = arith.mulf %mul3A_1098, %get3A_1097 : vector<16xf32>
        %add3A_1100 = arith.addf %add3A_1020, %mul3A_1099 : vector<16xf32>
        %slice3A_1101 = vector.extract_strided_slice %get3A_200 {offsets = [12], sizes = [1], strides = [1]} : vector<16xf32> to vector<1xf32>
        %squeeze3A_1102 = vector.extract %slice3A_1101[0] : f32 from vector<1xf32>
        %add3A_1103 = arith.constant 44 : i32
        %add3A_1104 = arith.addi %mul3A_180, %add3A_1103 : i32
        %get3A_1105 = arith.index_cast %add3A_1104 : i32 to index
        %get3A_1106 = arith.constant 0 : index
        %get3A_1107 = tpu.vector_load %arg20[%get3A_1105, %get3A_1106] {strides = array<i32>} : memref<1600x32xf32, #tpu.memory_space<vmem>>, vector<1x16xf32>,
        %get3A_1108 = vector.shape_cast %get3A_1107 : vector<1x16xf32> to vector<16xf32>
        %mul3A_1109 = vector.broadcast %squeeze3A_1102 : f32 to vector<16xf32>
        %mul3A_1110 = arith.mulf %mul3A_1109, %get3A_1108 : vector<16xf32>
        %add3A_1111 = arith.addf %add3A_1031, %mul3A_1110 : vector<16xf32>
        %add3A_1112 = arith.constant 44 : i32
        %add3A_1113 = arith.addi %mul3A_180, %add3A_1112 : i32
        %get3A_1114 = arith.index_cast %add3A_1113 : i32 to index
        %get3A_1115 = arith.constant 16 : index
        %get3A_1116 = tpu.vector_load %arg20[%get3A_1114, %get3A_1115] {strides = array<i32>} : memref<1600x32xf32, #tpu.memory_space<vmem>>, vector<1x16xf32>,
        %get3A_1117 = vector.shape_cast %get3A_1116 : vector<1x16xf32> to vector<16xf32>
        %mul3A_1118 = vector.broadcast %squeeze3A_1102 : f32 to vector<16xf32>
        %mul3A_1119 = arith.mulf %mul3A_1118, %get3A_1117 : vector<16xf32>
        %add3A_1120 = arith.addf %add3A_1040, %mul3A_1119 : vector<16xf32>
        %slice3A_1121 = vector.extract_strided_slice %get3A_200 {offsets = [13], sizes = [1], strides = [1]} : vector<16xf32> to vector<1xf32>
        %squeeze3A_1122 = vector.extract %slice3A_1121[0] : f32 from vector<1xf32>
        %add3A_1123 = arith.constant 45 : i32
        %add3A_1124 = arith.addi %mul3A_180, %add3A_1123 : i32
        %get3A_1125 = arith.index_cast %add3A_1124 : i32 to index
        %get3A_1126 = arith.constant 0 : index
        %get3A_1127 = tpu.vector_load %arg20[%get3A_1125, %get3A_1126] {strides = array<i32>} : memref<1600x32xf32, #tpu.memory_space<vmem>>, vector<1x16xf32>,
        %get3A_1128 = vector.shape_cast %get3A_1127 : vector<1x16xf32> to vector<16xf32>
        %mul3A_1129 = vector.broadcast %squeeze3A_1122 : f32 to vector<16xf32>
        %mul3A_1130 = arith.mulf %mul3A_1129, %get3A_1128 : vector<16xf32>
        %add3A_1131 = arith.addf %add3A_1051, %mul3A_1130 : vector<16xf32>
        %add3A_1132 = arith.constant 45 : i32
        %add3A_1133 = arith.addi %mul3A_180, %add3A_1132 : i32
        %get3A_1134 = arith.index_cast %add3A_1133 : i32 to index
        %get3A_1135 = arith.constant 16 : index
        %get3A_1136 = tpu.vector_load %arg20[%get3A_1134, %get3A_1135] {strides = array<i32>} : memref<1600x32xf32, #tpu.memory_space<vmem>>, vector<1x16xf32>,
        %get3A_1137 = vector.shape_cast %get3A_1136 : vector<1x16xf32> to vector<16xf32>
        %mul3A_1138 = vector.broadcast %squeeze3A_1122 : f32 to vector<16xf32>
        %mul3A_1139 = arith.mulf %mul3A_1138, %get3A_1137 : vector<16xf32>
        %add3A_1140 = arith.addf %add3A_1060, %mul3A_1139 : vector<16xf32>
        %slice3A_1141 = vector.extract_strided_slice %get3A_200 {offsets = [14], sizes = [1], strides = [1]} : vector<16xf32> to vector<1xf32>
        %squeeze3A_1142 = vector.extract %slice3A_1141[0] : f32 from vector<1xf32>
        %add3A_1143 = arith.constant 46 : i32
        %add3A_1144 = arith.addi %mul3A_180, %add3A_1143 : i32
        %get3A_1145 = arith.index_cast %add3A_1144 : i32 to index
        %get3A_1146 = arith.constant 0 : index
        %get3A_1147 = tpu.vector_load %arg20[%get3A_1145, %get3A_1146] {strides = array<i32>} : memref<1600x32xf32, #tpu.memory_space<vmem>>, vector<1x16xf32>,
        %get3A_1148 = vector.shape_cast %get3A_1147 : vector<1x16xf32> to vector<16xf32>
        %mul3A_1149 = vector.broadcast %squeeze3A_1142 : f32 to vector<16xf32>
        %mul3A_1150 = arith.mulf %mul3A_1149, %get3A_1148 : vector<16xf32>
        %add3A_1151 = arith.addf %add3A_1071, %mul3A_1150 : vector<16xf32>
        %add3A_1152 = arith.constant 46 : i32
        %add3A_1153 = arith.addi %mul3A_180, %add3A_1152 : i32
        %get3A_1154 = arith.index_cast %add3A_1153 : i32 to index
        %get3A_1155 = arith.constant 16 : index
        %get3A_1156 = tpu.vector_load %arg20[%get3A_1154, %get3A_1155] {strides = array<i32>} : memref<1600x32xf32, #tpu.memory_space<vmem>>, vector<1x16xf32>,
        %get3A_1157 = vector.shape_cast %get3A_1156 : vector<1x16xf32> to vector<16xf32>
        %mul3A_1158 = vector.broadcast %squeeze3A_1142 : f32 to vector<16xf32>
        %mul3A_1159 = arith.mulf %mul3A_1158, %get3A_1157 : vector<16xf32>
        %add3A_1160 = arith.addf %add3A_1080, %mul3A_1159 : vector<16xf32>
        %slice3A_1161 = vector.extract_strided_slice %get3A_200 {offsets = [15], sizes = [1], strides = [1]} : vector<16xf32> to vector<1xf32>
        %squeeze3A_1162 = vector.extract %slice3A_1161[0] : f32 from vector<1xf32>
        %add3A_1163 = arith.constant 47 : i32
        %add3A_1164 = arith.addi %mul3A_180, %add3A_1163 : i32
        %get3A_1165 = arith.index_cast %add3A_1164 : i32 to index
        %get3A_1166 = arith.constant 0 : index
        %get3A_1167 = tpu.vector_load %arg20[%get3A_1165, %get3A_1166] {strides = array<i32>} : memref<1600x32xf32, #tpu.memory_space<vmem>>, vector<1x16xf32>,
        %get3A_1168 = vector.shape_cast %get3A_1167 : vector<1x16xf32> to vector<16xf32>
        %mul3A_1169 = vector.broadcast %squeeze3A_1162 : f32 to vector<16xf32>
        %mul3A_1170 = arith.mulf %mul3A_1169, %get3A_1168 : vector<16xf32>
        %add3A_1171 = arith.addf %add3A_1091, %mul3A_1170 : vector<16xf32>
        %add3A_1172 = arith.constant 47 : i32
        %add3A_1173 = arith.addi %mul3A_180, %add3A_1172 : i32
        %get3A_1174 = arith.index_cast %add3A_1173 : i32 to index
        %get3A_1175 = arith.constant 16 : index
        %get3A_1176 = tpu.vector_load %arg20[%get3A_1174, %get3A_1175] {strides = array<i32>} : memref<1600x32xf32, #tpu.memory_space<vmem>>, vector<1x16xf32>,
        %get3A_1177 = vector.shape_cast %get3A_1176 : vector<1x16xf32> to vector<16xf32>
        %mul3A_1178 = vector.broadcast %squeeze3A_1162 : f32 to vector<16xf32>
        %mul3A_1179 = arith.mulf %mul3A_1178, %get3A_1177 : vector<16xf32>
        %add3A_1180 = arith.addf %add3A_1100, %mul3A_1179 : vector<16xf32>
        %slice3A_1181 = vector.extract_strided_slice %get3A_207 {offsets = [0], sizes = [1], strides = [1]} : vector<16xf32> to vector<1xf32>
        %squeeze3A_1182 = vector.extract %slice3A_1181[0] : f32 from vector<1xf32>
        %add3A_1183 = arith.constant 48 : i32
        %add3A_1184 = arith.addi %mul3A_180, %add3A_1183 : i32
        %get3A_1185 = arith.index_cast %add3A_1184 : i32 to index
        %get3A_1186 = arith.constant 0 : index
        %get3A_1187 = tpu.vector_load %arg20[%get3A_1185, %get3A_1186] {strides = array<i32>} : memref<1600x32xf32, #tpu.memory_space<vmem>>, vector<1x16xf32>,
        %get3A_1188 = vector.shape_cast %get3A_1187 : vector<1x16xf32> to vector<16xf32>
        %mul3A_1189 = vector.broadcast %squeeze3A_1182 : f32 to vector<16xf32>
        %mul3A_1190 = arith.mulf %mul3A_1189, %get3A_1188 : vector<16xf32>
        %add3A_1191 = arith.addf %add3A_1111, %mul3A_1190 : vector<16xf32>
        %add3A_1192 = arith.constant 48 : i32
        %add3A_1193 = arith.addi %mul3A_180, %add3A_1192 : i32
        %get3A_1194 = arith.index_cast %add3A_1193 : i32 to index
        %get3A_1195 = arith.constant 16 : index
        %get3A_1196 = tpu.vector_load %arg20[%get3A_1194, %get3A_1195] {strides = array<i32>} : memref<1600x32xf32, #tpu.memory_space<vmem>>, vector<1x16xf32>,
        %get3A_1197 = vector.shape_cast %get3A_1196 : vector<1x16xf32> to vector<16xf32>
        %mul3A_1198 = vector.broadcast %squeeze3A_1182 : f32 to vector<16xf32>
        %mul3A_1199 = arith.mulf %mul3A_1198, %get3A_1197 : vector<16xf32>
        %add3A_1200 = arith.addf %add3A_1120, %mul3A_1199 : vector<16xf32>
        %slice3A_1201 = vector.extract_strided_slice %get3A_207 {offsets = [1], sizes = [1], strides = [1]} : vector<16xf32> to vector<1xf32>
        %squeeze3A_1202 = vector.extract %slice3A_1201[0] : f32 from vector<1xf32>
        %add3A_1203 = arith.constant 49 : i32
        %add3A_1204 = arith.addi %mul3A_180, %add3A_1203 : i32
        %get3A_1205 = arith.index_cast %add3A_1204 : i32 to index
        %get3A_1206 = arith.constant 0 : index
        %get3A_1207 = tpu.vector_load %arg20[%get3A_1205, %get3A_1206] {strides = array<i32>} : memref<1600x32xf32, #tpu.memory_space<vmem>>, vector<1x16xf32>,
        %get3A_1208 = vector.shape_cast %get3A_1207 : vector<1x16xf32> to vector<16xf32>
        %mul3A_1209 = vector.broadcast %squeeze3A_1202 : f32 to vector<16xf32>
        %mul3A_1210 = arith.mulf %mul3A_1209, %get3A_1208 : vector<16xf32>
        %add3A_1211 = arith.addf %add3A_1131, %mul3A_1210 : vector<16xf32>
        %add3A_1212 = arith.constant 49 : i32
        %add3A_1213 = arith.addi %mul3A_180, %add3A_1212 : i32
        %get3A_1214 = arith.index_cast %add3A_1213 : i32 to index
        %get3A_1215 = arith.constant 16 : index
        %get3A_1216 = tpu.vector_load %arg20[%get3A_1214, %get3A_1215] {strides = array<i32>} : memref<1600x32xf32, #tpu.memory_space<vmem>>, vector<1x16xf32>,
        %get3A_1217 = vector.shape_cast %get3A_1216 : vector<1x16xf32> to vector<16xf32>
        %mul3A_1218 = vector.broadcast %squeeze3A_1202 : f32 to vector<16xf32>
        %mul3A_1219 = arith.mulf %mul3A_1218, %get3A_1217 : vector<16xf32>
        %add3A_1220 = arith.addf %add3A_1140, %mul3A_1219 : vector<16xf32>
        %add3A_1221 = arith.addf %add3A_1191, %add3A_1211 : vector<16xf32>
        %add3A_1222 = arith.addf %add3A_1151, %add3A_1171 : vector<16xf32>
        %add3A_1223 = arith.addf %add3A_1221, %add3A_1222 : vector<16xf32>
        %add3A_1224 = arith.addf %add3A_1200, %add3A_1220 : vector<16xf32>
        %add3A_1225 = arith.addf %add3A_1160, %add3A_1180 : vector<16xf32>
        %add3A_1226 = arith.addf %add3A_1224, %add3A_1225 : vector<16xf32>
        %get3A_1227 = arith.index_cast %scan3A_177 : i32 to index
        %get3A_1228 = arith.constant 0 : index
        %get3A_1229 = tpu.vector_load %arg12[%get3A_1227, %get3A_1228] {strides = array<i32>} : memref<32x32xf32, #tpu.memory_space<vmem>>, vector<1x16xf32>,
        %get3A_1230 = vector.shape_cast %get3A_1229 : vector<1x16xf32> to vector<16xf32>
        %swap3A = arith.index_cast %scan3A_177 : i32 to index
        %swap3A_1231 = arith.constant 0 : index
        %swap3A_1232 = tpu.vector_load %arg22[%swap3A, %swap3A_1231] {strides = array<i32>} : memref<32x96xf32, #tpu.memory_space<vmem>>, vector<1x16xf32>,
        %swap3A_1233 = vector.shape_cast %swap3A_1232 : vector<1x16xf32> to vector<16xf32>
        %swap3A_1234 = vector.shape_cast %get3A_1230 : vector<16xf32> to vector<1x16xf32>
        tpu.vector_store %arg22[%swap3A, %swap3A_1231], %swap3A_1234 {strides = array<i32>} : memref<32x96xf32, #tpu.memory_space<vmem>>, vector<1x16xf32>,
        %get3A_1235 = arith.index_cast %scan3A_177 : i32 to index
        %get3A_1236 = arith.constant 16 : index
        %get3A_1237 = tpu.vector_load %arg12[%get3A_1235, %get3A_1236] {strides = array<i32>} : memref<32x32xf32, #tpu.memory_space<vmem>>, vector<1x16xf32>,
        %get3A_1238 = vector.shape_cast %get3A_1237 : vector<1x16xf32> to vector<16xf32>
        %swap3A_1239 = arith.index_cast %scan3A_177 : i32 to index
        %swap3A_1240 = arith.constant 16 : index
        %swap3A_1241 = tpu.vector_load %arg22[%swap3A_1239, %swap3A_1240] {strides = array<i32>} : memref<32x96xf32, #tpu.memory_space<vmem>>, vector<1x16xf32>,
        %swap3A_1242 = vector.shape_cast %swap3A_1241 : vector<1x16xf32> to vector<16xf32>
        %swap3A_1243 = vector.shape_cast %get3A_1238 : vector<16xf32> to vector<1x16xf32>
        tpu.vector_store %arg22[%swap3A_1239, %swap3A_1240], %swap3A_1243 {strides = array<i32>} : memref<32x96xf32, #tpu.memory_space<vmem>>, vector<1x16xf32>,
        %mul3A_1244 = arith.constant 2.000000e-02 : f32
        %mul3A_1245 = vector.broadcast %mul3A_1244 : f32 to vector<16xf32>
        %mul3A_1246 = arith.mulf %add3A_1223, %mul3A_1245 : vector<16xf32>
        %swap3A_1247 = arith.index_cast %scan3A_177 : i32 to index
        %swap3A_1248 = arith.constant 32 : index
        %swap3A_1249 = tpu.vector_load %arg22[%swap3A_1247, %swap3A_1248] {strides = array<i32>} : memref<32x96xf32, #tpu.memory_space<vmem>>, vector<1x16xf32>,
        %swap3A_1250 = vector.shape_cast %swap3A_1249 : vector<1x16xf32> to vector<16xf32>
        %swap3A_1251 = vector.shape_cast %mul3A_1246 : vector<16xf32> to vector<1x16xf32>
        tpu.vector_store %arg22[%swap3A_1247, %swap3A_1248], %swap3A_1251 {strides = array<i32>} : memref<32x96xf32, #tpu.memory_space<vmem>>, vector<1x16xf32>,
        %mul3A_1252 = arith.constant 2.000000e-02 : f32
        %mul3A_1253 = vector.broadcast %mul3A_1252 : f32 to vector<16xf32>
        %mul3A_1254 = arith.mulf %add3A_1226, %mul3A_1253 : vector<16xf32>
        %swap3A_1255 = arith.index_cast %scan3A_177 : i32 to index
        %swap3A_1256 = arith.constant 48 : index
        %swap3A_1257 = tpu.vector_load %arg22[%swap3A_1255, %swap3A_1256] {strides = array<i32>} : memref<32x96xf32, #tpu.memory_space<vmem>>, vector<1x16xf32>,
        %swap3A_1258 = vector.shape_cast %swap3A_1257 : vector<1x16xf32> to vector<16xf32>
        %swap3A_1259 = vector.shape_cast %mul3A_1254 : vector<16xf32> to vector<1x16xf32>
        tpu.vector_store %arg22[%swap3A_1255, %swap3A_1256], %swap3A_1259 {strides = array<i32>} : memref<32x96xf32, #tpu.memory_space<vmem>>, vector<1x16xf32>,
        %get3A_1260 = arith.index_cast %scan3A_177 : i32 to index
        %get3A_1261 = arith.constant 0 : index
        %get3A_1262 = tpu.vector_load %arg14[%get3A_1260, %get3A_1261] {strides = array<i32>} : memref<32x32xf32, #tpu.memory_space<vmem>>, vector<1x16xf32>,
        %get3A_1263 = vector.shape_cast %get3A_1262 : vector<1x16xf32> to vector<16xf32>
        %swap3A_1264 = arith.index_cast %scan3A_177 : i32 to index
        %swap3A_1265 = arith.constant 64 : index
        %swap3A_1266 = tpu.vector_load %arg22[%swap3A_1264, %swap3A_1265] {strides = array<i32>} : memref<32x96xf32, #tpu.memory_space<vmem>>, vector<1x16xf32>,
        %swap3A_1267 = vector.shape_cast %swap3A_1266 : vector<1x16xf32> to vector<16xf32>
        %swap3A_1268 = vector.shape_cast %get3A_1263 : vector<16xf32> to vector<1x16xf32>
        tpu.vector_store %arg22[%swap3A_1264, %swap3A_1265], %swap3A_1268 {strides = array<i32>} : memref<32x96xf32, #tpu.memory_space<vmem>>, vector<1x16xf32>,
        %get3A_1269 = arith.index_cast %scan3A_177 : i32 to index
        %get3A_1270 = arith.constant 16 : index
        %get3A_1271 = tpu.vector_load %arg14[%get3A_1269, %get3A_1270] {strides = array<i32>} : memref<32x32xf32, #tpu.memory_space<vmem>>, vector<1x16xf32>,
        %get3A_1272 = vector.shape_cast %get3A_1271 : vector<1x16xf32> to vector<16xf32>
        %swap3A_1273 = arith.index_cast %scan3A_177 : i32 to index
        %swap3A_1274 = arith.constant 80 : index
        %swap3A_1275 = tpu.vector_load %arg22[%swap3A_1273, %swap3A_1274] {strides = array<i32>} : memref<32x96xf32, #tpu.memory_space<vmem>>, vector<1x16xf32>,
        %swap3A_1276 = vector.shape_cast %swap3A_1275 : vector<1x16xf32> to vector<16xf32>
        %swap3A_1277 = vector.shape_cast %get3A_1272 : vector<16xf32> to vector<1x16xf32>
        tpu.vector_store %arg22[%swap3A_1273, %swap3A_1274], %swap3A_1277 {strides = array<i32>} : memref<32x96xf32, #tpu.memory_space<vmem>>, vector<1x16xf32>,
        %scan3A_1278 = arith.constant 0 : i32
        scf.yield %scan3A_1278 : i32
      }
      %scan3A_161 = arith.constant 32 : i32
      %mul3A_162 = arith.constant 32 : i32
      %mul3A_163 = arith.muli %add3A_127, %mul3A_162 : i32
      %add3A_164 = arith.addi %multiple_of3A, %mul3A_163 : i32
      %dma_start3A_165 = arith.constant 0 : i32
      %dma_start3A_166 = tpu.memref_slice %arg8[%add3A_164, %dma_start3A_165] : memref<16384x96xf32, #tpu.memory_space<hbm>> -> memref<32x96xf32, #tpu.memory_space<hbm>>
      %dma_start3A_167 = arith.constant 0 : i32
      %dma_start3A_168 = tpu.memref_slice %arg8[%add3A_164, %dma_start3A_167] : memref<16384x96xf32, #tpu.memory_space<hbm>> -> memref<32x96xf32, #tpu.memory_space<hbm>>
      tpu.enqueue_dma source(%arg22 : memref<32x96xf32, #tpu.memory_space<vmem>>) target(%dma_start3A_168 : memref<32x96xf32, #tpu.memory_space<hbm>>) target_semaphore(%arg28 : memref<!tpu.dma_semaphore, #tpu.memory_space<semaphore_mem>>)
      %add3A_169 = arith.constant 2 : i32
      %add3A_170 = arith.addi %add3A_127, %add3A_169 : i32
      %lt3A_171 = arith.constant 16 : i32
      %lt3A_172 = arith.cmpi slt, %add3A_170, %lt3A_171 : i32
      %convert_element_type3A_173 = arith.extui %lt3A_172 : i1 to i32
      %cond3A_174 = arith.constant 0 : i32
      %cond3A_175 = arith.cmpi ne, %convert_element_type3A_173, %cond3A_174 : i32
      scf.if %cond3A_175 {
        %add3A_177 = arith.constant 2 : i32
        %add3A_178 = arith.addi %add3A_127, %add3A_177 : i32
        %mul3A_179 = arith.constant 50 : i32
        %mul3A_180 = arith.muli %multiple_of3A, %mul3A_179 : i32
        %multiple_of3A_181 = tpu.assume_multiple %mul3A_180, 25600 : i32
        %mul3A_182 = arith.constant 1600 : i32
        %mul3A_183 = arith.muli %add3A_178, %mul3A_182 : i32
        %add3A_184 = arith.addi %multiple_of3A_181, %mul3A_183 : i32
        %mul3A_185 = arith.constant 64 : i32
        %mul3A_186 = arith.muli %multiple_of3A, %mul3A_185 : i32
        %multiple_of3A_187 = tpu.assume_multiple %mul3A_186, 32768 : i32
        %mul3A_188 = arith.constant 2048 : i32
        %mul3A_189 = arith.muli %add3A_178, %mul3A_188 : i32
        %add3A_190 = arith.addi %multiple_of3A_187, %mul3A_189 : i32
        %dma_start3A_191 = tpu.memref_slice %arg3[%add3A_184] : memref<819200xi32, #tpu.memory_space<hbm>> -> memref<1600xi32, #tpu.memory_space<hbm>>
        %dma_start3A_192 = tpu.memref_slice %arg3[%add3A_184] : memref<819200xi32, #tpu.memory_space<hbm>> -> memref<1600xi32, #tpu.memory_space<hbm>>
        tpu.enqueue_dma source(%dma_start3A_192 : memref<1600xi32, #tpu.memory_space<hbm>>) target(%arg16 : memref<1600xi32, #tpu.memory_space<vmem>>) target_semaphore(%arg26 : memref<!tpu.dma_semaphore, #tpu.memory_space<semaphore_mem>>)
        %dma_start3A_193 = tpu.memref_slice %arg4[%add3A_190] : memref<1048576xf32, #tpu.memory_space<hbm>> -> memref<2048xf32, #tpu.memory_space<hbm>>
        %dma_start3A_194 = tpu.memref_slice %arg4[%add3A_190] : memref<1048576xf32, #tpu.memory_space<hbm>> -> memref<2048xf32, #tpu.memory_space<hbm>>
        tpu.enqueue_dma source(%dma_start3A_194 : memref<2048xf32, #tpu.memory_space<hbm>>) target(%arg18 : memref<2048xf32, #tpu.memory_space<vmem>>) target_semaphore(%arg26 : memref<!tpu.dma_semaphore, #tpu.memory_space<semaphore_mem>>)
      } else {
      }
      %scan3A_176 = arith.constant 0 : i32
      scf.yield %scan3A_176 : i32
    }
    %scan3A_61 = arith.constant 8 : i32
    %add3A_62 = arith.constant 448 : i32
    %add3A_63 = arith.addi %multiple_of3A, %add3A_62 : i32
    %dma_wait3A_64 = arith.constant 0 : i32
    %dma_wait3A_65 = tpu.memref_slice %arg8[%add3A_63, %dma_wait3A_64] : memref<16384x96xf32, #tpu.memory_space<hbm>> -> memref<32x96xf32, #tpu.memory_space<hbm>>
    %dma_wait3A_66 = arith.constant 0 : i32
    %dma_wait3A_67 = tpu.memref_slice %arg8[%add3A_63, %dma_wait3A_66] : memref<16384x96xf32, #tpu.memory_space<hbm>> -> memref<32x96xf32, #tpu.memory_space<hbm>>
    tpu.wait_dma2 semaphore(%arg27 : memref<!tpu.dma_semaphore, #tpu.memory_space<semaphore_mem>>) src(%arg21 : memref<32x96xf32, #tpu.memory_space<vmem>>) dst(%dma_wait3A_67 : memref<32x96xf32, #tpu.memory_space<hbm>>)
    %add3A_68 = arith.constant 480 : i32
    %add3A_69 = arith.addi %multiple_of3A, %add3A_68 : i32
    %dma_wait3A_70 = arith.constant 0 : i32
    %dma_wait3A_71 = tpu.memref_slice %arg8[%add3A_69, %dma_wait3A_70] : memref<16384x96xf32, #tpu.memory_space<hbm>> -> memref<32x96xf32, #tpu.memory_space<hbm>>
    %dma_wait3A_72 = arith.constant 0 : i32
    %dma_wait3A_73 = tpu.memref_slice %arg8[%add3A_69, %dma_wait3A_72] : memref<16384x96xf32, #tpu.memory_space<hbm>> -> memref<32x96xf32, #tpu.memory_space<hbm>>
    tpu.wait_dma2 semaphore(%arg28 : memref<!tpu.dma_semaphore, #tpu.memory_space<semaphore_mem>>) src(%arg22 : memref<32x96xf32, #tpu.memory_space<vmem>>) dst(%dma_wait3A_73 : memref<32x96xf32, #tpu.memory_space<hbm>>)
    return
  }
}

</mosaic_0001>

<sc_bundles>
// kernel: _sc_call.3.cloned.1.call-start
scs
__scs_entry_jumppad:
0x0: {  	(pc) =	sbr.rel $0x88, $3  }
0x1: {  	(tag) =	ssettag $0x0;
	lr =	simm.s32 $0x1  }
0x2: {  	[smem:$0x3F9B] =	sst lr;
	_ =	strace $0xD0000000  }
0x3: {  	_ = 	snop  }
0x4: {  	_ = 	snop  }
0x5: {  	_ = 	snop  }
0x6: {  	_ = 	snop  }
0x7: {  	_ = 	snop  }
__scs_overlays_trampoline_lowered:
0x8: {  	[smem:$0x3FAA] =	sst s0  }
0x9: {  	[smem:$0x3FAB] =	sst s1  }
0xa: {  	[smem:$0x3FAC] =	sst s2  }
0xb: {  	[smem:$0x3FAD] =	sst s3  }
0xc: {  	[smem:$0x3FAE] =	sst s4  }
0xd: {  	[smem:$0x3FAF] =	sst s5  }
0xe: {  	[smem:$0x3FB0] =	sst s6  }
0xf: {  	[smem:$0x3FB1] =	sst s7  }
0x10: {  	[smem:$0x3FB2] =	sst s8  }
0x11: {  	[smem:$0x3FB3] =	sst s9;
	s0 =	simm.s32 @!p0 $0x0  }
0x12: {  	s1 =	sld [smem:$0x3F99];
	s0 =	simm.s32 @p0 $0x1  }
0x13: {  	[smem:$0x3FB4] =	sst s0;
	s0 =	simm.s32 @!p1 $0x0  }
0x14: {  	s2 =	sld [smem:$0x3F98];
	s0 =	simm.s32 @p1 $0x1  }
0x15: {  	[smem:$0x3FB5] =	sst s0;
	s0 =	simm.s32 @!p2 $0x0  }
0x16: {  	s3 =	sld [smem:$0x3FDB];
	s0 =	simm.s32 @p2 $0x1  }
0x17: {  	s4 =	simm.s32 $0x1BF5;
	[smem:$0x3FB7] =	sst s0  }
0x18: {  	s0 =	sld [smem:$0x3F9A];
	_ =	swait.ge [sflag:s4], $0x0  }
0x19: {  	s7 =	sld [smem:$0x3F9B]  }
0x1a: {  	s8 =	sadd.s32 $0xFFFFE003, lr  }
0x1b: {  	s9 =	sadd.s32 $0xFFFFFEF7, lr;
	s5 =	simm.s32 $0xFFFFFFFF;
	p2 =	slt.u32 s8, $0xFFFFF086  }
0x1c: {  	p1 =	slt.u32 s9, $0xF7A;
	s5 =	simm.s32 @!p2 $0x0  }
0x1d: {  	s5 =	simm.s32 @p1 $0x1;
	p0 =	seq.s32 s7, s2  }
0x1e: {  	s7 =	smul.u32 @!p0 $0xF7A, s2;
	p2 =	seq.s32 @!p0 s5, $0x0  }
0x1f: {  	s9 =	smul.u32 $0xF7A, s1;
	s8 =	simm.s32 @!p0 $0x1BF5;
	p2 =	por !p2, p0  }
0x20: {  	[sflag:s8] =	ssyncset.s32 @!p0 $0xFFFFF086;
	s6 =	sadd.s32 @!p0 s3, s7;
	s7 =	simm.s32 @!p0 $0x108  }
0x21: {  	s3 =	sadd.s32 s3, s9;
	s6 =	sadd.s32 @!p0 $0x88, s6;
	s7 =	simm.s32 @p2 $0x1082  }
0x22: {  	[simem:s7], [sflag:s8] =	dma.local @!p0 [hbm:s6], $0xF7A  }
0x23: {  	s9 =	sor.u32 $0xD0000000, s2;
	s6 =	simm.s32 $0x108;
	_ =	swait.ge @!p0 [sflag:s8], $0x0  }
0x24: {  	s3 =	sadd.s32 $0x88, s3;
	s6 =	simm.s32 @!p1 $0x1082;
	[sflag:s4] =	ssyncset.s32 $0xFFFFF086  }
0x25: {  	[simem:s6], [sflag:s4] =	dma.local [hbm:s3], $0xF7A  }
0x26: {  	[smem:$0x3F9B] =	sst s1;
	(tag) =	ssettag s2;
	_ =	strace s9  }
0x27: {  	s1 =	sld [smem:$0x3FAB]  }
0x28: {  	s2 =	sld [smem:$0x3FAC]  }
0x29: {  	s4 =	sld [smem:$0x3FAE]  }
0x2a: {  	p0 =	seq.s32 s5, $0x0;
	s5 =	sld [smem:$0x3FAF]  }
0x2b: {  	s6 =	sld [smem:$0x3FB0]  }
0x2c: {  	s7 =	sld [smem:$0x3FB1]  }
0x2d: {  	s3 =	simm.s32 $0x108;
	s8 =	sld [smem:$0x3FB2]  }
0x2e: {  	s3 =	simm.s32 @!p0 $0x1082;
	s9 =	sld [smem:$0x3FB3]  }
0x2f: {  	lr =	sadd.s32 s0, s3;
	s0 =	sld [smem:$0x3FAA]  }
0x30: {  	s3 =	sld [smem:$0x3FAD]  }
0x31: {  	[smem:$0x3FB6] =	sst s10  }
0x32: {  	s10 =	sld [smem:$0x3FB4];
	_ =	sdelay $0x3  }
0x33: {  	p0 =	seq.s32 s10, $0x1;
	s10 =	sld [smem:$0x3FB6];
	_ =	sdelay $0x3  }
0x34: {  	[smem:$0x3FB6] =	sst s10  }
0x35: {  	s10 =	sld [smem:$0x3FB5];
	_ =	sdelay $0x3  }
0x36: {  	p1 =	seq.s32 s10, $0x1;
	s10 =	sld [smem:$0x3FB6];
	_ =	sdelay $0x3  }
0x37: {  	[smem:$0x3FB6] =	sst s10  }
0x38: {  	s10 =	sld [smem:$0x3FB7]  }
0x39: {  	_ = 	snop;
	(pc) =	sbr.ind lr, $3  }
0x3a: {  	_ = 	snop  }
0x3b: {  	_ = 	snop  }
0x3c: {  	p2 =	seq.s32 s10, $0x1;
	s10 =	sld [smem:$0x3FB6]  }
0x3d: {  	_ =	shalt  }
0x3e: {  	_ =	shalt  }
0x3f: {  	_ =	shalt  }
0x40: {  	_ =	shalt  }
0x41: {  	_ =	shalt  }
0x42: {  	_ =	shalt  }
0x43: {  	_ =	shalt  }
0x44: {  	_ =	shalt  }
0x45: {  	_ =	shalt  }
0x46: {  	_ =	shalt  }
0x47: {  	_ =	shalt  }
0x48: {  	_ =	shalt  }
0x49: {  	_ =	shalt  }
0x4a: {  	_ =	shalt  }
0x4b: {  	_ =	shalt  }
0x4c: {  	_ =	shalt  }
0x4d: {  	_ =	shalt  }
0x4e: {  	_ =	shalt  }
0x4f: {  	_ =	shalt  }
0x50: {  	_ =	shalt  }
0x51: {  	_ =	shalt  }
0x52: {  	_ =	shalt  }
0x53: {  	_ =	shalt  }
0x54: {  	_ =	shalt  }
0x55: {  	_ =	shalt  }
0x56: {  	_ =	shalt  }
0x57: {  	_ =	shalt  }
0x58: {  	_ =	shalt  }
0x59: {  	_ =	shalt  }
0x5a: {  	_ =	shalt  }
0x5b: {  	_ =	shalt  }
0x5c: {  	_ =	shalt  }
0x5d: {  	_ =	shalt  }
0x5e: {  	_ =	shalt  }
0x5f: {  	_ =	shalt  }
0x60: {  	_ =	shalt  }
0x61: {  	_ =	shalt  }
0x62: {  	_ =	shalt  }
0x63: {  	_ =	shalt  }
0x64: {  	_ =	shalt  }
0x65: {  	_ =	shalt  }
0x66: {  	_ =	shalt  }
0x67: {  	_ =	shalt  }
0x68: {  	_ =	shalt  }
0x69: {  	_ =	shalt  }
0x6a: {  	_ =	shalt  }
0x6b: {  	_ =	shalt  }
0x6c: {  	_ =	shalt  }
0x6d: {  	_ =	shalt  }
0x6e: {  	_ =	shalt  }
0x6f: {  	_ =	shalt  }
0x70: {  	_ =	shalt  }
0x71: {  	_ =	shalt  }
0x72: {  	_ =	shalt  }
0x73: {  	_ =	shalt  }
0x74: {  	_ =	shalt  }
0x75: {  	_ =	shalt  }
0x76: {  	_ =	shalt  }
0x77: {  	_ =	shalt  }
0x78: {  	_ =	shalt  }
0x79: {  	_ =	shalt  }
0x7a: {  	_ =	shalt  }
0x7b: {  	_ =	shalt  }
0x7c: {  	_ =	shalt  }
0x7d: {  	_ =	shalt  }
0x7e: {  	_ =	shalt  }
0x7f: {  	_ =	shalt  }
0x80: {  	_ =	shalt  }
0x81: {  	_ =	shalt  }
0x82: {  	_ =	shalt  }
0x83: {  	_ =	shalt  }
0x84: {  	_ =	shalt  }
0x85: {  	_ =	shalt  }
0x86: {  	_ =	shalt  }
0x87: {  	_ =	shalt  }
.Lfunc_end0:
.L_simem_size_0:
called_computation_lowered:
.L_overlay_start_0:
0x88: {  	s2 =	sld [smem:$0x3FD9]  }
0x89: {  	s3 =	sld [smem:$0x3FFE];
	_ =	sdelay $0x1  }
0x8a: {  	s1 =	srdreg.scid  }
0x8b: {  	s0 =	sand.u32 $0x1, s1  }
0x8c: {  	s17 =	sshll.u32 s0, $0xA;
	s2 =	sadd.s32 s3, s2  }
0x8d: {  	s2 =	sadd.s32 s2, s17  }
0x8e: {  	[smem:$0x3FC2] =	sst s2  }
0x8f: {  	_ = 	snop  }
0x90: {  	s2 =	sld [smem:$0x3FC9]  }
0x91: {  	s18 =	sld [smem:$0x3FC8]  }
0x92: {  	s4 =	sld [smem:$0x3FC7]  }
0x93: {  	s5 =	sld [smem:$0x3FC6]  }
0x94: {  	s6 =	sld [smem:$0x3FD0];
	(tm) =	ssettm $0x1  }
0x95: {  	s7 =	sld [smem:$0x3FFB];
	_ =	sdelay $0x3  }
0x96: {  	_ =	strace s7  }
0x97: {  	s7 =	sld [smem:$0x3FFC];
	_ =	sdelay $0x3  }
0x98: {  	_ =	strace s7  }
0x99: {  	s7 =	sld [smem:$0x3FFD];
	_ =	sdelay $0x3  }
0x9a: {  	_ =	strace s7  }
0x9b: {  	_ =	strace $0x8FFFFFFF  }
0x9c: {  	s19 =	sld [smem:$0x3FDB];
	_ =	sdelay $0x1  }
0x9d: {  	s8 =	simm.s32 $_scs_section_size  }
0x9e: {  	s9 =	simm.s32 $_size__tile_overlayer_lowered;
	s10 =	simm.s32 $_tile_overlayer_lowered  }
0x9f: {  	s22 =	simm.s32 $0x1BFF;
	s21 =	sshll.u32 s10, $0x1;
	s7 =	sadd.s32 s8, s19  }
0xa0: {  	s11 =	simm.s32 $0x0;
	s20 =	sshll.u32 s9, $0x1;
	s9 =	sadd.s32 s21, s7  }
0xa1: {  	[timem:s11], [sflag:s22] =	dma.local [hbm:s9], s20  }
0xa2: {  	_ =	swait.ge [sflag:s22], s20  }
0xa3: {  	s8 =	ssub.s32 $0x0, s20;
	[sflag:s22] =	ssyncset.done $0x0  }
0xa4: {  	[sflag:s22] =	ssyncadd.s32 s8;
	_ =	sdelay $0x1  }
0xa5: {  	s23 =	simm.s32 $0x1B8B  }
0xa6: {  	_ =	swait.ge [sflag:s23], $0x1  }
0xa7: {  	[sflag:s23] =	ssyncset.done $0x0  }
0xa8: {  	s25 =	simm.s32 $0x1B8E;
	s24 =	sld [smem:$0x3FFE];
	[sflag:s23] =	ssyncadd.s32 $0xFFFFFFFF  }
0xa9: {  	s26 =	simm.s32 $execute0_lowered;
	[smem:$0x3FD2] =	sst s25  }
0xaa: {  	s9 =	sshll.u32 s26, $0x1;
	_ =	strace $0x80000046;
	[dreg:$0x1] =	wrdreg $0xFFFFFFFF  }
0xab: {  	s28 =	simm.s32 $_size_execute0_lowered;
	s7 =	sadd.s32 s7, s9;
	[dreg:$0x0] =	wrdreg $0x0  }
0xac: {  	s9 =	sshll.u32 s28, $0x1;
	[dreg:$0x2] =	wrdreg s7  }
0xad: {  	[dreg:$0x3] =	wrdreg s9  }
0xae: {  	[dreg:$0x4] =	wrdreg $0xC0  }
0xaf: {  	_ =	task [dreg:s11], $0x5FFFF  }
0xb0: {  	[dreg:$0x1] =	wrdreg $0xFFFFFFFF  }
0xb1: {  	[dreg:$0x0] =	wrdreg $0x60  }
0xb2: {  	[dreg:$0x2] =	wrdreg s2  }
0xb3: {  	[dreg:$0x3] =	wrdreg s18  }
0xb4: {  	[dreg:$0x4] =	wrdreg s4  }
0xb5: {  	[dreg:$0x5] =	wrdreg s5  }
0xb6: {  	[dreg:$0x6] =	wrdreg s24  }
0xb7: {  	[dreg:$0x7] =	wrdreg s6  }
0xb8: {  	[dreg:$0x8] =	wrdreg $0x9  }
0xb9: {  	_ =	task.clear_ibuf [dreg:s11], $0x9FFFF;
	_ =	strace $0x90000046  }
0xba: {  	s29 =	simm.s32 $0x9;
	_ =	strace $0x80000048  }
0xbb: {  	_ =	swait.ge [sflag:s29], $0x1  }
0xbc: {  	[sflag:s29] =	ssyncadd.s32 $0xFFFFFFFF  }
0xbd: {  	_ =	strace $0x90000048  }
0xbe: {  	_ =	sfence  }
0xbf: {  	s30 =	sld [smem:$0x0];
	_ =	sdelay $0x2  }
0xc0: {  	s31 =	sshll.u32 s1, $0xD;
	s1 =	sshrl.u32 s1, $0x2  }
0xc1: {  	s3 =	sand.u32 $0x4000, s31;
	s1 =	sadd.s32 s1, s30  }
0xc2: {  	s0 =	sor.u32 s3, s0;
	s1 =	sshll.u32 s1, $0x11  }
0xc3: {  	s0 =	sor.u32 s1, s0  }
0xc4: {  	s0 =	sadd.s32 $0x8F2B, s0  }
0xc5: {  	[sflag:s0] =	ssyncadd.remote.s32 $0x1  }
0xc6: {  	_ =	sfence.sel $0xFFFF  }
0xc7: {  	[dreg:$0x0] =	wrdreg $0xFFFFFFFF;
	(pc) =	sbr.abs _section_cstart, $3  }
0xc8: {  	[dreg:$0x1] =	wrdreg $0xFFFFFFFF  }
0xc9: {  	_ =	task.clear_ibuf [dreg:s11], $0x2FFFF;
	_ =	strace $0x9FFFFFFF  }
0xca: {  	(tm) =	ssettm $0x7FFFFFFF  }
0xcb: {  	_ =	shalt  }
tec
execute0_lowered:
.L_overlay_start_1:
0x0: {  	(tag) =	ssettag $0x1  }
0x1: {  	s0 =	rddreg [dreg:$0x0]  }
0x2: {  	s1 =	rddreg [dreg:$0x1]  }
0x3: {  	s2 =	rddreg [dreg:$0x2]  }
0x4: {  	s3 =	rddreg [dreg:$0x3]  }
0x5: {  	s9 =	rddreg [dreg:$0x4]  }
0x6: {  	s4 =	rddreg [dreg:$0x5]  }
0x7: {  	s6 =	srdreg.scid;
	s5 =	simm.s32 $0x0;
	s7 =	stileid.u32  }
0x8: {  	s20 =	simm.s32 $0x1400;
	s22 =	simm.s32 $0x3;
	s23 =	simm.s32 $0x640  }
0x9: {  	s29 =	simm.s32 $0x1A40;
	s31 =	simm.s32 $0x1;
	s19 =	simm.s32 $0x800  }
0xa: {  	s15 =	simm.s32 $0x2;
	s16 =	simm.s32 $0x6;
	s17 =	simm.s32 $0x1CC80  }
0xb: {  	s6 =	sand.u32 $0x1, s6;
	[smem:$0x7FF] =	sst s5;
	s7 =	sshll.u32 s7, $0xA  }
0xc: {  	s8 =	sshll.u32 s6, $0x9;
	_ =	strace $0x80000047;
	s10 =	ssub.s32 $0x2, s6  }
0xd: {  	s6 =	sor.u32 s8, s7;
	s7 =	sadd.s32 $0xF42800, s9;
	s11 =	sshrl.u32 s10, $0x1  }
0xe: {  	s9 =	sadd.s32 $0x1313200, s9;
	s8 =	smul.u32 $0x32, s6;
	s24 =	sshrl.u32 s6, $0x3  }
0xf: {  	s10 =	ssub.s32 s10, s11;
	s12 =	sshll.u32 s6, $0x3;
	s0 =	sadd.s32 s0, s24  }
0x10: {  	s14 =	sshll.u32 s6, $0x6;
	s3 =	sadd.s32 s3, s24;
	[dreg:$0x7] =	wrdreg s0  }
0x11: {  	s11 =	simm.s32 $0x1C080;
	s26 =	sadd.s32 s2, s12;
	[dreg:$0x8] =	wrdreg s3  }
.Ltmp0:
0x12: {  	s30 =	smax.u32 s10, $0x1;
	[dreg:$0xa] =	wrdreg s26;
	(pc) =	sbr.rel .LBB2_1-.Ltmp0, $4  }
0x13: {  	s25 =	sshrl.u32 s8, $0x3;
	s28 =	sadd.s32 $0x100, s26;
	[dreg:$0xd] =	wrdreg s30  }
0x14: {  	s10 =	simm.s32 $0x1000;
	s0 =	sadd.s32 s1, s25;
	[dreg:$0xc] =	wrdreg s28  }
0x15: {  	s12 =	simm.s32 $0x0;
	[dreg:$0x9] =	wrdreg s0;
	s0 =	sadd.s32 $0xC8, s0  }
0x16: {  	s25 =	simm.s32 $0x20;
	[dreg:$0xb] =	wrdreg s0;
	s0 =	simm.s32 $0x4  }
.LBB2_12:
0x17: {  	s3 =	simm.s32 $0x5  }
0x18: {  	_ =	swait.ge [sflag:s3], $0xC00  }
0x19: {  	[sflag:s3] =	ssyncset.done $0x0  }
0x1a: {  	[sflag:s3] =	ssyncadd.s32 $0xFFFFF400  }
0x1b: {  	_ =	swait.ge [sflag:s16], $0xC00  }
0x1c: {  	s12 =	rddreg [dreg:$0xe]  }
0x1d: {  	s30 =	rddreg [dreg:$0xd];
	s12 =	sadd.s32 $0x1, s12  }
0x1e: {  	p0 =	sne.s32 s12, s30  }
.Ltmp1:
0x1f: {  	_ = 	snop;
	(pc) =	sbr.rel @!p0 .LBB2_13-.Ltmp1, $3  }
0x20: {  	_ =	sdelay $0x1  }
0x21: {  	[sflag:s16] =	ssyncset.done $0x0  }
0x22: {  	[sflag:s16] =	ssyncadd.s32 $0xFFFFF400  }
.LBB2_1:
0x23: {  	[dreg:$0xe] =	wrdreg s12  }
0x24: {  	s3 =	rddreg [dreg:$0x7];
	s21 =	simm.s32 $0x7  }
0x25: {  	[tilespmem:s5], [sflag:$0x7] =	stream.linear.gather [hbm4b:s3+s5], $0x200, $0x38;
	[tilespmem:$0x1D880] =	vst v63  }
0x26: {  	_ =	swait.ge [sflag:s21], $0x200  }
0x27: {  	[sflag:s21] =	ssyncset.done $0x0  }
0x28: {  	s13 =	simm.s32 $0x200;
	s24 =	rddreg [dreg:$0x8];
	[sflag:s21] =	ssyncadd.s32 $0xFFFFFE00  }
0x29: {  	[tilespmem:s13], [sflag:$0x7] =	stream.linear.gather [hbm4b:s24+s5], $0x200, $0x38;
	[tilespmem:$0x1D880] =	vst v63  }
0x2a: {  	_ =	swait.ge [sflag:s21], $0x200  }
0x2b: {  	[sflag:s21] =	ssyncset.done $0x0  }
0x2c: {  	s26 =	rddreg [dreg:$0x9];
	[sflag:s21] =	ssyncadd.s32 $0xFFFFFE00  }
0x2d: {  	[tilespmem:s20], [sflag:$0x3] =	stream.linear.gather [hbm4b:s26+s5], $0x640, $0x38;
	[tilespmem:$0x1D880] =	vst v63  }
0x2e: {  	s30 =	simm.s32 $0x2080;
	s28 =	rddreg [dreg:$0xa]  }
0x2f: {  	[tilespmem:s30], [sflag:$0x3] =	stream.linear.gather [hbm4b:s28+s5], $0x800, $0x38;
	[tilespmem:$0x1D880] =	vst v63  }
0x30: {  	_ =	swait.ge [sflag:s22], $0x640  }
0x31: {  	[sflag:s22] =	ssyncset.done $0x0  }
0x32: {  	[sflag:s22] =	ssyncadd.s32 $0xFFFFF9C0  }
0x33: {  	_ =	swait.ge [sflag:s22], $0x800  }
0x34: {  	[sflag:s22] =	ssyncset.done $0x0  }
0x35: {  	s18 =	simm.s32 $0x3080;
	[sflag:s22] =	ssyncadd.s32 $0xFFFFF800  }
0x36: {  	[tilespmem:s18], [sflag:$0x1] =	stream.indirect.gather [hbm4b:s9+s23], $0x20, s20, s23, $0xb8;
	[tilespmem:$0x1D880] =	vst v63  }
0x37: {  	s21 =	simm.s32 $0x400  }
0x38: {  	[tilespmem:s21], [sflag:$0x1] =	stream.indirect.gather [hbm4b:s7+s25], $0x20, s5, s25, $0xb8;
	[tilespmem:$0x1D880] =	vst v63  }
0x39: {  	s24 =	simm.s32 $0xC00  }
0x3a: {  	[tilespmem:s24], [sflag:$0x1] =	stream.indirect.gather [hbm4b:s9+s25], $0x20, s13, s25, $0xb8;
	[tilespmem:$0x1D880] =	vst v63  }
0x3b: {  	s26 =	rddreg [dreg:$0xb]  }
0x3c: {  	[tilespmem:s29], [sflag:$0x4] =	stream.linear.gather [hbm4b:s26+s5], $0x640, $0x38;
	[tilespmem:$0x1D880] =	vst v63  }
0x3d: {  	s12 =	simm.s32 $0x0;
	s30 =	simm.s32 $0x2880;
	s28 =	rddreg [dreg:$0xc]  }
0x3e: {  	[tilespmem:s30], [sflag:$0x4] =	stream.linear.gather [hbm4b:s28+s5], $0x800, $0x38;
	[tilespmem:$0x1D880] =	vst v63  }
.LBB2_2:
0x3f: {  	_ =	swait.ge [sflag:s31], $0xC800  }
0x40: {  	[sflag:s31] =	ssyncset.done $0x0  }
0x41: {  	[sflag:s31] =	ssyncadd.s32 $0xFFFF3800  }
0x42: {  	_ =	swait.ge [sflag:s31], $0x400  }
0x43: {  	[sflag:s31] =	ssyncset.done $0x0  }
0x44: {  	[sflag:s31] =	ssyncadd.s32 $0xFFFFFC00  }
0x45: {  	_ =	swait.ge [sflag:s31], $0x400  }
0x46: {  	[sflag:s31] =	ssyncset.done $0x0  }
0x47: {  	[sflag:s31] =	ssyncadd.s32 $0xFFFFFC00  }
0x48: {  	_ =	swait.ge [sflag:s0], $0x640  }
0x49: {  	[sflag:s0] =	ssyncset.done $0x0  }
0x4a: {  	[sflag:s0] =	ssyncadd.s32 $0xFFFFF9C0  }
0x4b: {  	_ =	swait.ge [sflag:s0], $0x800  }
0x4c: {  	[sflag:s0] =	ssyncset.done $0x0  }
0x4d: {  	s3 =	simm.s32 $0xF880;
	s21 =	sshll.u32 s12, $0x6;
	[sflag:s0] =	ssyncadd.s32 $0xFFFFF800  }
0x4e: {  	[tilespmem:s3], [sflag:$0x2] =	stream.indirect.gather [hbm4b:s9+s23], $0x20, s29, s23, $0xb8;
	[tilespmem:$0x1D880] =	vst v63  }
0x4f: {  	p0 =	seq.s32 s12, $0x0;
	s13 =	sor.u32 $0x20, s21  }
0x50: {  	[tilespmem:s19], [sflag:$0x2] =	stream.indirect.gather [hbm4b:s7+s25], $0x20, s13, s25, $0xb8;
	[tilespmem:$0x1D880] =	vst v63  }
0x51: {  	s18 =	sadd.s32 $0x220, s21;
	s24 =	simm.s32 @!p0 $0x5  }
0x52: {  	[tilespmem:s10], [sflag:$0x2] =	stream.indirect.gather [hbm4b:s9+s25], $0x20, s18, s25, $0xb8;
	[tilespmem:$0x1D880] =	vst v63  }
0x53: {  	s26 =	simm.s32 $0x1C0B0;
	_ =	swait.ge @!p0 [sflag:s24], $0xC00  }
0x54: {  	s28 =	simm.s32 $0x33A0;
	s30 =	simm.s32 $0x20A0;
	[sflag:s24] =	ssyncset.done @!p0 $0x0  }
0x55: {  	s18 =	sshll.u32 s12, $0x1;
	[sflag:s24] =	ssyncadd.s32 @!p0 $0xFFFFF400;
	s24 =	simm.s32 $0x0  }
.LBB2_3:
0x56: {  	v3 =	vld [tilespmem:s30+$0xFFFFFFE0]  }
0x57: {  	v2 =	vld [tilespmem:s30+$0xFFFFFFF0]  }
0x58: {  	v1 =	vld [tilespmem:s30+$0x0]  }
0x59: {  	v0 =	vld [tilespmem:s30+$0x10]  }
0x5a: {  	v4 =	vld [tilespmem:s28+$0xFFFFFCE0]  }
0x5b: {  	v5 =	vld [tilespmem:s28+$0xFFFFFCF0]  }
0x5c: {  	v6 =	vld [tilespmem:s28+$0xFFFFFD00]  }
0x5d: {  	v7 =	vld [tilespmem:s28+$0xFFFFFD10]  }
0x5e: {  	v8 =	vld [tilespmem:s28+$0xFFFFFD20]  }
0x5f: {  	v9 =	vld [tilespmem:s28+$0xFFFFFD30]  }
0x60: {  	v10 =	vld [tilespmem:s28+$0xFFFFFD40]  }
0x61: {  	v11 =	vld [tilespmem:s28+$0xFFFFFD50]  }
0x62: {  	v12 =	vld [tilespmem:s28+$0xFFFFFD60]  }
0x63: {  	v13 =	vld [tilespmem:s28+$0xFFFFFD70]  }
0x64: {  	v14 =	vld [tilespmem:s28+$0xFFFFFD80]  }
0x65: {  	v15 =	vld [tilespmem:s28+$0xFFFFFD90]  }
0x66: {  	v16 =	vld [tilespmem:s28+$0xFFFFFDA0]  }
0x67: {  	v17 =	vld [tilespmem:s28+$0xFFFFFDB0]  }
0x68: {  	v18 =	vld [tilespmem:s28+$0xFFFFFDC0]  }
0x69: {  	v19 =	vld [tilespmem:s28+$0xFFFFFDD0]  }
0x6a: {  	v20 =	vld [tilespmem:s28+$0xFFFFFDE0];
	v25 =	vbroadcast v3, $0x0  }
0x6b: {  	v21 =	vld [tilespmem:s28+$0xFFFFFDF0];
	v27 =	vbroadcast v3, $0x1;
	v29 =	vbroadcast v3, $0x2  }
0x6c: {  	v22 =	vld [tilespmem:s28+$0xFFFFFE00];
	v55 =	vbroadcast v3, $0x3;
	v32 =	vbroadcast v3, $0x4  }
0x6d: {  	v23 =	vld [tilespmem:s28+$0xFFFFFE10];
	v34 =	vbroadcast v3, $0x5;
	v58 =	vbroadcast v3, $0x6  }
0x6e: {  	v24 =	vld [tilespmem:s28+$0xFFFFFE20];
	v61 =	vbroadcast v3, $0x7;
	v36 =	vbroadcast v3, $0x8  }
0x6f: {  	v26 =	vld [tilespmem:s28+$0xFFFFFE30];
	v39 =	vbroadcast v3, $0x9;
	v41 =	vbroadcast v3, $0xA  }
0x70: {  	v28 =	vld [tilespmem:s28+$0xFFFFFE40];
	v44 =	vbroadcast v3, $0xB;
	v48 =	vbroadcast v3, $0xC  }
0x71: {  	v54 =	vld [tilespmem:s28+$0xFFFFFE50];
	v51 =	vbroadcast v3, $0xD;
	v4 =	vmul.f32 v4, v25  }
0x72: {  	v30 =	vld [tilespmem:s28+$0xFFFFFE60];
	v5 =	vmul.f32 v5, v25;
	v6 =	vmul.f32 v6, v27  }
0x73: {  	v31 =	vld [tilespmem:s28+$0xFFFFFE70];
	v7 =	vmul.f32 v7, v27;
	v8 =	vmul.f32 v8, v29  }
0x74: {  	v33 =	vld [tilespmem:s28+$0xFFFFFE80];
	v9 =	vmul.f32 v9, v29;
	v10 =	vmul.f32 v10, v55  }
0x75: {  	v56 =	vld [tilespmem:s28+$0xFFFFFE90];
	v12 =	vmul.f32 v12, v32;
	v11 =	vmul.f32 v11, v55  }
0x76: {  	v35 =	vld [tilespmem:s28+$0xFFFFFEA0];
	v13 =	vmul.f32 v13, v32;
	v57 =	vmul.f32 v14, v34  }
0x77: {  	v46 =	vld [tilespmem:s28+$0xFFFFFF60];
	v59 =	vmul.f32 v15, v34;
	v60 =	vmul.f32 v16, v58  }
0x78: {  	v49 =	vld [tilespmem:s28+$0xFFFFFF70];
	v62 =	vmul.f32 v17, v58;
	v63 =	vmul.f32 v18, v61  }
0x79: {  	v27 =	vld [tilespmem:s28+$0xFFFFFEB0];
	v37 =	vmul.f32 v19, v61;
	v38 =	vmul.f32 v20, v36  }
0x7a: {  	v32 =	vld [tilespmem:s28+$0xFFFFFEC0];
	v40 =	vmul.f32 v21, v36;
	v42 =	vmul.f32 v22, v39  }
0x7b: {  	v15 =	vld [tilespmem:s28+$0xFFFFFED0];
	v19 =	vmul.f32 v23, v39;
	v43 =	vmul.f32 v24, v41  }
0x7c: {  	v34 =	vld [tilespmem:s28+$0xFFFFFEE0];
	v45 =	vmul.f32 v26, v41;
	v47 =	vmul.f32 v28, v44  }
0x7d: {  	v14 =	vld [tilespmem:s28+$0xFFFFFEF0];
	v50 =	vmul.f32 v54, v44;
	v52 =	vmul.f32 v30, v48  }
0x7e: {  	v18 =	vld [tilespmem:s28+$0xFFFFFF00];
	v53 =	vmul.f32 v33, v51;
	v54 =	vbroadcast v3, $0xE;
	v4 =	vadd.f32 $0.0e+00, v4  }
0x7f: {  	v16 =	vld [tilespmem:s28+$0xFFFFFF10];
	v56 =	vmul.f32 v56, v51;
	v5 =	vadd.f32 $0.0e+00, v5;
	v6 =	vadd.f32 $0.0e+00, v6  }
0x80: {  	v20 =	vld [tilespmem:s28+$0xFFFFFF20];
	v44 =	vbroadcast v2, $0x4;
	v7 =	vadd.f32 $0.0e+00, v7;
	v8 =	vadd.f32 $0.0e+00, v8  }
0x81: {  	v21 =	vld [tilespmem:s28+$0xFFFFFF30];
	v3 =	vbroadcast v3, $0xF;
	v9 =	vadd.f32 $0.0e+00, v9;
	v10 =	vadd.f32 $0.0e+00, v10  }
0x82: {  	v22 =	vld [tilespmem:s28+$0xFFFFFF40];
	v11 =	vadd.f32 $0.0e+00, v11;
	v46 =	vmul.f32 v46, v44;
	v4 =	vadd.f32 v12, v4  }
0x83: {  	v24 =	vld [tilespmem:s28+$0xFFFFFF50];
	v49 =	vmul.f32 v49, v44;
	v5 =	vadd.f32 v13, v5;
	v6 =	vadd.f32 v57, v6  }
0x84: {  	v51 =	vld [tilespmem:s28+$0x70];
	v44 =	vbroadcast v2, $0xC;
	v7 =	vadd.f32 v59, v7;
	v8 =	vadd.f32 v60, v8  }
0x85: {  	v25 =	vld [tilespmem:s28+$0xFFFFFF80];
	v9 =	vadd.f32 v62, v9;
	v10 =	vadd.f32 v63, v10;
	v57 =	vmul.f32 v35, v54  }
0x86: {  	v28 =	vld [tilespmem:s28+$0xFFFFFF90];
	v11 =	vadd.f32 v37, v11;
	v60 =	vbroadcast v2, $0x0;
	v63 =	vbroadcast v2, $0x1  }
0x87: {  	v55 =	vld [tilespmem:s28+$0xFFFFFFA0];
	v59 =	vmul.f32 v27, v54;
	v61 =	vmul.f32 v32, v3;
	v4 =	vadd.f32 v38, v4  }
0x88: {  	v58 =	vld [tilespmem:s28+$0xFFFFFFC0];
	v3 =	vmul.f32 v15, v3;
	v5 =	vadd.f32 v40, v5;
	v6 =	vadd.f32 v42, v6  }
0x89: {  	v29 =	vld [tilespmem:s28+$0xFFFFFFD0];
	v51 =	vmul.f32 v51, v44;
	v7 =	vadd.f32 v19, v7;
	v8 =	vadd.f32 v43, v8  }
0x8a: {  	v36 =	vld [tilespmem:s28+$0x0];
	v9 =	vadd.f32 v45, v9;
	v19 =	vmul.f32 v31, v48;
	v62 =	vmul.f32 v34, v60  }
0x8b: {  	v41 =	vld [tilespmem:s28+$0x20];
	v10 =	vadd.f32 v47, v10;
	v35 =	vmul.f32 v14, v60;
	v37 =	vmul.f32 v18, v63  }
0x8c: {  	v30 =	vld [tilespmem:s28+$0x1A0];
	v11 =	vadd.f32 v50, v11;
	v38 =	vbroadcast v2, $0x2;
	v39 =	vmul.f32 v16, v63  }
0x8d: {  	v15 =	vld [tilespmem:s28+$0xFFFFFFE0];
	v40 =	vbroadcast v2, $0x3;
	v47 =	vbroadcast v2, $0x5;
	v4 =	vadd.f32 v52, v4  }
0x8e: {  	v32 =	vld [tilespmem:s28+$0xFFFFFFF0];
	v50 =	vbroadcast v2, $0x6;
	v5 =	vadd.f32 v19, v5;
	v6 =	vadd.f32 v53, v6  }
0x8f: {  	v18 =	vld [tilespmem:s28+$0x10];
	v7 =	vadd.f32 v56, v7;
	v8 =	vadd.f32 v57, v8;
	v42 =	vmul.f32 v20, v38  }
0x90: {  	v48 =	vld [tilespmem:s28+$0x60];
	v9 =	vadd.f32 v59, v9;
	v14 =	vmul.f32 v21, v38;
	v43 =	vmul.f32 v22, v40  }
0x91: {  	v60 =	vld [tilespmem:s28+$0xB0];
	v10 =	vadd.f32 v61, v10;
	v45 =	vmul.f32 v24, v40;
	v52 =	vmul.f32 v25, v47  }
0x92: {  	v63 =	vld [tilespmem:s28+$0xC0];
	v3 =	vadd.f32 v3, v11;
	v16 =	vmul.f32 v28, v47;
	v54 =	vmul.f32 v55, v50  }
0x93: {  	v19 =	vld [tilespmem:s28+$0xFFFFFFB0];
	v55 =	vbroadcast v2, $0x7;
	v4 =	vadd.f32 v62, v4;
	v5 =	vadd.f32 v35, v5  }
0x94: {  	v20 =	vld [tilespmem:s28+$0x30];
	v59 =	vbroadcast v2, $0x8;
	v6 =	vadd.f32 v37, v6;
	v7 =	vadd.f32 v39, v7  }
0x95: {  	v22 =	vld [tilespmem:s28+$0x40];
	v8 =	vadd.f32 v42, v8;
	v58 =	vmul.f32 v58, v55;
	v61 =	vmul.f32 v29, v55  }
0x96: {  	v53 =	vld [tilespmem:s28+$0x80];
	v9 =	vadd.f32 v14, v9;
	v62 =	vbroadcast v2, $0x9;
	v33 =	vmul.f32 v15, v59  }
0x97: {  	v56 =	vld [tilespmem:s28+$0x90];
	v10 =	vadd.f32 v43, v10;
	v34 =	vmul.f32 v32, v59;
	v37 =	vbroadcast v2, $0xA  }
0x98: {  	v38 =	vld [tilespmem:s28+$0xE0];
	v3 =	vadd.f32 v45, v3;
	v42 =	vbroadcast v2, $0xB;
	v29 =	vbroadcast v1, $0x1  }
0x99: {  	v40 =	vld [tilespmem:s28+$0xF0];
	v32 =	vbroadcast v1, $0x2;
	v48 =	vmul.f32 v48, v44;
	v4 =	vadd.f32 v46, v4  }
0x9a: {  	v47 =	vld [tilespmem:s28+$0x120];
	v5 =	vadd.f32 v49, v5;
	v6 =	vadd.f32 v52, v6;
	v36 =	vmul.f32 v36, v62  }
0x9b: {  	v25 =	vld [tilespmem:s28+$0x270];
	v7 =	vadd.f32 v16, v7;
	v39 =	vmul.f32 v18, v62;
	v41 =	vmul.f32 v41, v37  }
0x9c: {  	v14 =	vld [tilespmem:s28+$0x50];
	v8 =	vadd.f32 v54, v8;
	v49 =	vbroadcast v2, $0xD;
	v54 =	vbroadcast v2, $0xE  }
0x9d: {  	v35 =	vld [tilespmem:s28+$0xD0];
	v3 =	vadd.f32 v61, v3;
	v2 =	vbroadcast v2, $0xF;
	v61 =	vbroadcast v1, $0x0  }
0x9e: {  	v43 =	vld [tilespmem:s28+$0x100];
	v10 =	vadd.f32 v58, v10;
	v57 =	vmul.f32 v19, v50;
	v12 =	vmul.f32 v20, v37  }
0x9f: {  	v55 =	vld [tilespmem:s28+$0x150];
	v46 =	vmul.f32 v22, v42;
	v37 =	vbroadcast v1, $0x3;
	v4 =	vadd.f32 v33, v4  }
0xa0: {  	v45 =	vld [tilespmem:s28+$0x110];
	v5 =	vadd.f32 v34, v5;
	v6 =	vadd.f32 v36, v6;
	v53 =	vmul.f32 v53, v49  }
0xa1: {  	v16 =	vld [tilespmem:s28+$0xA0];
	v7 =	vadd.f32 v39, v7;
	v56 =	vmul.f32 v56, v49;
	v28 =	vmul.f32 v38, v61  }
0xa2: {  	v59 =	vld [tilespmem:s28+$0x170];
	v8 =	vadd.f32 v41, v8;
	v31 =	vmul.f32 v40, v61;
	v36 =	vmul.f32 v47, v32  }
0xa3: {  	v52 =	vld [tilespmem:s28+$0x140];
	v9 =	vadd.f32 v57, v9;
	v14 =	vmul.f32 v14, v42;
	v34 =	vmul.f32 v43, v29  }
0xa4: {  	v62 =	vld [tilespmem:s28+$0x180];
	v10 =	vadd.f32 v46, v10;
	v42 =	vbroadcast v1, $0x4;
	v44 =	vmul.f32 v55, v37  }
0xa5: {  	v50 =	vld [tilespmem:s28+$0x130];
	v55 =	vbroadcast v1, $0x7;
	v4 =	vadd.f32 v48, v4;
	v5 =	vadd.f32 v51, v5  }
0xa6: {  	v33 =	vld [tilespmem:s28+$0x1B0];
	v6 =	vadd.f32 v53, v6;
	v7 =	vadd.f32 v56, v7;
	v58 =	vmul.f32 v16, v54  }
0xa7: {  	v38 =	vld [tilespmem:s28+$0x1D0];
	v3 =	vadd.f32 v14, v3;
	v14 =	vmul.f32 v60, v54;
	v60 =	vmul.f32 v63, v2  }
0xa8: {  	v40 =	vld [tilespmem:s28+$0x1E0];
	v9 =	vadd.f32 v12, v9;
	v2 =	vmul.f32 v35, v2;
	v41 =	vmul.f32 v52, v37  }
0xa9: {  	v57 =	vld [tilespmem:s28+$0x160];
	v13 =	vmul.f32 v59, v42;
	v37 =	vbroadcast v1, $0xC;
	v4 =	vadd.f32 v28, v4  }
0xaa: {  	v61 =	vld [tilespmem:s28+$0x260];
	v6 =	vadd.f32 v34, v6;
	v39 =	vmul.f32 v50, v32;
	v50 =	vbroadcast v1, $0x6  }
0xab: {  	v43 =	vld [tilespmem:s28+$0x1F0];
	v32 =	vbroadcast v1, $0xB;
	v8 =	vadd.f32 v58, v8;
	v9 =	vadd.f32 v14, v9  }
0xac: {  	v51 =	vld [tilespmem:s28+$0x220];
	v10 =	vadd.f32 v60, v10;
	v14 =	vmul.f32 v45, v29;
	v45 =	vbroadcast v1, $0x5  }
0xad: {  	v53 =	vld [tilespmem:s28+$0x230];
	v2 =	vadd.f32 v2, v3;
	v58 =	vbroadcast v1, $0x8;
	v29 =	vbroadcast v1, $0xA  }
0xae: {  	v56 =	vld [tilespmem:s28+$0x240];
	v3 =	vadd.f32 v31, v5;
	v47 =	vmul.f32 v57, v42;
	v54 =	vmul.f32 v30, v50  }
0xaf: {  	v63 =	vld [tilespmem:s28+$0x190];
	v57 =	vmul.f32 v33, v50;
	v42 =	vbroadcast v1, $0xD;
	v7 =	vadd.f32 v14, v7  }
0xb0: {  	v35 =	vld [tilespmem:s28+$0x1C0];
	v49 =	vmul.f32 v62, v45;
	v3 =	vadd.f32 v13, v3;
	v13 =	vmul.f32 v38, v55  }
0xb1: {  	v59 =	vld [tilespmem:s28+$0x250];
	v5 =	vadd.f32 v36, v8;
	v62 =	vmul.f32 v40, v58;
	v26 =	vmul.f32 v43, v58  }
0xb2: {  	v27 =	vld [tilespmem:s28+$0x280];
	v9 =	vadd.f32 v39, v9;
	v34 =	vmul.f32 v51, v29;
	v12 =	vmul.f32 v53, v29  }
0xb3: {  	v46 =	vld [tilespmem:s28+$0x200];
	v8 =	vadd.f32 v41, v10;
	v36 =	vmul.f32 v56, v32;
	v41 =	vmul.f32 v61, v37  }
0xb4: {  	v48 =	vld [tilespmem:s28+$0x210];
	v2 =	vadd.f32 v44, v2;
	v44 =	vmul.f32 v25, v37;
	v52 =	vmul.f32 v63, v45  }
0xb5: {  	v30 =	vld [tilespmem:s28+$0x290];
	v4 =	vadd.f32 v47, v4;
	v60 =	vmul.f32 v35, v55;
	v63 =	vbroadcast v1, $0x9  }
0xb6: {  	v33 =	vld [tilespmem:s28+$0x2A0];
	v39 =	vmul.f32 v59, v32;
	v45 =	vbroadcast v1, $0xE;
	v6 =	vadd.f32 v49, v6  }
0xb7: {  	v38 =	vld [tilespmem:s28+$0x2C0];
	v47 =	vmul.f32 v27, v42;
	v5 =	vadd.f32 v54, v5;
	v9 =	vadd.f32 v57, v9  }
0xb8: {  	v40 =	vld [tilespmem:s28+$0x2D0];
	v1 =	vbroadcast v1, $0xF;
	v2 =	vadd.f32 v13, v2;
	v3 =	vadd.f32 v26, v3  }
0xb9: {  	v43 =	vld [tilespmem:s28+$0x2E0];
	v54 =	vbroadcast v0, $0x0;
	v0 =	vbroadcast v0, $0x1;
	v7 =	vadd.f32 v52, v7  }
0xba: {  	v51 =	vld [tilespmem:s28+$0x310];
	v8 =	vadd.f32 v60, v8;
	v4 =	vadd.f32 v62, v4;
	v28 =	vmul.f32 v46, v63  }
0xbb: {  	v35 =	vld [tilespmem:s28+$0x2B0];
	v31 =	vmul.f32 v48, v63;
	v5 =	vadd.f32 v34, v5;
	v9 =	vadd.f32 v12, v9  }
0xbc: {  	v48 =	vld [tilespmem:s28+$0x300];
	v2 =	vadd.f32 v39, v2;
	v3 =	vadd.f32 v44, v3;
	v49 =	vmul.f32 v30, v42  }
0xbd: {  	v46 =	vld [tilespmem:s28+$0x2F0];
	v50 =	vmul.f32 v33, v45;
	v6 =	vadd.f32 v28, v6;
	v7 =	vadd.f32 v31, v7  }
0xbe: {  	s3 =	sshra.s32 s24, $0x2;
	v8 =	vadd.f32 v36, v8;
	v4 =	vadd.f32 v41, v4;
	v53 =	vmul.f32 v38, v1  }
0xbf: {  	v55 =	vld [tilespmem:s3+$0x400];
	v1 =	vmul.f32 v40, v1;
	v56 =	vmul.f32 v43, v54;
	v5 =	vadd.f32 v50, v5  }
0xc0: {  	v52 =	vmul.f32 v35, v45;
	v6 =	vadd.f32 v47, v6;
	v7 =	vadd.f32 v49, v7  }
0xc1: {  	v8 =	vadd.f32 v53, v8;
	v1 =	vadd.f32 v1, v2;
	v57 =	vmul.f32 v48, v0  }
0xc2: {  	v4 =	vadd.f32 v56, v4;
	v58 =	vmul.f32 v46, v54;
	v0 =	vmul.f32 v51, v0  }
0xc3: {  	v9 =	vadd.f32 v52, v9;
	v6 =	vadd.f32 v57, v6  }
0xc4: {  	[tilespmem:s26+$0xFFFFFFD0] =	vst v55;
	v2 =	vadd.f32 v58, v3;
	v0 =	vadd.f32 v0, v7  }
0xc5: {  	v61 =	vld [tilespmem:s3+$0x410];
	v60 =	vadd.f32 v8, v5;
	v59 =	vadd.f32 v6, v4  }
0xc6: {  	v1 =	vadd.f32 v1, v9;
	v0 =	vadd.f32 v0, v2  }
0xc7: {  	v62 =	vadd.f32 v59, v60  }
0xc8: {  	v0 =	vadd.f32 v0, v1  }
0xc9: {  	v63 =	vmul.f32 $1.999999960e-02, v62  }
0xca: {  	[tilespmem:s26+$0xFFFFFFE0] =	vst v61;
	v0 =	vmul.f32 $1.999999960e-02, v0  }
0xcb: {  	[tilespmem:s26+$0xFFFFFFF0] =	vst v63  }
0xcc: {  	[tilespmem:s26+$0x0] =	vst v0  }
0xcd: {  	v0 =	vld [tilespmem:s3+$0xC00];
	_ =	sdelay $0x4  }
0xce: {  	[tilespmem:s26+$0x10] =	vst v0  }
0xcf: {  	p1 =	sne.s32 s24, $0xF80;
	v0 =	vld [tilespmem:s3+$0xC10]  }
.Ltmp2:
0xd0: {  	_ = 	snop;
	(pc) =	sbr.rel @p1 .LBB2_3-.Ltmp2, $3  }
0xd1: {  	_ =	sdelay $0x1  }
0xd2: {  	s30 =	sadd.s32 $0x40, s30  }
0xd3: {  	s24 =	sadd.s32 $0x80, s24;
	s28 =	sadd.s32 $0x640, s28;
	[tilespmem:s26+$0x20] =	vst v0;
	s26 =	sadd.s32 $0x60, s26  }
0xd4: {  	p1 =	sne.s32 s12, $0x7  }
.Ltmp3:
0xd5: {  	s3 =	sadd.s32 s6, s21;
	(pc) =	sbr.rel @p1 .LBB2_6-.Ltmp3, $3  }
0xd6: {  	s3 =	smul.u32 $0xC, s3;
	_ =	sdelay $0x1  }
0xd7: {  	s3 =	sadd.s32 s4, s3  }
0xd8: {  	[hbm4b:s3+s5] =	stream.linear.scatter [tilespmem:s11], [sflag:$0x5], $0xC00, $0x38;
	[tilespmem:$0x1D880] =	vst v63  }
0xd9: {  	_ =	swait.ge [sflag:s15], $0xC800  }
0xda: {  	[sflag:s15] =	ssyncset.done $0x0  }
0xdb: {  	[sflag:s15] =	ssyncadd.s32 $0xFFFF3800  }
0xdc: {  	_ =	swait.ge [sflag:s15], $0x400  }
.Ltmp4:
0xdd: {  	[sflag:s15] =	ssyncset.done $0x0;
	(pc) =	sbr.rel .LBB2_7-.Ltmp4, $4  }
0xde: {  	[sflag:s15] =	ssyncadd.s32 $0xFFFFFC00  }
0xdf: {  	_ =	swait.ge [sflag:s15], $0x400  }
0xe0: {  	[sflag:s15] =	ssyncset.done $0x0  }
0xe1: {  	[sflag:s15] =	ssyncadd.s32 $0xFFFFFC00  }
.LBB2_6:
0xe2: {  	s3 =	sadd.s32 $0x2, s18  }
0xe3: {  	s21 =	smul.u32 $0x640, s3;
	_ =	sdelay $0x1  }
0xe4: {  	s24 =	sshll.u32 s3, $0xB;
	s21 =	sadd.s32 s8, s21  }
0xe5: {  	s24 =	sadd.s32 s14, s24;
	s21 =	sshrl.u32 s21, $0x3  }
0xe6: {  	s28 =	sshrl.u32 s24, $0x3;
	s21 =	sadd.s32 s1, s21  }
0xe7: {  	[tilespmem:s20], [sflag:$0x3] =	stream.linear.gather [hbm4b:s21+s5], $0x640, $0x38;
	[tilespmem:$0x1D880] =	vst v63  }
0xe8: {  	s30 =	simm.s32 $0x2080;
	s21 =	sadd.s32 s2, s28  }
0xe9: {  	[tilespmem:s30], [sflag:$0x3] =	stream.linear.gather [hbm4b:s21+s5], $0x800, $0x38;
	[tilespmem:$0x1D880] =	vst v63  }
0xea: {  	_ =	swait.ge [sflag:s15], $0xC800  }
0xeb: {  	[sflag:s15] =	ssyncset.done $0x0  }
0xec: {  	[sflag:s15] =	ssyncadd.s32 $0xFFFF3800  }
0xed: {  	_ =	swait.ge [sflag:s15], $0x400  }
0xee: {  	[sflag:s15] =	ssyncset.done $0x0  }
0xef: {  	[sflag:s15] =	ssyncadd.s32 $0xFFFFFC00  }
0xf0: {  	_ =	swait.ge [sflag:s15], $0x400  }
0xf1: {  	[sflag:s15] =	ssyncset.done $0x0  }
0xf2: {  	[sflag:s15] =	ssyncadd.s32 $0xFFFFFC00  }
0xf3: {  	_ =	swait.ge [sflag:s22], $0x640  }
0xf4: {  	[sflag:s22] =	ssyncset.done $0x0  }
0xf5: {  	[sflag:s22] =	ssyncadd.s32 $0xFFFFF9C0  }
0xf6: {  	_ =	swait.ge [sflag:s22], $0x800  }
0xf7: {  	[sflag:s22] =	ssyncset.done $0x0  }
0xf8: {  	s26 =	simm.s32 $0x3080;
	[sflag:s22] =	ssyncadd.s32 $0xFFFFF800  }
0xf9: {  	[tilespmem:s26], [sflag:$0x1] =	stream.indirect.gather [hbm4b:s9+s23], $0x20, s20, s23, $0xb8;
	[tilespmem:$0x1D880] =	vst v63  }
.Ltmp5:
0xfa: {  	_ = 	snop;
	(pc) =	sbr.rel @p0 .LBB2_8-.Ltmp5, $4  }
0xfb: {  	s3 =	sshll.u32 s3, $0x5;
	s28 =	simm.s32 $0x400  }
0xfc: {  	[tilespmem:s28], [sflag:$0x1] =	stream.indirect.gather [hbm4b:s7+s25], $0x20, s3, s25, $0xb8;
	[tilespmem:$0x1D880] =	vst v63  }
0xfd: {  	s30 =	simm.s32 $0xC00;
	s3 =	sadd.s32 $0x200, s3  }
0xfe: {  	[tilespmem:s30], [sflag:$0x1] =	stream.indirect.gather [hbm4b:s9+s25], $0x20, s3, s25, $0xb8;
	[tilespmem:$0x1D880] =	vst v63  }
.LBB2_7:
0xff: {  	_ =	swait.ge [sflag:s16], $0xC00  }
0x100: {  	[sflag:s16] =	ssyncset.done $0x0  }
0x101: {  	[sflag:s16] =	ssyncadd.s32 $0xFFFFF400  }
.LBB2_8:
0x102: {  	s21 =	simm.s32 $0x0  }
0x103: {  	s24 =	simm.s32 $0x1CCB0;
	s26 =	simm.s32 $0xFBA0;
	s28 =	simm.s32 $0x28A0  }
.LBB2_9:
0x104: {  	v3 =	vld [tilespmem:s28+$0xFFFFFFE0]  }
0x105: {  	v2 =	vld [tilespmem:s28+$0xFFFFFFF0]  }
0x106: {  	v1 =	vld [tilespmem:s28+$0x0]  }
0x107: {  	v0 =	vld [tilespmem:s28+$0x10]  }
0x108: {  	v4 =	vld [tilespmem:s26+$0xFFFFFCE0]  }
0x109: {  	v5 =	vld [tilespmem:s26+$0xFFFFFCF0]  }
0x10a: {  	v6 =	vld [tilespmem:s26+$0xFFFFFD00]  }
0x10b: {  	v7 =	vld [tilespmem:s26+$0xFFFFFD10]  }
0x10c: {  	v8 =	vld [tilespmem:s26+$0xFFFFFD20]  }
0x10d: {  	v9 =	vld [tilespmem:s26+$0xFFFFFD30]  }
0x10e: {  	v10 =	vld [tilespmem:s26+$0xFFFFFD40]  }
0x10f: {  	v11 =	vld [tilespmem:s26+$0xFFFFFD50]  }
0x110: {  	v12 =	vld [tilespmem:s26+$0xFFFFFD60]  }
0x111: {  	v13 =	vld [tilespmem:s26+$0xFFFFFD70]  }
0x112: {  	v14 =	vld [tilespmem:s26+$0xFFFFFD80]  }
0x113: {  	v15 =	vld [tilespmem:s26+$0xFFFFFD90]  }
0x114: {  	v16 =	vld [tilespmem:s26+$0xFFFFFDA0]  }
0x115: {  	v17 =	vld [tilespmem:s26+$0xFFFFFDB0]  }
0x116: {  	v18 =	vld [tilespmem:s26+$0xFFFFFDC0]  }
0x117: {  	v19 =	vld [tilespmem:s26+$0xFFFFFDD0]  }
0x118: {  	v20 =	vld [tilespmem:s26+$0xFFFFFDE0];
	v25 =	vbroadcast v3, $0x0  }
0x119: {  	v21 =	vld [tilespmem:s26+$0xFFFFFDF0];
	v27 =	vbroadcast v3, $0x1;
	v29 =	vbroadcast v3, $0x2  }
0x11a: {  	v22 =	vld [tilespmem:s26+$0xFFFFFE00];
	v55 =	vbroadcast v3, $0x3;
	v32 =	vbroadcast v3, $0x4  }
0x11b: {  	v23 =	vld [tilespmem:s26+$0xFFFFFE10];
	v34 =	vbroadcast v3, $0x5;
	v58 =	vbroadcast v3, $0x6  }
0x11c: {  	v24 =	vld [tilespmem:s26+$0xFFFFFE20];
	v61 =	vbroadcast v3, $0x7;
	v36 =	vbroadcast v3, $0x8  }
0x11d: {  	v26 =	vld [tilespmem:s26+$0xFFFFFE30];
	v39 =	vbroadcast v3, $0x9;
	v41 =	vbroadcast v3, $0xA  }
0x11e: {  	v28 =	vld [tilespmem:s26+$0xFFFFFE40];
	v44 =	vbroadcast v3, $0xB;
	v48 =	vbroadcast v3, $0xC  }
0x11f: {  	v54 =	vld [tilespmem:s26+$0xFFFFFE50];
	v51 =	vbroadcast v3, $0xD;
	v4 =	vmul.f32 v4, v25  }
0x120: {  	v30 =	vld [tilespmem:s26+$0xFFFFFE60];
	v5 =	vmul.f32 v5, v25;
	v6 =	vmul.f32 v6, v27  }
0x121: {  	v31 =	vld [tilespmem:s26+$0xFFFFFE70];
	v7 =	vmul.f32 v7, v27;
	v8 =	vmul.f32 v8, v29  }
0x122: {  	v33 =	vld [tilespmem:s26+$0xFFFFFE80];
	v9 =	vmul.f32 v9, v29;
	v10 =	vmul.f32 v10, v55  }
0x123: {  	v56 =	vld [tilespmem:s26+$0xFFFFFE90];
	v12 =	vmul.f32 v12, v32;
	v11 =	vmul.f32 v11, v55  }
0x124: {  	v35 =	vld [tilespmem:s26+$0xFFFFFEA0];
	v13 =	vmul.f32 v13, v32;
	v57 =	vmul.f32 v14, v34  }
0x125: {  	v46 =	vld [tilespmem:s26+$0xFFFFFF60];
	v59 =	vmul.f32 v15, v34;
	v60 =	vmul.f32 v16, v58  }
0x126: {  	v49 =	vld [tilespmem:s26+$0xFFFFFF70];
	v62 =	vmul.f32 v17, v58;
	v63 =	vmul.f32 v18, v61  }
0x127: {  	v27 =	vld [tilespmem:s26+$0xFFFFFEB0];
	v37 =	vmul.f32 v19, v61;
	v38 =	vmul.f32 v20, v36  }
0x128: {  	v32 =	vld [tilespmem:s26+$0xFFFFFEC0];
	v40 =	vmul.f32 v21, v36;
	v42 =	vmul.f32 v22, v39  }
0x129: {  	v15 =	vld [tilespmem:s26+$0xFFFFFED0];
	v19 =	vmul.f32 v23, v39;
	v43 =	vmul.f32 v24, v41  }
0x12a: {  	v34 =	vld [tilespmem:s26+$0xFFFFFEE0];
	v45 =	vmul.f32 v26, v41;
	v47 =	vmul.f32 v28, v44  }
0x12b: {  	v14 =	vld [tilespmem:s26+$0xFFFFFEF0];
	v50 =	vmul.f32 v54, v44;
	v52 =	vmul.f32 v30, v48  }
0x12c: {  	v18 =	vld [tilespmem:s26+$0xFFFFFF00];
	v53 =	vmul.f32 v33, v51;
	v54 =	vbroadcast v3, $0xE;
	v4 =	vadd.f32 $0.0e+00, v4  }
0x12d: {  	v16 =	vld [tilespmem:s26+$0xFFFFFF10];
	v56 =	vmul.f32 v56, v51;
	v5 =	vadd.f32 $0.0e+00, v5;
	v6 =	vadd.f32 $0.0e+00, v6  }
0x12e: {  	v20 =	vld [tilespmem:s26+$0xFFFFFF20];
	v44 =	vbroadcast v2, $0x4;
	v7 =	vadd.f32 $0.0e+00, v7;
	v8 =	vadd.f32 $0.0e+00, v8  }
0x12f: {  	v21 =	vld [tilespmem:s26+$0xFFFFFF30];
	v3 =	vbroadcast v3, $0xF;
	v9 =	vadd.f32 $0.0e+00, v9;
	v10 =	vadd.f32 $0.0e+00, v10  }
0x130: {  	v22 =	vld [tilespmem:s26+$0xFFFFFF40];
	v11 =	vadd.f32 $0.0e+00, v11;
	v46 =	vmul.f32 v46, v44;
	v4 =	vadd.f32 v12, v4  }
0x131: {  	v24 =	vld [tilespmem:s26+$0xFFFFFF50];
	v49 =	vmul.f32 v49, v44;
	v5 =	vadd.f32 v13, v5;
	v6 =	vadd.f32 v57, v6  }
0x132: {  	v51 =	vld [tilespmem:s26+$0x70];
	v44 =	vbroadcast v2, $0xC;
	v7 =	vadd.f32 v59, v7;
	v8 =	vadd.f32 v60, v8  }
0x133: {  	v25 =	vld [tilespmem:s26+$0xFFFFFF80];
	v9 =	vadd.f32 v62, v9;
	v10 =	vadd.f32 v63, v10;
	v57 =	vmul.f32 v35, v54  }
0x134: {  	v28 =	vld [tilespmem:s26+$0xFFFFFF90];
	v11 =	vadd.f32 v37, v11;
	v60 =	vbroadcast v2, $0x0;
	v63 =	vbroadcast v2, $0x1  }
0x135: {  	v55 =	vld [tilespmem:s26+$0xFFFFFFA0];
	v59 =	vmul.f32 v27, v54;
	v61 =	vmul.f32 v32, v3;
	v4 =	vadd.f32 v38, v4  }
0x136: {  	v58 =	vld [tilespmem:s26+$0xFFFFFFC0];
	v3 =	vmul.f32 v15, v3;
	v5 =	vadd.f32 v40, v5;
	v6 =	vadd.f32 v42, v6  }
0x137: {  	v29 =	vld [tilespmem:s26+$0xFFFFFFD0];
	v51 =	vmul.f32 v51, v44;
	v7 =	vadd.f32 v19, v7;
	v8 =	vadd.f32 v43, v8  }
0x138: {  	v36 =	vld [tilespmem:s26+$0x0];
	v9 =	vadd.f32 v45, v9;
	v19 =	vmul.f32 v31, v48;
	v62 =	vmul.f32 v34, v60  }
0x139: {  	v41 =	vld [tilespmem:s26+$0x20];
	v10 =	vadd.f32 v47, v10;
	v35 =	vmul.f32 v14, v60;
	v37 =	vmul.f32 v18, v63  }
0x13a: {  	v30 =	vld [tilespmem:s26+$0x1A0];
	v11 =	vadd.f32 v50, v11;
	v38 =	vbroadcast v2, $0x2;
	v39 =	vmul.f32 v16, v63  }
0x13b: {  	v15 =	vld [tilespmem:s26+$0xFFFFFFE0];
	v40 =	vbroadcast v2, $0x3;
	v47 =	vbroadcast v2, $0x5;
	v4 =	vadd.f32 v52, v4  }
0x13c: {  	v32 =	vld [tilespmem:s26+$0xFFFFFFF0];
	v50 =	vbroadcast v2, $0x6;
	v5 =	vadd.f32 v19, v5;
	v6 =	vadd.f32 v53, v6  }
0x13d: {  	v18 =	vld [tilespmem:s26+$0x10];
	v7 =	vadd.f32 v56, v7;
	v8 =	vadd.f32 v57, v8;
	v42 =	vmul.f32 v20, v38  }
0x13e: {  	v48 =	vld [tilespmem:s26+$0x60];
	v9 =	vadd.f32 v59, v9;
	v14 =	vmul.f32 v21, v38;
	v43 =	vmul.f32 v22, v40  }
0x13f: {  	v60 =	vld [tilespmem:s26+$0xB0];
	v10 =	vadd.f32 v61, v10;
	v45 =	vmul.f32 v24, v40;
	v52 =	vmul.f32 v25, v47  }
0x140: {  	v63 =	vld [tilespmem:s26+$0xC0];
	v3 =	vadd.f32 v3, v11;
	v16 =	vmul.f32 v28, v47;
	v54 =	vmul.f32 v55, v50  }
0x141: {  	v19 =	vld [tilespmem:s26+$0xFFFFFFB0];
	v55 =	vbroadcast v2, $0x7;
	v4 =	vadd.f32 v62, v4;
	v5 =	vadd.f32 v35, v5  }
0x142: {  	v20 =	vld [tilespmem:s26+$0x30];
	v59 =	vbroadcast v2, $0x8;
	v6 =	vadd.f32 v37, v6;
	v7 =	vadd.f32 v39, v7  }
0x143: {  	v22 =	vld [tilespmem:s26+$0x40];
	v8 =	vadd.f32 v42, v8;
	v58 =	vmul.f32 v58, v55;
	v61 =	vmul.f32 v29, v55  }
0x144: {  	v53 =	vld [tilespmem:s26+$0x80];
	v9 =	vadd.f32 v14, v9;
	v62 =	vbroadcast v2, $0x9;
	v33 =	vmul.f32 v15, v59  }
0x145: {  	v56 =	vld [tilespmem:s26+$0x90];
	v10 =	vadd.f32 v43, v10;
	v34 =	vmul.f32 v32, v59;
	v37 =	vbroadcast v2, $0xA  }
0x146: {  	v38 =	vld [tilespmem:s26+$0xE0];
	v3 =	vadd.f32 v45, v3;
	v42 =	vbroadcast v2, $0xB;
	v29 =	vbroadcast v1, $0x1  }
0x147: {  	v40 =	vld [tilespmem:s26+$0xF0];
	v32 =	vbroadcast v1, $0x2;
	v48 =	vmul.f32 v48, v44;
	v4 =	vadd.f32 v46, v4  }
0x148: {  	v47 =	vld [tilespmem:s26+$0x120];
	v5 =	vadd.f32 v49, v5;
	v6 =	vadd.f32 v52, v6;
	v36 =	vmul.f32 v36, v62  }
0x149: {  	v25 =	vld [tilespmem:s26+$0x270];
	v7 =	vadd.f32 v16, v7;
	v39 =	vmul.f32 v18, v62;
	v41 =	vmul.f32 v41, v37  }
0x14a: {  	v14 =	vld [tilespmem:s26+$0x50];
	v8 =	vadd.f32 v54, v8;
	v49 =	vbroadcast v2, $0xD;
	v54 =	vbroadcast v2, $0xE  }
0x14b: {  	v35 =	vld [tilespmem:s26+$0xD0];
	v3 =	vadd.f32 v61, v3;
	v2 =	vbroadcast v2, $0xF;
	v61 =	vbroadcast v1, $0x0  }
0x14c: {  	v43 =	vld [tilespmem:s26+$0x100];
	v10 =	vadd.f32 v58, v10;
	v57 =	vmul.f32 v19, v50;
	v12 =	vmul.f32 v20, v37  }
0x14d: {  	v55 =	vld [tilespmem:s26+$0x150];
	v46 =	vmul.f32 v22, v42;
	v37 =	vbroadcast v1, $0x3;
	v4 =	vadd.f32 v33, v4  }
0x14e: {  	v45 =	vld [tilespmem:s26+$0x110];
	v5 =	vadd.f32 v34, v5;
	v6 =	vadd.f32 v36, v6;
	v53 =	vmul.f32 v53, v49  }
0x14f: {  	v16 =	vld [tilespmem:s26+$0xA0];
	v7 =	vadd.f32 v39, v7;
	v56 =	vmul.f32 v56, v49;
	v28 =	vmul.f32 v38, v61  }
0x150: {  	v59 =	vld [tilespmem:s26+$0x170];
	v8 =	vadd.f32 v41, v8;
	v31 =	vmul.f32 v40, v61;
	v36 =	vmul.f32 v47, v32  }
0x151: {  	v52 =	vld [tilespmem:s26+$0x140];
	v9 =	vadd.f32 v57, v9;
	v14 =	vmul.f32 v14, v42;
	v34 =	vmul.f32 v43, v29  }
0x152: {  	v62 =	vld [tilespmem:s26+$0x180];
	v10 =	vadd.f32 v46, v10;
	v42 =	vbroadcast v1, $0x4;
	v44 =	vmul.f32 v55, v37  }
0x153: {  	v50 =	vld [tilespmem:s26+$0x130];
	v55 =	vbroadcast v1, $0x7;
	v4 =	vadd.f32 v48, v4;
	v5 =	vadd.f32 v51, v5  }
0x154: {  	v33 =	vld [tilespmem:s26+$0x1B0];
	v6 =	vadd.f32 v53, v6;
	v7 =	vadd.f32 v56, v7;
	v58 =	vmul.f32 v16, v54  }
0x155: {  	v38 =	vld [tilespmem:s26+$0x1D0];
	v3 =	vadd.f32 v14, v3;
	v14 =	vmul.f32 v60, v54;
	v60 =	vmul.f32 v63, v2  }
0x156: {  	v40 =	vld [tilespmem:s26+$0x1E0];
	v9 =	vadd.f32 v12, v9;
	v2 =	vmul.f32 v35, v2;
	v41 =	vmul.f32 v52, v37  }
0x157: {  	v57 =	vld [tilespmem:s26+$0x160];
	v13 =	vmul.f32 v59, v42;
	v37 =	vbroadcast v1, $0xC;
	v4 =	vadd.f32 v28, v4  }
0x158: {  	v61 =	vld [tilespmem:s26+$0x260];
	v6 =	vadd.f32 v34, v6;
	v39 =	vmul.f32 v50, v32;
	v50 =	vbroadcast v1, $0x6  }
0x159: {  	v43 =	vld [tilespmem:s26+$0x1F0];
	v32 =	vbroadcast v1, $0xB;
	v8 =	vadd.f32 v58, v8;
	v9 =	vadd.f32 v14, v9  }
0x15a: {  	v51 =	vld [tilespmem:s26+$0x220];
	v10 =	vadd.f32 v60, v10;
	v14 =	vmul.f32 v45, v29;
	v45 =	vbroadcast v1, $0x5  }
0x15b: {  	v53 =	vld [tilespmem:s26+$0x230];
	v2 =	vadd.f32 v2, v3;
	v58 =	vbroadcast v1, $0x8;
	v29 =	vbroadcast v1, $0xA  }
0x15c: {  	v56 =	vld [tilespmem:s26+$0x240];
	v3 =	vadd.f32 v31, v5;
	v47 =	vmul.f32 v57, v42;
	v54 =	vmul.f32 v30, v50  }
0x15d: {  	v63 =	vld [tilespmem:s26+$0x190];
	v57 =	vmul.f32 v33, v50;
	v42 =	vbroadcast v1, $0xD;
	v7 =	vadd.f32 v14, v7  }
0x15e: {  	v35 =	vld [tilespmem:s26+$0x1C0];
	v49 =	vmul.f32 v62, v45;
	v3 =	vadd.f32 v13, v3;
	v13 =	vmul.f32 v38, v55  }
0x15f: {  	v59 =	vld [tilespmem:s26+$0x250];
	v5 =	vadd.f32 v36, v8;
	v62 =	vmul.f32 v40, v58;
	v26 =	vmul.f32 v43, v58  }
0x160: {  	v27 =	vld [tilespmem:s26+$0x280];
	v9 =	vadd.f32 v39, v9;
	v34 =	vmul.f32 v51, v29;
	v12 =	vmul.f32 v53, v29  }
0x161: {  	v46 =	vld [tilespmem:s26+$0x200];
	v8 =	vadd.f32 v41, v10;
	v36 =	vmul.f32 v56, v32;
	v41 =	vmul.f32 v61, v37  }
0x162: {  	v48 =	vld [tilespmem:s26+$0x210];
	v2 =	vadd.f32 v44, v2;
	v44 =	vmul.f32 v25, v37;
	v52 =	vmul.f32 v63, v45  }
0x163: {  	v30 =	vld [tilespmem:s26+$0x290];
	v4 =	vadd.f32 v47, v4;
	v60 =	vmul.f32 v35, v55;
	v63 =	vbroadcast v1, $0x9  }
0x164: {  	v33 =	vld [tilespmem:s26+$0x2A0];
	v39 =	vmul.f32 v59, v32;
	v45 =	vbroadcast v1, $0xE;
	v6 =	vadd.f32 v49, v6  }
0x165: {  	v38 =	vld [tilespmem:s26+$0x2C0];
	v47 =	vmul.f32 v27, v42;
	v5 =	vadd.f32 v54, v5;
	v9 =	vadd.f32 v57, v9  }
0x166: {  	v40 =	vld [tilespmem:s26+$0x2D0];
	v1 =	vbroadcast v1, $0xF;
	v2 =	vadd.f32 v13, v2;
	v3 =	vadd.f32 v26, v3  }
0x167: {  	v43 =	vld [tilespmem:s26+$0x2E0];
	v54 =	vbroadcast v0, $0x0;
	v0 =	vbroadcast v0, $0x1;
	v7 =	vadd.f32 v52, v7  }
0x168: {  	v51 =	vld [tilespmem:s26+$0x310];
	v8 =	vadd.f32 v60, v8;
	v4 =	vadd.f32 v62, v4;
	v28 =	vmul.f32 v46, v63  }
0x169: {  	v35 =	vld [tilespmem:s26+$0x2B0];
	v31 =	vmul.f32 v48, v63;
	v5 =	vadd.f32 v34, v5;
	v9 =	vadd.f32 v12, v9  }
0x16a: {  	v48 =	vld [tilespmem:s26+$0x300];
	v2 =	vadd.f32 v39, v2;
	v3 =	vadd.f32 v44, v3;
	v49 =	vmul.f32 v30, v42  }
0x16b: {  	v46 =	vld [tilespmem:s26+$0x2F0];
	v50 =	vmul.f32 v33, v45;
	v6 =	vadd.f32 v28, v6;
	v7 =	vadd.f32 v31, v7  }
0x16c: {  	s3 =	sshra.s32 s21, $0x2;
	v8 =	vadd.f32 v36, v8;
	v4 =	vadd.f32 v41, v4;
	v53 =	vmul.f32 v38, v1  }
0x16d: {  	v55 =	vld [tilespmem:s3+$0x800];
	v1 =	vmul.f32 v40, v1;
	v56 =	vmul.f32 v43, v54;
	v5 =	vadd.f32 v50, v5  }
0x16e: {  	v52 =	vmul.f32 v35, v45;
	v6 =	vadd.f32 v47, v6;
	v7 =	vadd.f32 v49, v7  }
0x16f: {  	v8 =	vadd.f32 v53, v8;
	v1 =	vadd.f32 v1, v2;
	v57 =	vmul.f32 v48, v0  }
0x170: {  	v4 =	vadd.f32 v56, v4;
	v58 =	vmul.f32 v46, v54;
	v0 =	vmul.f32 v51, v0  }
0x171: {  	v9 =	vadd.f32 v52, v9;
	v6 =	vadd.f32 v57, v6  }
0x172: {  	[tilespmem:s24+$0xFFFFFFD0] =	vst v55;
	v2 =	vadd.f32 v58, v3;
	v0 =	vadd.f32 v0, v7  }
0x173: {  	v61 =	vld [tilespmem:s3+$0x810];
	v60 =	vadd.f32 v8, v5;
	v59 =	vadd.f32 v6, v4  }
0x174: {  	v1 =	vadd.f32 v1, v9;
	v0 =	vadd.f32 v0, v2  }
0x175: {  	v62 =	vadd.f32 v59, v60  }
0x176: {  	v0 =	vadd.f32 v0, v1  }
0x177: {  	v63 =	vmul.f32 $1.999999960e-02, v62  }
0x178: {  	[tilespmem:s24+$0xFFFFFFE0] =	vst v61;
	v0 =	vmul.f32 $1.999999960e-02, v0  }
0x179: {  	[tilespmem:s24+$0xFFFFFFF0] =	vst v63  }
0x17a: {  	[tilespmem:s24+$0x0] =	vst v0  }
0x17b: {  	v0 =	vld [tilespmem:s3+$0x1000];
	_ =	sdelay $0x4  }
0x17c: {  	[tilespmem:s24+$0x10] =	vst v0  }
0x17d: {  	p0 =	sne.s32 s21, $0xF80;
	v0 =	vld [tilespmem:s3+$0x1010]  }
.Ltmp6:
0x17e: {  	_ = 	snop;
	(pc) =	sbr.rel @p0 .LBB2_9-.Ltmp6, $3  }
0x17f: {  	_ =	sdelay $0x1  }
0x180: {  	s28 =	sadd.s32 $0x40, s28  }
0x181: {  	s21 =	sadd.s32 $0x80, s21;
	s26 =	sadd.s32 $0x640, s26;
	[tilespmem:s24+$0x20] =	vst v0;
	s24 =	sadd.s32 $0x60, s24  }
0x182: {  	p0 =	seq.s32 s12, $0x7  }
.Ltmp7:
0x183: {  	s3 =	sadd.s32 s6, s13;
	(pc) =	sbr.rel @p0 .LBB2_12-.Ltmp7, $3  }
0x184: {  	s3 =	smul.u32 $0xC, s3;
	_ =	sdelay $0x1  }
0x185: {  	s3 =	sadd.s32 s4, s3  }
0x186: {  	[hbm4b:s3+s5] =	stream.linear.scatter [tilespmem:s17], [sflag:$0x6], $0xC00, $0x38;
	[tilespmem:$0x1D880] =	vst v63  }
0x187: {  	s3 =	sadd.s32 $0x3, s18  }
0x188: {  	s13 =	smul.u32 $0x640, s3;
	_ =	sdelay $0x1  }
0x189: {  	s3 =	sshll.u32 s3, $0xB;
	s13 =	sadd.s32 s8, s13  }
.Ltmp8:
0x18a: {  	s3 =	sadd.s32 s14, s3;
	s13 =	sshrl.u32 s13, $0x3;
	(pc) =	sbr.rel .LBB2_2-.Ltmp8, $4  }
0x18b: {  	s3 =	sshrl.u32 s3, $0x3;
	s13 =	sadd.s32 s1, s13  }
0x18c: {  	[tilespmem:s29], [sflag:$0x4] =	stream.linear.gather [hbm4b:s13+s5], $0x640, $0x38;
	[tilespmem:$0x1D880] =	vst v63  }
0x18d: {  	s30 =	simm.s32 $0x2880;
	s12 =	sadd.s32 $0x1, s12;
	s3 =	sadd.s32 s2, s3  }
0x18e: {  	[tilespmem:s30], [sflag:$0x4] =	stream.linear.gather [hbm4b:s3+s5], $0x800, $0x38;
	[tilespmem:$0x1D880] =	vst v63  }
.LBB2_13:
0x18f: {  	_ =	sfence.sel $0x180000  }
0x190: {  	[bflag:$0x0] =	sbarrier.arrive $0xFFFF  }
0x191: {  	_ =	strace $0x90000047  }
0x192: {  	s0 =	stileid.u32;
	[bflag:$0x2] =	sbarrier.arrive $0xFFFF  }
0x193: {  	p0 =	sne.s32 s0, $0x0;
	s0 =	rddreg [dreg:$0x6]  }
0x194: {  	s0 =	sadd.s32 @!p0 $0x100000, s0  }
0x195: {  	[sflag:s0] =	ssyncadd.tile.s32 @!p0 $0x1;
	_ =	shalt  }
.Lfunc_end2:
_tile_overlayer_lowered:
.L_overlay_start_2:
0x196: {  	(tag) =	ssettag $0x2  }
0x197: {  	s0 =	rddreg [dreg:$0x0];
	s2 =	stileid.u32  }
0x198: {  	s1 =	rddreg [dreg:$0x1];
	p0 =	sne.s32 s2, $0x0  }
0x199: {  	s3 =	rddreg [dreg:$0x2];
	[bflag:$0x3] =	sbarrier.arrive $0xFFFF;
	s2 =	simm.s32 @!p0 $0x1C07  }
0x19a: {  	[timem:s3], [sflag:s2] =	dma.local @!p0 [hbm:s0], s1  }
0x19b: {  	s0 =	simm.s32 @!p0 $0x7  }
0x19c: {  	_ =	swait.ge @!p0 [sflag:s0], s1  }
0x19d: {  	s1 =	ssub.s32 @!p0 $0x0, s1;
	[sflag:s0] =	ssyncset.done @!p0 $0x0  }
0x19e: {  	[sflag:s0] =	ssyncadd.s32 @!p0 s1  }
0x19f: {  	[bflag:$0x3] =	sbarrier.arrive $0xFFFF  }
0x1a0: {  	_ =	shalt  }

</sc_bundles>
